<compile_context>
chip_gen: v7x
topology: tpu7x:2x2x1
jax: 0.10.2.dev20260603
libtpu: 0.0.44.dev20260713+nightly
codegen_flags: <defaults>
</compile_context>

<pallas_src>
import functools

import jax
import jax.numpy as jnp
from jax import lax
from jax.experimental import pallas as pl
from jax.experimental.pallas import tpu as pltpu
from jax.experimental.pallas import tpu_sc as plsc

NC = 2
NS = 16
NW = NC * NS
CHUNK = 64


def _worker_id():
    return lax.axis_index("s") * NC + lax.axis_index("c")



ZROWS = 128


def _zero_acc(zeros_hbm, zbuf_v, acc_sh, sid, rows_per_sub):
    pltpu.sync_copy(zeros_hbm, zbuf_v)
    for k in range(rows_per_sub // ZROWS):
        pltpu.sync_copy(
            zbuf_v, acc_sh.at[pl.ds(sid * rows_per_sub + k * ZROWS, ZROWS)])


@functools.lru_cache(maxsize=None)
def _make_sc_deg(n_chunks, N_pad, W16):
    rows_per_sub = N_pad // NS
    mesh = plsc.VectorSubcoreMesh(core_axis_name="c", subcore_axis_name="s")

    @functools.partial(
        pl.kernel, mesh=mesh,
        out_type=jax.ShapeDtypeStruct((NC, N_pad, W16), jnp.float32),
        scratch_types=[
            pltpu.VMEM((n_chunks, CHUNK), jnp.int32),
            pltpu.VMEM((CHUNK, W16), jnp.float32),
            pltpu.VMEM((ZROWS, W16), jnp.float32),
            pltpu.VMEM_SHARED((N_pad, W16), jnp.float32),
            pltpu.SemaphoreType.DMA,
        ],
        compiler_params=pltpu.CompilerParams(use_tc_tiling_on_sc=False),
    )
    def deg_kernel(dst3_hbm, ones_hbm, zeros_hbm, out_hbm,
                   dst_all, ones_v, zbuf_v, acc_sh, sem):
        cid = lax.axis_index("c")
        sid = lax.axis_index("s")
        wid = _worker_id()
        pltpu.sync_copy(dst3_hbm.at[wid], dst_all)
        pltpu.sync_copy(ones_hbm, ones_v)
        _zero_acc(zeros_hbm, zbuf_v, acc_sh, sid, rows_per_sub)
        plsc.subcore_barrier()

        def fire(j, _):
            pltpu.async_copy(ones_v, acc_sh.at[dst_all.at[j]], sem, add=True)
            return 0

        lax.fori_loop(0, n_chunks, fire, 0)

        def drain(j, _):
            pltpu.make_async_copy(ones_v, acc_sh.at[dst_all.at[j]], sem).wait()
            return 0

        lax.fori_loop(0, n_chunks, drain, 0)
        plsc.subcore_barrier()
        sl = pl.ds(sid * rows_per_sub, rows_per_sub)
        pltpu.sync_copy(acc_sh.at[sl], out_hbm.at[cid, sl])

    return deg_kernel


RING = 5
LOOK = 3


@functools.lru_cache(maxsize=None)
def _make_sc_edge(n_chunks, N_pad, H):
    rows_per_sub = N_pad // NS
    assert n_chunks % RING == 0
    mesh = plsc.VectorSubcoreMesh(core_axis_name="c", subcore_axis_name="s")

    @functools.partial(
        pl.kernel, mesh=mesh,
        out_type=jax.ShapeDtypeStruct((NC, N_pad, H), jnp.float32),
        scratch_types=[
            pltpu.VMEM((n_chunks, CHUNK), jnp.int32),
            pltpu.VMEM((n_chunks, CHUNK), jnp.int32),
            [pltpu.VMEM((CHUNK, H), jnp.float32)] * RING,
            pltpu.VMEM((ZROWS, H), jnp.float32),
            pltpu.VMEM_SHARED((N_pad, H), jnp.float32),
            [pltpu.SemaphoreType.DMA] * RING,
            [pltpu.SemaphoreType.DMA] * RING,
        ],
        compiler_params=pltpu.CompilerParams(use_tc_tiling_on_sc=False),
    )
    def edge_kernel(hs_hbm, src3_hbm, dst3_hbm, zeros_hbm, out_hbm,
                    src_all, dst_all, rows, zbuf_v, acc_sh, sem_g, sem_s):
        cid = lax.axis_index("c")
        sid = lax.axis_index("s")
        wid = _worker_id()
        pltpu.sync_copy(src3_hbm.at[wid], src_all)
        pltpu.sync_copy(dst3_hbm.at[wid], dst_all)
        _zero_acc(zeros_hbm, zbuf_v, acc_sh, sid, rows_per_sub)
        plsc.subcore_barrier()

        for m in range(LOOK):
            pltpu.async_copy(hs_hbm.at[src_all.at[m]], rows[m], sem_g[m])

        def outer(g, _):
            for b in range(RING):
                m = g * RING + b
                pltpu.make_async_copy(
                    hs_hbm.at[src_all.at[m]], rows[b], sem_g[b]).wait()
                pltpu.async_copy(
                    rows[b], acc_sh.at[dst_all.at[m]], sem_s[b], add=True)
                mf = m + LOOK
                bf = (b + LOOK) % RING

                @pl.when((mf >= RING) & (mf < n_chunks))
                def _():
                    pltpu.make_async_copy(
                        rows[bf], acc_sh.at[dst_all.at[mf - RING]],
                        sem_s[bf]).wait()

                @pl.when(mf < n_chunks)
                def _():
                    pltpu.async_copy(
                        hs_hbm.at[src_all.at[mf]], rows[bf], sem_g[bf])
            return 0

        lax.fori_loop(0, n_chunks // RING, outer, 0)
        for b in range(RING):
            m_last = n_chunks - RING + b
            pltpu.make_async_copy(
                rows[b], acc_sh.at[dst_all.at[m_last]], sem_s[b]).wait()
        plsc.subcore_barrier()
        sl = pl.ds(sid * rows_per_sub, rows_per_sub)
        pltpu.sync_copy(acc_sh.at[sl], out_hbm.at[cid, sl])

    return edge_kernel



def _dis_from(degs_ref):
    deg = degs_ref[0, :, 0:1] + degs_ref[1, :, 0:1] + 1.0
    r = lax.rsqrt(deg)
    return r * (1.5 - 0.5 * deg * r * r)


def _tc1_body(x_ref, w_ref, degs_ref, hs_ref):
    dis = _dis_from(degs_ref)
    h = jnp.dot(x_ref[...], w_ref[...], preferred_element_type=jnp.float32)
    hs_ref[...] = h * dis


def _tc2_body(hs1_ref, p_ref, degs_ref, w_ref, b1_ref, hs2_ref):
    dis = _dis_from(degs_ref)
    tot = p_ref[0] + p_ref[1] + hs1_ref[...]
    h1 = jnp.maximum(tot * dis + b1_ref[...], 0.0)
    hs2_ref[...] = jnp.dot(h1, w_ref[...], preferred_element_type=jnp.float32) * dis


def _tc3_body(hs2_ref, p_ref, degs_ref, b2_ref, linw_ref, batch_ref, linb_ref,
              out_ref, acc_ref, *, n_blocks, rows, G):
    i = pl.program_id(0)
    dis = _dis_from(degs_ref)
    h2 = (p_ref[0] + p_ref[1] + hs2_ref[...]) * dis + b2_ref[...]
    z = jnp.sum(h2 * linw_ref[...], axis=1)
    b = batch_ref[0, 0, :]
    mask = (lax.broadcasted_iota(jnp.int32, (G, rows), 0)
            == b[None, :]).astype(jnp.float32)
    zc = jnp.concatenate(
        [z[:, None], jnp.ones((rows, 1), jnp.float32),
         jnp.zeros((rows, 6), jnp.float32)], axis=1)
    part = jnp.dot(mask, zc, preferred_element_type=jnp.float32)

    @pl.when(i == 0)
    def _():
        acc_ref[...] = jnp.zeros_like(acc_ref)

    acc_ref[...] += part

    @pl.when(i == n_blocks - 1)
    def _():
        sums = acc_ref[:, 0]
        cnt = acc_ref[:, 1]
        out_ref[0, :] = sums / jnp.maximum(cnt, 1.0) + linb_ref[0, 0]



def kernel(x, edge_index, edge_attr, batch, W1, b1, W2, b2, lin_W, lin_b):
    N, D_IN = x.shape
    E = edge_index.shape[1]
    H = W1.shape[1]
    G = 64
    W16 = 16
    ROWS = 1000
    n_blocks = N // ROWS

    N_pad = ((N // NS + 7) // 8 * 8) * NS
    per_w = E // NW
    per_w_pad = -(-per_w // (CHUNK * RING)) * (CHUNK * RING)
    n_chunks = per_w_pad // CHUNK
    pad = per_w_pad - per_w
    src2 = edge_index[0].reshape(NW, per_w)
    dst2 = edge_index[1].reshape(NW, per_w)
    if pad:
        dummy_dst = N + (jnp.arange(pad, dtype=jnp.int32) % (N_pad - N))
        src2 = jnp.concatenate(
            [src2, jnp.zeros((NW, pad), jnp.int32)], axis=1)
        dst2 = jnp.concatenate(
            [dst2, jnp.broadcast_to(dummy_dst, (NW, pad))], axis=1)
    src3 = src2.reshape(NW, n_chunks, CHUNK)
    dst3 = dst2.reshape(NW, n_chunks, CHUNK)
    ones16 = jnp.ones((CHUNK, W16), jnp.float32)
    zeros16 = jnp.zeros((ZROWS, W16), jnp.float32)
    zerosH = jnp.zeros((ZROWS, H), jnp.float32)

    degs = _make_sc_deg(n_chunks, N_pad, W16)(dst3, ones16, zeros16)

    hs1 = pl.pallas_call(
        _tc1_body,
        grid=(n_blocks,),
        in_specs=[
            pl.BlockSpec((ROWS, D_IN), lambda i: (i, 0)),
            pl.BlockSpec((D_IN, H), lambda i: (0, 0)),
            pl.BlockSpec((NC, ROWS, W16), lambda i: (0, i, 0)),
        ],
        out_specs=pl.BlockSpec((ROWS, H), lambda i: (i, 0)),
        out_shape=jax.ShapeDtypeStruct((N, H), jnp.float32),
    )(x, W1, degs)

    edge_fn = _make_sc_edge(n_chunks, N_pad, H)
    p1 = edge_fn(hs1, src3, dst3, zerosH)

    hs2 = pl.pallas_call(
        _tc2_body,
        grid=(n_blocks,),
        in_specs=[
            pl.BlockSpec((ROWS, H), lambda i: (i, 0)),
            pl.BlockSpec((NC, ROWS, H), lambda i: (0, i, 0)),
            pl.BlockSpec((NC, ROWS, W16), lambda i: (0, i, 0)),
            pl.BlockSpec((H, H), lambda i: (0, 0)),
            pl.BlockSpec((1, H), lambda i: (0, 0)),
        ],
        out_specs=pl.BlockSpec((ROWS, H), lambda i: (i, 0)),
        out_shape=jax.ShapeDtypeStruct((N, H), jnp.float32),
    )(hs1, p1, degs, W2, b1.reshape(1, H))

    p2 = edge_fn(hs2, src3, dst3, zerosH)

    out2d = pl.pallas_call(
        functools.partial(_tc3_body, n_blocks=n_blocks, rows=ROWS, G=G),
        grid=(n_blocks,),
        in_specs=[
            pl.BlockSpec((ROWS, H), lambda i: (i, 0)),
            pl.BlockSpec((NC, ROWS, H), lambda i: (0, i, 0)),
            pl.BlockSpec((NC, ROWS, W16), lambda i: (0, i, 0)),
            pl.BlockSpec((1, H), lambda i: (0, 0)),
            pl.BlockSpec((1, H), lambda i: (0, 0)),
            pl.BlockSpec((1, 1, ROWS), lambda i: (i, 0, 0)),
            pl.BlockSpec((1, 1), lambda i: (0, 0)),
        ],
        out_specs=pl.BlockSpec((1, G), lambda i: (0, 0)),
        out_shape=jax.ShapeDtypeStruct((1, G), jnp.float32),
        scratch_shapes=[pltpu.VMEM((G, 8), jnp.float32)],
        compiler_params=pltpu.CompilerParams(
            dimension_semantics=("arbitrary",)),
    )(hs2, p2, degs, b2.reshape(1, H), lin_W.reshape(1, H),
      batch.reshape(n_blocks, 1, ROWS), lin_b.reshape(1, 1))

    return out2d.reshape(G)

# --- scband reference (transcript-rebuilt; emitter-appended) ---
"""Pipeline reference for scband-gnn-9088150798684 (READ-ONLY COPY).

The authoritative reference and input builder live on the scoring server;
editing this copy changes nothing except your own understanding.
"""

import jax, jax.numpy as jnp
import numpy as np

N = 10000
E = 320000
D_IN = 128
H = 64
D_EDGE = 16
G = 64


def setup_inputs(seed: int = 0) -> dict:
    key = jax.random.key(seed)
    ks = jax.random.split(key, 10)
    x = jax.random.normal(ks[0], (N, D_IN), dtype=jnp.float32)
    edge_index = jax.random.randint(ks[1], (2, E), 0, N, dtype=jnp.int32)
    edge_attr = jax.random.normal(ks[2], (E, D_EDGE), dtype=jnp.float32)
    batch = jnp.sort(jax.random.randint(ks[3], (N,), 0, G, dtype=jnp.int32))
    W1 = jax.random.normal(ks[4], (D_IN, H), dtype=jnp.float32) * 0.05
    b1 = jnp.zeros((H,), dtype=jnp.float32)
    W2 = jax.random.normal(ks[5], (H, H), dtype=jnp.float32) * 0.05
    b2 = jnp.zeros((H,), dtype=jnp.float32)
    lin_W = jax.random.normal(ks[6], (H, 1), dtype=jnp.float32) * 0.05
    lin_b = jnp.zeros((1,), dtype=jnp.float32)
    return {"x": x, "edge_index": edge_index, "edge_attr": edge_attr, "batch": batch,
            "W1": W1, "b1": b1, "W2": W2, "b2": b2, "lin_W": lin_W, "lin_b": lin_b}


def gcn_conv(x, edge_index, W, b):
    # x @ W, then symmetric-normalized aggregation with added self-loops (PyG GCNConv defaults)
    h = x @ W
    loop = jnp.arange(N, dtype=edge_index.dtype)
    src = jnp.concatenate([edge_index[0], loop])
    dst = jnp.concatenate([edge_index[1], loop])
    deg = jnp.zeros((N,), h.dtype).at[dst].add(1.0)
    dis = jnp.where(deg > 0, 1.0 / jnp.sqrt(jnp.maximum(deg, 1.0)), 0.0)
    norm = dis[src] * dis[dst]
    msg = h[src] * norm[:, None]
    out = jnp.zeros_like(h).at[dst].add(msg)
    return out + b


def global_mean_pool(h, batch):
    sums = jax.ops.segment_sum(h, batch, num_segments=G)
    cnt = jax.ops.segment_sum(jnp.ones((h.shape[0], 1), h.dtype), batch, num_segments=G)
    return sums / jnp.maximum(cnt, 1.0)


def reference(x, edge_index, edge_attr, batch, W1, b1, W2, b2, lin_W, lin_b):
    h = jax.nn.relu(gcn_conv(x, edge_index, W1, b1))
    h = gcn_conv(h, edge_index, W2, b2)
    pooled = global_mean_pool(h, batch)
    return (pooled @ lin_W + lin_b).squeeze(-1)

if __name__ == "__main__":
    import jax
    _d = setup_inputs()
    print(jax.jit(kernel)(*tuple(_d.values())))

</pallas_src>

<mosaic_0001>
#map = affine_map<(d0, d1) -> (0, 0, 0)>
#map1 = affine_map<(d0, d1) -> (0, 0)>
module attributes {stable_mosaic.version = 14 : i64} {
  func.func @deg_kernel(%arg0: i32, %arg1: i32, %arg2: memref<32x160x64xi32, #tpu.memory_space<hbm>>, %arg3: memref<64x16xf32, #tpu.memory_space<hbm>>, %arg4: memref<128x16xf32, #tpu.memory_space<hbm>>, %arg5: memref<2x10112x16xf32, #tpu.memory_space<hbm>>, %arg6: memref<160x64xi32, #tpu.memory_space<vmem>>, %arg7: memref<64x16xf32, #tpu.memory_space<vmem>>, %arg8: memref<128x16xf32, #tpu.memory_space<vmem>>, %arg9: memref<10112x16xf32, #tpu.memory_space<vmem_shared>>, %arg10: memref<!tpu.dma_semaphore, #tpu.memory_space<semaphore_mem>>) attributes {dimension_semantics = [#tpu.dimension_semantics<core_parallel>, #tpu.dimension_semantics<subcore_parallel>], iteration_bounds = array<i64: 2, 16>, scalar_prefetch = 0 : i64, scratch_operands = 5 : i64, tpu.core_type = #tpu.core_type<sc_vector_subcore>, window_params = [{transform_indices = #map}, {transform_indices = #map1}, {transform_indices = #map1}, {transform_indices = #map}]} {
    %mul3A = arith.constant 2 : i32
    %mul3A_0 = arith.muli %arg1, %mul3A : i32
    %add3A = arith.addi %mul3A_0, %arg0 : i32
    "tpu.region"() ({
      %run_scoped3A = tpu.sem_alloc : memref<!tpu.dma_semaphore, #tpu.memory_space<semaphore_mem>>
      %dma_start3A = arith.constant 0 : i32
      %dma_start3A_33 = arith.constant 0 : i32
      %dma_start3A_34 = tpu.memref_slice %arg2[%add3A, %dma_start3A, %dma_start3A_33] : memref<32x160x64xi32, #tpu.memory_space<hbm>> -> memref<1x160x64xi32, #tpu.memory_space<hbm>>
      %dma_start3A_35 = tpu.memref_squeeze %dma_start3A_34 : memref<1x160x64xi32, #tpu.memory_space<hbm>> -> memref<160x64xi32, #tpu.memory_space<hbm>>
      %dma_start3A_36 = arith.constant 0 : i32
      %dma_start3A_37 = arith.constant 0 : i32
      %dma_start3A_38 = tpu.memref_slice %arg2[%add3A, %dma_start3A_36, %dma_start3A_37] : memref<32x160x64xi32, #tpu.memory_space<hbm>> -> memref<1x160x64xi32, #tpu.memory_space<hbm>>
      %dma_start3A_39 = tpu.memref_squeeze %dma_start3A_38 : memref<1x160x64xi32, #tpu.memory_space<hbm>> -> memref<160x64xi32, #tpu.memory_space<hbm>>
      tpu.enqueue_dma source(%dma_start3A_39 : memref<160x64xi32, #tpu.memory_space<hbm>>) target(%arg6 : memref<160x64xi32, #tpu.memory_space<vmem>>) target_semaphore(%run_scoped3A : memref<!tpu.dma_semaphore, #tpu.memory_space<semaphore_mem>>)
      %dma_wait3A = arith.constant 0 : i32
      %dma_wait3A_40 = arith.constant 0 : i32
      %dma_wait3A_41 = tpu.memref_slice %arg2[%add3A, %dma_wait3A, %dma_wait3A_40] : memref<32x160x64xi32, #tpu.memory_space<hbm>> -> memref<1x160x64xi32, #tpu.memory_space<hbm>>
      %dma_wait3A_42 = tpu.memref_squeeze %dma_wait3A_41 : memref<1x160x64xi32, #tpu.memory_space<hbm>> -> memref<160x64xi32, #tpu.memory_space<hbm>>
      %dma_wait3A_43 = arith.constant 0 : i32
      %dma_wait3A_44 = arith.constant 0 : i32
      %dma_wait3A_45 = tpu.memref_slice %arg2[%add3A, %dma_wait3A_43, %dma_wait3A_44] : memref<32x160x64xi32, #tpu.memory_space<hbm>> -> memref<1x160x64xi32, #tpu.memory_space<hbm>>
      %dma_wait3A_46 = tpu.memref_squeeze %dma_wait3A_45 : memref<1x160x64xi32, #tpu.memory_space<hbm>> -> memref<160x64xi32, #tpu.memory_space<hbm>>
      tpu.wait_dma2 semaphore(%run_scoped3A : memref<!tpu.dma_semaphore, #tpu.memory_space<semaphore_mem>>) src(%dma_wait3A_46 : memref<160x64xi32, #tpu.memory_space<hbm>>) dst(%arg6 : memref<160x64xi32, #tpu.memory_space<vmem>>)
      tpu.yield
    }) : () -> ()
    "tpu.region"() ({
      %run_scoped3A = tpu.sem_alloc : memref<!tpu.dma_semaphore, #tpu.memory_space<semaphore_mem>>
      tpu.enqueue_dma source(%arg3 : memref<64x16xf32, #tpu.memory_space<hbm>>) target(%arg7 : memref<64x16xf32, #tpu.memory_space<vmem>>) target_semaphore(%run_scoped3A : memref<!tpu.dma_semaphore, #tpu.memory_space<semaphore_mem>>)
      tpu.wait_dma2 semaphore(%run_scoped3A : memref<!tpu.dma_semaphore, #tpu.memory_space<semaphore_mem>>) src(%arg3 : memref<64x16xf32, #tpu.memory_space<hbm>>) dst(%arg7 : memref<64x16xf32, #tpu.memory_space<vmem>>)
      tpu.yield
    }) : () -> ()
    "tpu.region"() ({
      %run_scoped3A = tpu.sem_alloc : memref<!tpu.dma_semaphore, #tpu.memory_space<semaphore_mem>>
      tpu.enqueue_dma source(%arg4 : memref<128x16xf32, #tpu.memory_space<hbm>>) target(%arg8 : memref<128x16xf32, #tpu.memory_space<vmem>>) target_semaphore(%run_scoped3A : memref<!tpu.dma_semaphore, #tpu.memory_space<semaphore_mem>>)
      tpu.wait_dma2 semaphore(%run_scoped3A : memref<!tpu.dma_semaphore, #tpu.memory_space<semaphore_mem>>) src(%arg4 : memref<128x16xf32, #tpu.memory_space<hbm>>) dst(%arg8 : memref<128x16xf32, #tpu.memory_space<vmem>>)
      tpu.yield
    }) : () -> ()
    %mul3A_1 = arith.constant 632 : i32
    %mul3A_2 = arith.muli %arg1, %mul3A_1 : i32
    %add3A_3 = arith.constant 0 : i32
    %add3A_4 = arith.addi %mul3A_2, %add3A_3 : i32
    "tpu.region"() ({
      %run_scoped3A = tpu.sem_alloc : memref<!tpu.dma_semaphore, #tpu.memory_space<semaphore_mem>>
      %dma_start3A = arith.constant 0 : i32
      %dma_start3A_33 = tpu.memref_slice %arg9[%add3A_4, %dma_start3A] : memref<10112x16xf32, #tpu.memory_space<vmem_shared>> -> memref<128x16xf32, #tpu.memory_space<vmem_shared>>
      %dma_start3A_34 = arith.constant 0 : i32
      %dma_start3A_35 = tpu.memref_slice %arg9[%add3A_4, %dma_start3A_34] : memref<10112x16xf32, #tpu.memory_space<vmem_shared>> -> memref<128x16xf32, #tpu.memory_space<vmem_shared>>
      tpu.enqueue_dma source(%arg8 : memref<128x16xf32, #tpu.memory_space<vmem>>) target(%dma_start3A_35 : memref<128x16xf32, #tpu.memory_space<vmem_shared>>) target_semaphore(%run_scoped3A : memref<!tpu.dma_semaphore, #tpu.memory_space<semaphore_mem>>)
      %dma_wait3A = arith.constant 0 : i32
      %dma_wait3A_36 = tpu.memref_slice %arg9[%add3A_4, %dma_wait3A] : memref<10112x16xf32, #tpu.memory_space<vmem_shared>> -> memref<128x16xf32, #tpu.memory_space<vmem_shared>>
      %dma_wait3A_37 = arith.constant 0 : i32
      %dma_wait3A_38 = tpu.memref_slice %arg9[%add3A_4, %dma_wait3A_37] : memref<10112x16xf32, #tpu.memory_space<vmem_shared>> -> memref<128x16xf32, #tpu.memory_space<vmem_shared>>
      tpu.wait_dma2 semaphore(%run_scoped3A : memref<!tpu.dma_semaphore, #tpu.memory_space<semaphore_mem>>) src(%arg8 : memref<128x16xf32, #tpu.memory_space<vmem>>) dst(%dma_wait3A_38 : memref<128x16xf32, #tpu.memory_space<vmem_shared>>)
      tpu.yield
    }) : () -> ()
    %mul3A_5 = arith.constant 632 : i32
    %mul3A_6 = arith.muli %arg1, %mul3A_5 : i32
    %add3A_7 = arith.constant 128 : i32
    %add3A_8 = arith.addi %mul3A_6, %add3A_7 : i32
    "tpu.region"() ({
      %run_scoped3A = tpu.sem_alloc : memref<!tpu.dma_semaphore, #tpu.memory_space<semaphore_mem>>
      %dma_start3A = arith.constant 0 : i32
      %dma_start3A_33 = tpu.memref_slice %arg9[%add3A_8, %dma_start3A] : memref<10112x16xf32, #tpu.memory_space<vmem_shared>> -> memref<128x16xf32, #tpu.memory_space<vmem_shared>>
      %dma_start3A_34 = arith.constant 0 : i32
      %dma_start3A_35 = tpu.memref_slice %arg9[%add3A_8, %dma_start3A_34] : memref<10112x16xf32, #tpu.memory_space<vmem_shared>> -> memref<128x16xf32, #tpu.memory_space<vmem_shared>>
      tpu.enqueue_dma source(%arg8 : memref<128x16xf32, #tpu.memory_space<vmem>>) target(%dma_start3A_35 : memref<128x16xf32, #tpu.memory_space<vmem_shared>>) target_semaphore(%run_scoped3A : memref<!tpu.dma_semaphore, #tpu.memory_space<semaphore_mem>>)
      %dma_wait3A = arith.constant 0 : i32
      %dma_wait3A_36 = tpu.memref_slice %arg9[%add3A_8, %dma_wait3A] : memref<10112x16xf32, #tpu.memory_space<vmem_shared>> -> memref<128x16xf32, #tpu.memory_space<vmem_shared>>
      %dma_wait3A_37 = arith.constant 0 : i32
      %dma_wait3A_38 = tpu.memref_slice %arg9[%add3A_8, %dma_wait3A_37] : memref<10112x16xf32, #tpu.memory_space<vmem_shared>> -> memref<128x16xf32, #tpu.memory_space<vmem_shared>>
      tpu.wait_dma2 semaphore(%run_scoped3A : memref<!tpu.dma_semaphore, #tpu.memory_space<semaphore_mem>>) src(%arg8 : memref<128x16xf32, #tpu.memory_space<vmem>>) dst(%dma_wait3A_38 : memref<128x16xf32, #tpu.memory_space<vmem_shared>>)
      tpu.yield
    }) : () -> ()
    %mul3A_9 = arith.constant 632 : i32
    %mul3A_10 = arith.muli %arg1, %mul3A_9 : i32
    %add3A_11 = arith.constant 256 : i32
    %add3A_12 = arith.addi %mul3A_10, %add3A_11 : i32
    "tpu.region"() ({
      %run_scoped3A = tpu.sem_alloc : memref<!tpu.dma_semaphore, #tpu.memory_space<semaphore_mem>>
      %dma_start3A = arith.constant 0 : i32
      %dma_start3A_33 = tpu.memref_slice %arg9[%add3A_12, %dma_start3A] : memref<10112x16xf32, #tpu.memory_space<vmem_shared>> -> memref<128x16xf32, #tpu.memory_space<vmem_shared>>
      %dma_start3A_34 = arith.constant 0 : i32
      %dma_start3A_35 = tpu.memref_slice %arg9[%add3A_12, %dma_start3A_34] : memref<10112x16xf32, #tpu.memory_space<vmem_shared>> -> memref<128x16xf32, #tpu.memory_space<vmem_shared>>
      tpu.enqueue_dma source(%arg8 : memref<128x16xf32, #tpu.memory_space<vmem>>) target(%dma_start3A_35 : memref<128x16xf32, #tpu.memory_space<vmem_shared>>) target_semaphore(%run_scoped3A : memref<!tpu.dma_semaphore, #tpu.memory_space<semaphore_mem>>)
      %dma_wait3A = arith.constant 0 : i32
      %dma_wait3A_36 = tpu.memref_slice %arg9[%add3A_12, %dma_wait3A] : memref<10112x16xf32, #tpu.memory_space<vmem_shared>> -> memref<128x16xf32, #tpu.memory_space<vmem_shared>>
      %dma_wait3A_37 = arith.constant 0 : i32
      %dma_wait3A_38 = tpu.memref_slice %arg9[%add3A_12, %dma_wait3A_37] : memref<10112x16xf32, #tpu.memory_space<vmem_shared>> -> memref<128x16xf32, #tpu.memory_space<vmem_shared>>
      tpu.wait_dma2 semaphore(%run_scoped3A : memref<!tpu.dma_semaphore, #tpu.memory_space<semaphore_mem>>) src(%arg8 : memref<128x16xf32, #tpu.memory_space<vmem>>) dst(%dma_wait3A_38 : memref<128x16xf32, #tpu.memory_space<vmem_shared>>)
      tpu.yield
    }) : () -> ()
    %mul3A_13 = arith.constant 632 : i32
    %mul3A_14 = arith.muli %arg1, %mul3A_13 : i32
    %add3A_15 = arith.constant 384 : i32
    %add3A_16 = arith.addi %mul3A_14, %add3A_15 : i32
    "tpu.region"() ({
      %run_scoped3A = tpu.sem_alloc : memref<!tpu.dma_semaphore, #tpu.memory_space<semaphore_mem>>
      %dma_start3A = arith.constant 0 : i32
      %dma_start3A_33 = tpu.memref_slice %arg9[%add3A_16, %dma_start3A] : memref<10112x16xf32, #tpu.memory_space<vmem_shared>> -> memref<128x16xf32, #tpu.memory_space<vmem_shared>>
      %dma_start3A_34 = arith.constant 0 : i32
      %dma_start3A_35 = tpu.memref_slice %arg9[%add3A_16, %dma_start3A_34] : memref<10112x16xf32, #tpu.memory_space<vmem_shared>> -> memref<128x16xf32, #tpu.memory_space<vmem_shared>>
      tpu.enqueue_dma source(%arg8 : memref<128x16xf32, #tpu.memory_space<vmem>>) target(%dma_start3A_35 : memref<128x16xf32, #tpu.memory_space<vmem_shared>>) target_semaphore(%run_scoped3A : memref<!tpu.dma_semaphore, #tpu.memory_space<semaphore_mem>>)
      %dma_wait3A = arith.constant 0 : i32
      %dma_wait3A_36 = tpu.memref_slice %arg9[%add3A_16, %dma_wait3A] : memref<10112x16xf32, #tpu.memory_space<vmem_shared>> -> memref<128x16xf32, #tpu.memory_space<vmem_shared>>
      %dma_wait3A_37 = arith.constant 0 : i32
      %dma_wait3A_38 = tpu.memref_slice %arg9[%add3A_16, %dma_wait3A_37] : memref<10112x16xf32, #tpu.memory_space<vmem_shared>> -> memref<128x16xf32, #tpu.memory_space<vmem_shared>>
      tpu.wait_dma2 semaphore(%run_scoped3A : memref<!tpu.dma_semaphore, #tpu.memory_space<semaphore_mem>>) src(%arg8 : memref<128x16xf32, #tpu.memory_space<vmem>>) dst(%dma_wait3A_38 : memref<128x16xf32, #tpu.memory_space<vmem_shared>>)
      tpu.yield
    }) : () -> ()
    %barrier3A = arith.constant 0 : index
    tpu.barrier barrier_id(%barrier3A)
    %scan3A = arith.constant 0 : i32
    %scan3A_17 = arith.constant 0 : i32
    %scan3A_18 = arith.constant 160 : i32
    %scan3A_19 = arith.addi %scan3A_17, %scan3A_18 : i32
    %scan3A_20 = arith.constant 1 : i32
    %scan3A_21 = scf.for %scan3A_33 = %scan3A_17 to %scan3A_19 step %scan3A_20 iter_args(%scan3A_34 = %scan3A) -> (i32)  : i32 {
      %dma_start3A = arith.constant 0 : i32
      %dma_start3A_35 = tpu.memref_slice %arg6[%scan3A_33, %dma_start3A] : memref<160x64xi32, #tpu.memory_space<vmem>> -> memref<1x64xi32, #tpu.memory_space<vmem>>
      %dma_start3A_36 = tpu.memref_squeeze %dma_start3A_35 : memref<1x64xi32, #tpu.memory_space<vmem>> -> memref<64xi32, #tpu.memory_space<vmem>>
      %dma_start3A_37 = arith.constant 0 : i32
      %dma_start3A_38 = arith.constant 0 : i32
      %dma_start3A_39 = tpu.memref_slice %arg9[%dma_start3A_37, %dma_start3A_38] : memref<10112x16xf32, #tpu.memory_space<vmem_shared>> -> memref<10112x16xf32, #tpu.memory_space<vmem_shared>>
      tpu.enqueue_indirect_dma source(%arg7 : memref<64x16xf32, #tpu.memory_space<vmem>>) target(%dma_start3A_39 : memref<10112x16xf32, #tpu.memory_space<vmem_shared>>) offsets(%dma_start3A_36 : memref<64xi32, #tpu.memory_space<vmem>>) semaphore(%arg10 : memref<!tpu.dma_semaphore, #tpu.memory_space<semaphore_mem>>) {add = true}
      %scan3A_40 = arith.constant 0 : i32
      scf.yield %scan3A_40 : i32
    }
    %scan3A_22 = arith.constant 160 : i32
    %scan3A_23 = arith.constant 0 : i32
    %scan3A_24 = arith.constant 0 : i32
    %scan3A_25 = arith.constant 160 : i32
    %scan3A_26 = arith.addi %scan3A_24, %scan3A_25 : i32
    %scan3A_27 = arith.constant 1 : i32
    %scan3A_28 = scf.for %scan3A_33 = %scan3A_24 to %scan3A_26 step %scan3A_27 iter_args(%scan3A_34 = %scan3A_23) -> (i32)  : i32 {
      %dma_wait3A = arith.constant 0 : i32
      %dma_wait3A_35 = tpu.memref_slice %arg6[%scan3A_33, %dma_wait3A] : memref<160x64xi32, #tpu.memory_space<vmem>> -> memref<1x64xi32, #tpu.memory_space<vmem>>
      %dma_wait3A_36 = tpu.memref_squeeze %dma_wait3A_35 : memref<1x64xi32, #tpu.memory_space<vmem>> -> memref<64xi32, #tpu.memory_space<vmem>>
      %dma_wait3A_37 = arith.constant 0 : i32
      %dma_wait3A_38 = arith.constant 0 : i32
      %dma_wait3A_39 = tpu.memref_slice %arg9[%dma_wait3A_37, %dma_wait3A_38] : memref<10112x16xf32, #tpu.memory_space<vmem_shared>> -> memref<10112x16xf32, #tpu.memory_space<vmem_shared>>
      tpu.wait_indirect_dma semaphore(%arg10 : memref<!tpu.dma_semaphore, #tpu.memory_space<semaphore_mem>>) src(%arg7 : memref<64x16xf32, #tpu.memory_space<vmem>>) dst(%dma_wait3A_39 : memref<10112x16xf32, #tpu.memory_space<vmem_shared>>)
      %scan3A_40 = arith.constant 0 : i32
      scf.yield %scan3A_40 : i32
    }
    %scan3A_29 = arith.constant 160 : i32
    %barrier3A_30 = arith.constant 0 : index
    tpu.barrier barrier_id(%barrier3A_30)
    %mul3A_31 = arith.constant 632 : i32
    %mul3A_32 = arith.muli %arg1, %mul3A_31 : i32
    "tpu.region"() ({
      %run_scoped3A = tpu.sem_alloc : memref<!tpu.dma_semaphore, #tpu.memory_space<semaphore_mem>>
      %dma_start3A = arith.constant 0 : i32
      %dma_start3A_33 = tpu.memref_slice %arg5[%arg0, %mul3A_32, %dma_start3A] : memref<2x10112x16xf32, #tpu.memory_space<hbm>> -> memref<1x632x16xf32, #tpu.memory_space<hbm>>
      %dma_start3A_34 = tpu.memref_squeeze %dma_start3A_33 : memref<1x632x16xf32, #tpu.memory_space<hbm>> -> memref<632x16xf32, #tpu.memory_space<hbm>>
      %dma_start3A_35 = arith.constant 0 : i32
      %dma_start3A_36 = tpu.memref_slice %arg9[%mul3A_32, %dma_start3A_35] : memref<10112x16xf32, #tpu.memory_space<vmem_shared>> -> memref<632x16xf32, #tpu.memory_space<vmem_shared>>
      tpu.enqueue_dma source(%dma_start3A_36 : memref<632x16xf32, #tpu.memory_space<vmem_shared>>) target(%dma_start3A_34 : memref<632x16xf32, #tpu.memory_space<hbm>>) target_semaphore(%run_scoped3A : memref<!tpu.dma_semaphore, #tpu.memory_space<semaphore_mem>>)
      %dma_wait3A = arith.constant 0 : i32
      %dma_wait3A_37 = tpu.memref_slice %arg5[%arg0, %mul3A_32, %dma_wait3A] : memref<2x10112x16xf32, #tpu.memory_space<hbm>> -> memref<1x632x16xf32, #tpu.memory_space<hbm>>
      %dma_wait3A_38 = tpu.memref_squeeze %dma_wait3A_37 : memref<1x632x16xf32, #tpu.memory_space<hbm>> -> memref<632x16xf32, #tpu.memory_space<hbm>>
      %dma_wait3A_39 = arith.constant 0 : i32
      %dma_wait3A_40 = tpu.memref_slice %arg9[%mul3A_32, %dma_wait3A_39] : memref<10112x16xf32, #tpu.memory_space<vmem_shared>> -> memref<632x16xf32, #tpu.memory_space<vmem_shared>>
      tpu.wait_dma2 semaphore(%run_scoped3A : memref<!tpu.dma_semaphore, #tpu.memory_space<semaphore_mem>>) src(%dma_wait3A_40 : memref<632x16xf32, #tpu.memory_space<vmem_shared>>) dst(%dma_wait3A_38 : memref<632x16xf32, #tpu.memory_space<hbm>>)
      tpu.yield
    }) : () -> ()
    return
  }
}

#map = affine_map<(d0, d1) -> (0, 0)>
#map1 = affine_map<(d0, d1) -> (0, 0, 0)>
module attributes {stable_mosaic.version = 14 : i64} {
  func.func @edge_kernel(%arg0: i32, %arg1: i32, %arg2: memref<10000x64xf32, #tpu.memory_space<hbm>>, %arg3: memref<32x160x64xi32, #tpu.memory_space<hbm>>, %arg4: memref<32x160x64xi32, #tpu.memory_space<hbm>>, %arg5: memref<128x64xf32, #tpu.memory_space<hbm>>, %arg6: memref<2x10112x64xf32, #tpu.memory_space<hbm>>, %arg7: memref<160x64xi32, #tpu.memory_space<vmem>>, %arg8: memref<160x64xi32, #tpu.memory_space<vmem>>, %arg9: memref<64x64xf32, #tpu.memory_space<vmem>>, %arg10: memref<64x64xf32, #tpu.memory_space<vmem>>, %arg11: memref<64x64xf32, #tpu.memory_space<vmem>>, %arg12: memref<64x64xf32, #tpu.memory_space<vmem>>, %arg13: memref<64x64xf32, #tpu.memory_space<vmem>>, %arg14: memref<128x64xf32, #tpu.memory_space<vmem>>, %arg15: memref<10112x64xf32, #tpu.memory_space<vmem_shared>>, %arg16: memref<!tpu.dma_semaphore, #tpu.memory_space<semaphore_mem>>, %arg17: memref<!tpu.dma_semaphore, #tpu.memory_space<semaphore_mem>>, %arg18: memref<!tpu.dma_semaphore, #tpu.memory_space<semaphore_mem>>, %arg19: memref<!tpu.dma_semaphore, #tpu.memory_space<semaphore_mem>>, %arg20: memref<!tpu.dma_semaphore, #tpu.memory_space<semaphore_mem>>, %arg21: memref<!tpu.dma_semaphore, #tpu.memory_space<semaphore_mem>>, %arg22: memref<!tpu.dma_semaphore, #tpu.memory_space<semaphore_mem>>, %arg23: memref<!tpu.dma_semaphore, #tpu.memory_space<semaphore_mem>>, %arg24: memref<!tpu.dma_semaphore, #tpu.memory_space<semaphore_mem>>, %arg25: memref<!tpu.dma_semaphore, #tpu.memory_space<semaphore_mem>>) attributes {dimension_semantics = [#tpu.dimension_semantics<core_parallel>, #tpu.dimension_semantics<subcore_parallel>], iteration_bounds = array<i64: 2, 16>, scalar_prefetch = 0 : i64, scratch_operands = 19 : i64, tpu.core_type = #tpu.core_type<sc_vector_subcore>, window_params = [{transform_indices = #map}, {transform_indices = #map1}, {transform_indices = #map1}, {transform_indices = #map}, {transform_indices = #map1}]} {
    %mul3A = arith.constant 2 : i32
    %mul3A_0 = arith.muli %arg1, %mul3A : i32
    %add3A = arith.addi %mul3A_0, %arg0 : i32
    "tpu.region"() ({
      %run_scoped3A = tpu.sem_alloc : memref<!tpu.dma_semaphore, #tpu.memory_space<semaphore_mem>>
      %dma_start3A_80 = arith.constant 0 : i32
      %dma_start3A_81 = arith.constant 0 : i32
      %dma_start3A_82 = tpu.memref_slice %arg3[%add3A, %dma_start3A_80, %dma_start3A_81] : memref<32x160x64xi32, #tpu.memory_space<hbm>> -> memref<1x160x64xi32, #tpu.memory_space<hbm>>
      %dma_start3A_83 = tpu.memref_squeeze %dma_start3A_82 : memref<1x160x64xi32, #tpu.memory_space<hbm>> -> memref<160x64xi32, #tpu.memory_space<hbm>>
      %dma_start3A_84 = arith.constant 0 : i32
      %dma_start3A_85 = arith.constant 0 : i32
      %dma_start3A_86 = tpu.memref_slice %arg3[%add3A, %dma_start3A_84, %dma_start3A_85] : memref<32x160x64xi32, #tpu.memory_space<hbm>> -> memref<1x160x64xi32, #tpu.memory_space<hbm>>
      %dma_start3A_87 = tpu.memref_squeeze %dma_start3A_86 : memref<1x160x64xi32, #tpu.memory_space<hbm>> -> memref<160x64xi32, #tpu.memory_space<hbm>>
      tpu.enqueue_dma source(%dma_start3A_87 : memref<160x64xi32, #tpu.memory_space<hbm>>) target(%arg7 : memref<160x64xi32, #tpu.memory_space<vmem>>) target_semaphore(%run_scoped3A : memref<!tpu.dma_semaphore, #tpu.memory_space<semaphore_mem>>)
      %dma_wait3A_88 = arith.constant 0 : i32
      %dma_wait3A_89 = arith.constant 0 : i32
      %dma_wait3A_90 = tpu.memref_slice %arg3[%add3A, %dma_wait3A_88, %dma_wait3A_89] : memref<32x160x64xi32, #tpu.memory_space<hbm>> -> memref<1x160x64xi32, #tpu.memory_space<hbm>>
      %dma_wait3A_91 = tpu.memref_squeeze %dma_wait3A_90 : memref<1x160x64xi32, #tpu.memory_space<hbm>> -> memref<160x64xi32, #tpu.memory_space<hbm>>
      %dma_wait3A_92 = arith.constant 0 : i32
      %dma_wait3A_93 = arith.constant 0 : i32
      %dma_wait3A_94 = tpu.memref_slice %arg3[%add3A, %dma_wait3A_92, %dma_wait3A_93] : memref<32x160x64xi32, #tpu.memory_space<hbm>> -> memref<1x160x64xi32, #tpu.memory_space<hbm>>
      %dma_wait3A_95 = tpu.memref_squeeze %dma_wait3A_94 : memref<1x160x64xi32, #tpu.memory_space<hbm>> -> memref<160x64xi32, #tpu.memory_space<hbm>>
      tpu.wait_dma2 semaphore(%run_scoped3A : memref<!tpu.dma_semaphore, #tpu.memory_space<semaphore_mem>>) src(%dma_wait3A_95 : memref<160x64xi32, #tpu.memory_space<hbm>>) dst(%arg7 : memref<160x64xi32, #tpu.memory_space<vmem>>)
      tpu.yield
    }) : () -> ()
    "tpu.region"() ({
      %run_scoped3A = tpu.sem_alloc : memref<!tpu.dma_semaphore, #tpu.memory_space<semaphore_mem>>
      %dma_start3A_80 = arith.constant 0 : i32
      %dma_start3A_81 = arith.constant 0 : i32
      %dma_start3A_82 = tpu.memref_slice %arg4[%add3A, %dma_start3A_80, %dma_start3A_81] : memref<32x160x64xi32, #tpu.memory_space<hbm>> -> memref<1x160x64xi32, #tpu.memory_space<hbm>>
      %dma_start3A_83 = tpu.memref_squeeze %dma_start3A_82 : memref<1x160x64xi32, #tpu.memory_space<hbm>> -> memref<160x64xi32, #tpu.memory_space<hbm>>
      %dma_start3A_84 = arith.constant 0 : i32
      %dma_start3A_85 = arith.constant 0 : i32
      %dma_start3A_86 = tpu.memref_slice %arg4[%add3A, %dma_start3A_84, %dma_start3A_85] : memref<32x160x64xi32, #tpu.memory_space<hbm>> -> memref<1x160x64xi32, #tpu.memory_space<hbm>>
      %dma_start3A_87 = tpu.memref_squeeze %dma_start3A_86 : memref<1x160x64xi32, #tpu.memory_space<hbm>> -> memref<160x64xi32, #tpu.memory_space<hbm>>
      tpu.enqueue_dma source(%dma_start3A_87 : memref<160x64xi32, #tpu.memory_space<hbm>>) target(%arg8 : memref<160x64xi32, #tpu.memory_space<vmem>>) target_semaphore(%run_scoped3A : memref<!tpu.dma_semaphore, #tpu.memory_space<semaphore_mem>>)
      %dma_wait3A_88 = arith.constant 0 : i32
      %dma_wait3A_89 = arith.constant 0 : i32
      %dma_wait3A_90 = tpu.memref_slice %arg4[%add3A, %dma_wait3A_88, %dma_wait3A_89] : memref<32x160x64xi32, #tpu.memory_space<hbm>> -> memref<1x160x64xi32, #tpu.memory_space<hbm>>
      %dma_wait3A_91 = tpu.memref_squeeze %dma_wait3A_90 : memref<1x160x64xi32, #tpu.memory_space<hbm>> -> memref<160x64xi32, #tpu.memory_space<hbm>>
      %dma_wait3A_92 = arith.constant 0 : i32
      %dma_wait3A_93 = arith.constant 0 : i32
      %dma_wait3A_94 = tpu.memref_slice %arg4[%add3A, %dma_wait3A_92, %dma_wait3A_93] : memref<32x160x64xi32, #tpu.memory_space<hbm>> -> memref<1x160x64xi32, #tpu.memory_space<hbm>>
      %dma_wait3A_95 = tpu.memref_squeeze %dma_wait3A_94 : memref<1x160x64xi32, #tpu.memory_space<hbm>> -> memref<160x64xi32, #tpu.memory_space<hbm>>
      tpu.wait_dma2 semaphore(%run_scoped3A : memref<!tpu.dma_semaphore, #tpu.memory_space<semaphore_mem>>) src(%dma_wait3A_95 : memref<160x64xi32, #tpu.memory_space<hbm>>) dst(%arg8 : memref<160x64xi32, #tpu.memory_space<vmem>>)
      tpu.yield
    }) : () -> ()
    "tpu.region"() ({
      %run_scoped3A = tpu.sem_alloc : memref<!tpu.dma_semaphore, #tpu.memory_space<semaphore_mem>>
      tpu.enqueue_dma source(%arg5 : memref<128x64xf32, #tpu.memory_space<hbm>>) target(%arg14 : memref<128x64xf32, #tpu.memory_space<vmem>>) target_semaphore(%run_scoped3A : memref<!tpu.dma_semaphore, #tpu.memory_space<semaphore_mem>>)
      tpu.wait_dma2 semaphore(%run_scoped3A : memref<!tpu.dma_semaphore, #tpu.memory_space<semaphore_mem>>) src(%arg5 : memref<128x64xf32, #tpu.memory_space<hbm>>) dst(%arg14 : memref<128x64xf32, #tpu.memory_space<vmem>>)
      tpu.yield
    }) : () -> ()
    %mul3A_1 = arith.constant 632 : i32
    %mul3A_2 = arith.muli %arg1, %mul3A_1 : i32
    %add3A_3 = arith.constant 0 : i32
    %add3A_4 = arith.addi %mul3A_2, %add3A_3 : i32
    "tpu.region"() ({
      %run_scoped3A = tpu.sem_alloc : memref<!tpu.dma_semaphore, #tpu.memory_space<semaphore_mem>>
      %dma_start3A_80 = arith.constant 0 : i32
      %dma_start3A_81 = tpu.memref_slice %arg15[%add3A_4, %dma_start3A_80] : memref<10112x64xf32, #tpu.memory_space<vmem_shared>> -> memref<128x64xf32, #tpu.memory_space<vmem_shared>>
      %dma_start3A_82 = arith.constant 0 : i32
      %dma_start3A_83 = tpu.memref_slice %arg15[%add3A_4, %dma_start3A_82] : memref<10112x64xf32, #tpu.memory_space<vmem_shared>> -> memref<128x64xf32, #tpu.memory_space<vmem_shared>>
      tpu.enqueue_dma source(%arg14 : memref<128x64xf32, #tpu.memory_space<vmem>>) target(%dma_start3A_83 : memref<128x64xf32, #tpu.memory_space<vmem_shared>>) target_semaphore(%run_scoped3A : memref<!tpu.dma_semaphore, #tpu.memory_space<semaphore_mem>>)
      %dma_wait3A_84 = arith.constant 0 : i32
      %dma_wait3A_85 = tpu.memref_slice %arg15[%add3A_4, %dma_wait3A_84] : memref<10112x64xf32, #tpu.memory_space<vmem_shared>> -> memref<128x64xf32, #tpu.memory_space<vmem_shared>>
      %dma_wait3A_86 = arith.constant 0 : i32
      %dma_wait3A_87 = tpu.memref_slice %arg15[%add3A_4, %dma_wait3A_86] : memref<10112x64xf32, #tpu.memory_space<vmem_shared>> -> memref<128x64xf32, #tpu.memory_space<vmem_shared>>
      tpu.wait_dma2 semaphore(%run_scoped3A : memref<!tpu.dma_semaphore, #tpu.memory_space<semaphore_mem>>) src(%arg14 : memref<128x64xf32, #tpu.memory_space<vmem>>) dst(%dma_wait3A_87 : memref<128x64xf32, #tpu.memory_space<vmem_shared>>)
      tpu.yield
    }) : () -> ()
    %mul3A_5 = arith.constant 632 : i32
    %mul3A_6 = arith.muli %arg1, %mul3A_5 : i32
    %add3A_7 = arith.constant 128 : i32
    %add3A_8 = arith.addi %mul3A_6, %add3A_7 : i32
    "tpu.region"() ({
      %run_scoped3A = tpu.sem_alloc : memref<!tpu.dma_semaphore, #tpu.memory_space<semaphore_mem>>
      %dma_start3A_80 = arith.constant 0 : i32
      %dma_start3A_81 = tpu.memref_slice %arg15[%add3A_8, %dma_start3A_80] : memref<10112x64xf32, #tpu.memory_space<vmem_shared>> -> memref<128x64xf32, #tpu.memory_space<vmem_shared>>
      %dma_start3A_82 = arith.constant 0 : i32
      %dma_start3A_83 = tpu.memref_slice %arg15[%add3A_8, %dma_start3A_82] : memref<10112x64xf32, #tpu.memory_space<vmem_shared>> -> memref<128x64xf32, #tpu.memory_space<vmem_shared>>
      tpu.enqueue_dma source(%arg14 : memref<128x64xf32, #tpu.memory_space<vmem>>) target(%dma_start3A_83 : memref<128x64xf32, #tpu.memory_space<vmem_shared>>) target_semaphore(%run_scoped3A : memref<!tpu.dma_semaphore, #tpu.memory_space<semaphore_mem>>)
      %dma_wait3A_84 = arith.constant 0 : i32
      %dma_wait3A_85 = tpu.memref_slice %arg15[%add3A_8, %dma_wait3A_84] : memref<10112x64xf32, #tpu.memory_space<vmem_shared>> -> memref<128x64xf32, #tpu.memory_space<vmem_shared>>
      %dma_wait3A_86 = arith.constant 0 : i32
      %dma_wait3A_87 = tpu.memref_slice %arg15[%add3A_8, %dma_wait3A_86] : memref<10112x64xf32, #tpu.memory_space<vmem_shared>> -> memref<128x64xf32, #tpu.memory_space<vmem_shared>>
      tpu.wait_dma2 semaphore(%run_scoped3A : memref<!tpu.dma_semaphore, #tpu.memory_space<semaphore_mem>>) src(%arg14 : memref<128x64xf32, #tpu.memory_space<vmem>>) dst(%dma_wait3A_87 : memref<128x64xf32, #tpu.memory_space<vmem_shared>>)
      tpu.yield
    }) : () -> ()
    %mul3A_9 = arith.constant 632 : i32
    %mul3A_10 = arith.muli %arg1, %mul3A_9 : i32
    %add3A_11 = arith.constant 256 : i32
    %add3A_12 = arith.addi %mul3A_10, %add3A_11 : i32
    "tpu.region"() ({
      %run_scoped3A = tpu.sem_alloc : memref<!tpu.dma_semaphore, #tpu.memory_space<semaphore_mem>>
      %dma_start3A_80 = arith.constant 0 : i32
      %dma_start3A_81 = tpu.memref_slice %arg15[%add3A_12, %dma_start3A_80] : memref<10112x64xf32, #tpu.memory_space<vmem_shared>> -> memref<128x64xf32, #tpu.memory_space<vmem_shared>>
      %dma_start3A_82 = arith.constant 0 : i32
      %dma_start3A_83 = tpu.memref_slice %arg15[%add3A_12, %dma_start3A_82] : memref<10112x64xf32, #tpu.memory_space<vmem_shared>> -> memref<128x64xf32, #tpu.memory_space<vmem_shared>>
      tpu.enqueue_dma source(%arg14 : memref<128x64xf32, #tpu.memory_space<vmem>>) target(%dma_start3A_83 : memref<128x64xf32, #tpu.memory_space<vmem_shared>>) target_semaphore(%run_scoped3A : memref<!tpu.dma_semaphore, #tpu.memory_space<semaphore_mem>>)
      %dma_wait3A_84 = arith.constant 0 : i32
      %dma_wait3A_85 = tpu.memref_slice %arg15[%add3A_12, %dma_wait3A_84] : memref<10112x64xf32, #tpu.memory_space<vmem_shared>> -> memref<128x64xf32, #tpu.memory_space<vmem_shared>>
      %dma_wait3A_86 = arith.constant 0 : i32
      %dma_wait3A_87 = tpu.memref_slice %arg15[%add3A_12, %dma_wait3A_86] : memref<10112x64xf32, #tpu.memory_space<vmem_shared>> -> memref<128x64xf32, #tpu.memory_space<vmem_shared>>
      tpu.wait_dma2 semaphore(%run_scoped3A : memref<!tpu.dma_semaphore, #tpu.memory_space<semaphore_mem>>) src(%arg14 : memref<128x64xf32, #tpu.memory_space<vmem>>) dst(%dma_wait3A_87 : memref<128x64xf32, #tpu.memory_space<vmem_shared>>)
      tpu.yield
    }) : () -> ()
    %mul3A_13 = arith.constant 632 : i32
    %mul3A_14 = arith.muli %arg1, %mul3A_13 : i32
    %add3A_15 = arith.constant 384 : i32
    %add3A_16 = arith.addi %mul3A_14, %add3A_15 : i32
    "tpu.region"() ({
      %run_scoped3A = tpu.sem_alloc : memref<!tpu.dma_semaphore, #tpu.memory_space<semaphore_mem>>
      %dma_start3A_80 = arith.constant 0 : i32
      %dma_start3A_81 = tpu.memref_slice %arg15[%add3A_16, %dma_start3A_80] : memref<10112x64xf32, #tpu.memory_space<vmem_shared>> -> memref<128x64xf32, #tpu.memory_space<vmem_shared>>
      %dma_start3A_82 = arith.constant 0 : i32
      %dma_start3A_83 = tpu.memref_slice %arg15[%add3A_16, %dma_start3A_82] : memref<10112x64xf32, #tpu.memory_space<vmem_shared>> -> memref<128x64xf32, #tpu.memory_space<vmem_shared>>
      tpu.enqueue_dma source(%arg14 : memref<128x64xf32, #tpu.memory_space<vmem>>) target(%dma_start3A_83 : memref<128x64xf32, #tpu.memory_space<vmem_shared>>) target_semaphore(%run_scoped3A : memref<!tpu.dma_semaphore, #tpu.memory_space<semaphore_mem>>)
      %dma_wait3A_84 = arith.constant 0 : i32
      %dma_wait3A_85 = tpu.memref_slice %arg15[%add3A_16, %dma_wait3A_84] : memref<10112x64xf32, #tpu.memory_space<vmem_shared>> -> memref<128x64xf32, #tpu.memory_space<vmem_shared>>
      %dma_wait3A_86 = arith.constant 0 : i32
      %dma_wait3A_87 = tpu.memref_slice %arg15[%add3A_16, %dma_wait3A_86] : memref<10112x64xf32, #tpu.memory_space<vmem_shared>> -> memref<128x64xf32, #tpu.memory_space<vmem_shared>>
      tpu.wait_dma2 semaphore(%run_scoped3A : memref<!tpu.dma_semaphore, #tpu.memory_space<semaphore_mem>>) src(%arg14 : memref<128x64xf32, #tpu.memory_space<vmem>>) dst(%dma_wait3A_87 : memref<128x64xf32, #tpu.memory_space<vmem_shared>>)
      tpu.yield
    }) : () -> ()
    %barrier3A = arith.constant 0 : index
    tpu.barrier barrier_id(%barrier3A)
    %dma_start3A = arith.constant 0 : i32
    %dma_start3A_17 = arith.constant 0 : i32
    %dma_start3A_18 = tpu.memref_slice %arg7[%dma_start3A, %dma_start3A_17] : memref<160x64xi32, #tpu.memory_space<vmem>> -> memref<1x64xi32, #tpu.memory_space<vmem>>
    %dma_start3A_19 = tpu.memref_squeeze %dma_start3A_18 : memref<1x64xi32, #tpu.memory_space<vmem>> -> memref<64xi32, #tpu.memory_space<vmem>>
    %dma_start3A_20 = arith.constant 0 : i32
    %dma_start3A_21 = arith.constant 0 : i32
    %dma_start3A_22 = tpu.memref_slice %arg2[%dma_start3A_20, %dma_start3A_21] : memref<10000x64xf32, #tpu.memory_space<hbm>> -> memref<10000x64xf32, #tpu.memory_space<hbm>>
    tpu.enqueue_indirect_dma source(%dma_start3A_22 : memref<10000x64xf32, #tpu.memory_space<hbm>>) target(%arg9 : memref<64x64xf32, #tpu.memory_space<vmem>>) offsets(%dma_start3A_19 : memref<64xi32, #tpu.memory_space<vmem>>) semaphore(%arg16 : memref<!tpu.dma_semaphore, #tpu.memory_space<semaphore_mem>>)
    %dma_start3A_23 = arith.constant 1 : i32
    %dma_start3A_24 = arith.constant 0 : i32
    %dma_start3A_25 = tpu.memref_slice %arg7[%dma_start3A_23, %dma_start3A_24] : memref<160x64xi32, #tpu.memory_space<vmem>> -> memref<1x64xi32, #tpu.memory_space<vmem>>
    %dma_start3A_26 = tpu.memref_squeeze %dma_start3A_25 : memref<1x64xi32, #tpu.memory_space<vmem>> -> memref<64xi32, #tpu.memory_space<vmem>>
    %dma_start3A_27 = arith.constant 0 : i32
    %dma_start3A_28 = arith.constant 0 : i32
    %dma_start3A_29 = tpu.memref_slice %arg2[%dma_start3A_27, %dma_start3A_28] : memref<10000x64xf32, #tpu.memory_space<hbm>> -> memref<10000x64xf32, #tpu.memory_space<hbm>>
    tpu.enqueue_indirect_dma source(%dma_start3A_29 : memref<10000x64xf32, #tpu.memory_space<hbm>>) target(%arg10 : memref<64x64xf32, #tpu.memory_space<vmem>>) offsets(%dma_start3A_26 : memref<64xi32, #tpu.memory_space<vmem>>) semaphore(%arg17 : memref<!tpu.dma_semaphore, #tpu.memory_space<semaphore_mem>>)
    %dma_start3A_30 = arith.constant 2 : i32
    %dma_start3A_31 = arith.constant 0 : i32
    %dma_start3A_32 = tpu.memref_slice %arg7[%dma_start3A_30, %dma_start3A_31] : memref<160x64xi32, #tpu.memory_space<vmem>> -> memref<1x64xi32, #tpu.memory_space<vmem>>
    %dma_start3A_33 = tpu.memref_squeeze %dma_start3A_32 : memref<1x64xi32, #tpu.memory_space<vmem>> -> memref<64xi32, #tpu.memory_space<vmem>>
    %dma_start3A_34 = arith.constant 0 : i32
    %dma_start3A_35 = arith.constant 0 : i32
    %dma_start3A_36 = tpu.memref_slice %arg2[%dma_start3A_34, %dma_start3A_35] : memref<10000x64xf32, #tpu.memory_space<hbm>> -> memref<10000x64xf32, #tpu.memory_space<hbm>>
    tpu.enqueue_indirect_dma source(%dma_start3A_36 : memref<10000x64xf32, #tpu.memory_space<hbm>>) target(%arg11 : memref<64x64xf32, #tpu.memory_space<vmem>>) offsets(%dma_start3A_33 : memref<64xi32, #tpu.memory_space<vmem>>) semaphore(%arg18 : memref<!tpu.dma_semaphore, #tpu.memory_space<semaphore_mem>>)
    %scan3A = arith.constant 0 : i32
    %scan3A_37 = arith.constant 0 : i32
    %scan3A_38 = arith.constant 32 : i32
    %scan3A_39 = arith.addi %scan3A_37, %scan3A_38 : i32
    %scan3A_40 = arith.constant 1 : i32
    %scan3A_41 = scf.for %scan3A_80 = %scan3A_37 to %scan3A_39 step %scan3A_40 iter_args(%scan3A_81 = %scan3A) -> (i32)  : i32 {
      %mul3A_82 = arith.constant 5 : i32
      %mul3A_83 = arith.muli %scan3A_80, %mul3A_82 : i32
      %add3A_84 = arith.constant 0 : i32
      %add3A_85 = arith.addi %mul3A_83, %add3A_84 : i32
      %dma_wait3A_86 = arith.constant 0 : i32
      %dma_wait3A_87 = tpu.memref_slice %arg7[%add3A_85, %dma_wait3A_86] : memref<160x64xi32, #tpu.memory_space<vmem>> -> memref<1x64xi32, #tpu.memory_space<vmem>>
      %dma_wait3A_88 = tpu.memref_squeeze %dma_wait3A_87 : memref<1x64xi32, #tpu.memory_space<vmem>> -> memref<64xi32, #tpu.memory_space<vmem>>
      %dma_wait3A_89 = arith.constant 0 : i32
      %dma_wait3A_90 = arith.constant 0 : i32
      %dma_wait3A_91 = tpu.memref_slice %arg2[%dma_wait3A_89, %dma_wait3A_90] : memref<10000x64xf32, #tpu.memory_space<hbm>> -> memref<10000x64xf32, #tpu.memory_space<hbm>>
      tpu.wait_indirect_dma semaphore(%arg16 : memref<!tpu.dma_semaphore, #tpu.memory_space<semaphore_mem>>) src(%dma_wait3A_91 : memref<10000x64xf32, #tpu.memory_space<hbm>>) dst(%arg9 : memref<64x64xf32, #tpu.memory_space<vmem>>)
      %dma_start3A_92 = arith.constant 0 : i32
      %dma_start3A_93 = tpu.memref_slice %arg8[%add3A_85, %dma_start3A_92] : memref<160x64xi32, #tpu.memory_space<vmem>> -> memref<1x64xi32, #tpu.memory_space<vmem>>
      %dma_start3A_94 = tpu.memref_squeeze %dma_start3A_93 : memref<1x64xi32, #tpu.memory_space<vmem>> -> memref<64xi32, #tpu.memory_space<vmem>>
      %dma_start3A_95 = arith.constant 0 : i32
      %dma_start3A_96 = arith.constant 0 : i32
      %dma_start3A_97 = tpu.memref_slice %arg15[%dma_start3A_95, %dma_start3A_96] : memref<10112x64xf32, #tpu.memory_space<vmem_shared>> -> memref<10112x64xf32, #tpu.memory_space<vmem_shared>>
      tpu.enqueue_indirect_dma source(%arg9 : memref<64x64xf32, #tpu.memory_space<vmem>>) target(%dma_start3A_97 : memref<10112x64xf32, #tpu.memory_space<vmem_shared>>) offsets(%dma_start3A_94 : memref<64xi32, #tpu.memory_space<vmem>>) semaphore(%arg21 : memref<!tpu.dma_semaphore, #tpu.memory_space<semaphore_mem>>) {add = true}
      %add3A_98 = arith.constant 3 : i32
      %add3A_99 = arith.addi %add3A_85, %add3A_98 : i32
      %ge3A = arith.constant 5 : i32
      %ge3A_100 = arith.cmpi sge, %add3A_99, %ge3A : i32
      %lt3A = arith.constant 160 : i32
      %lt3A_101 = arith.cmpi slt, %add3A_99, %lt3A : i32
      %and3A = arith.andi %ge3A_100, %lt3A_101 : i1
      %convert_element_type3A = arith.extui %and3A : i1 to i32
      %cond3A = arith.constant 0 : i32
      %cond3A_102 = arith.cmpi ne, %convert_element_type3A, %cond3A : i32
      scf.if %cond3A_102 {
        %sub3A = arith.constant 5 : i32
        %sub3A_233 = arith.subi %add3A_99, %sub3A : i32
        %dma_wait3A_234 = arith.constant 0 : i32
        %dma_wait3A_235 = tpu.memref_slice %arg8[%sub3A_233, %dma_wait3A_234] : memref<160x64xi32, #tpu.memory_space<vmem>> -> memref<1x64xi32, #tpu.memory_space<vmem>>
        %dma_wait3A_236 = tpu.memref_squeeze %dma_wait3A_235 : memref<1x64xi32, #tpu.memory_space<vmem>> -> memref<64xi32, #tpu.memory_space<vmem>>
        %dma_wait3A_237 = arith.constant 0 : i32
        %dma_wait3A_238 = arith.constant 0 : i32
        %dma_wait3A_239 = tpu.memref_slice %arg15[%dma_wait3A_237, %dma_wait3A_238] : memref<10112x64xf32, #tpu.memory_space<vmem_shared>> -> memref<10112x64xf32, #tpu.memory_space<vmem_shared>>
        tpu.wait_indirect_dma semaphore(%arg24 : memref<!tpu.dma_semaphore, #tpu.memory_space<semaphore_mem>>) src(%arg12 : memref<64x64xf32, #tpu.memory_space<vmem>>) dst(%dma_wait3A_239 : memref<10112x64xf32, #tpu.memory_space<vmem_shared>>)
      } else {
      }
      %lt3A_103 = arith.constant 160 : i32
      %lt3A_104 = arith.cmpi slt, %add3A_99, %lt3A_103 : i32
      %convert_element_type3A_105 = arith.extui %lt3A_104 : i1 to i32
      %cond3A_106 = arith.constant 0 : i32
      %cond3A_107 = arith.cmpi ne, %convert_element_type3A_105, %cond3A_106 : i32
      scf.if %cond3A_107 {
        %dma_start3A_233 = arith.constant 0 : i32
        %dma_start3A_234 = tpu.memref_slice %arg7[%add3A_99, %dma_start3A_233] : memref<160x64xi32, #tpu.memory_space<vmem>> -> memref<1x64xi32, #tpu.memory_space<vmem>>
        %dma_start3A_235 = tpu.memref_squeeze %dma_start3A_234 : memref<1x64xi32, #tpu.memory_space<vmem>> -> memref<64xi32, #tpu.memory_space<vmem>>
        %dma_start3A_236 = arith.constant 0 : i32
        %dma_start3A_237 = arith.constant 0 : i32
        %dma_start3A_238 = tpu.memref_slice %arg2[%dma_start3A_236, %dma_start3A_237] : memref<10000x64xf32, #tpu.memory_space<hbm>> -> memref<10000x64xf32, #tpu.memory_space<hbm>>
        tpu.enqueue_indirect_dma source(%dma_start3A_238 : memref<10000x64xf32, #tpu.memory_space<hbm>>) target(%arg12 : memref<64x64xf32, #tpu.memory_space<vmem>>) offsets(%dma_start3A_235 : memref<64xi32, #tpu.memory_space<vmem>>) semaphore(%arg19 : memref<!tpu.dma_semaphore, #tpu.memory_space<semaphore_mem>>)
      } else {
      }
      %mul3A_108 = arith.constant 5 : i32
      %mul3A_109 = arith.muli %scan3A_80, %mul3A_108 : i32
      %add3A_110 = arith.constant 1 : i32
      %add3A_111 = arith.addi %mul3A_109, %add3A_110 : i32
      %dma_wait3A_112 = arith.constant 0 : i32
      %dma_wait3A_113 = tpu.memref_slice %arg7[%add3A_111, %dma_wait3A_112] : memref<160x64xi32, #tpu.memory_space<vmem>> -> memref<1x64xi32, #tpu.memory_space<vmem>>
      %dma_wait3A_114 = tpu.memref_squeeze %dma_wait3A_113 : memref<1x64xi32, #tpu.memory_space<vmem>> -> memref<64xi32, #tpu.memory_space<vmem>>
      %dma_wait3A_115 = arith.constant 0 : i32
      %dma_wait3A_116 = arith.constant 0 : i32
      %dma_wait3A_117 = tpu.memref_slice %arg2[%dma_wait3A_115, %dma_wait3A_116] : memref<10000x64xf32, #tpu.memory_space<hbm>> -> memref<10000x64xf32, #tpu.memory_space<hbm>>
      tpu.wait_indirect_dma semaphore(%arg17 : memref<!tpu.dma_semaphore, #tpu.memory_space<semaphore_mem>>) src(%dma_wait3A_117 : memref<10000x64xf32, #tpu.memory_space<hbm>>) dst(%arg10 : memref<64x64xf32, #tpu.memory_space<vmem>>)
      %dma_start3A_118 = arith.constant 0 : i32
      %dma_start3A_119 = tpu.memref_slice %arg8[%add3A_111, %dma_start3A_118] : memref<160x64xi32, #tpu.memory_space<vmem>> -> memref<1x64xi32, #tpu.memory_space<vmem>>
      %dma_start3A_120 = tpu.memref_squeeze %dma_start3A_119 : memref<1x64xi32, #tpu.memory_space<vmem>> -> memref<64xi32, #tpu.memory_space<vmem>>
      %dma_start3A_121 = arith.constant 0 : i32
      %dma_start3A_122 = arith.constant 0 : i32
      %dma_start3A_123 = tpu.memref_slice %arg15[%dma_start3A_121, %dma_start3A_122] : memref<10112x64xf32, #tpu.memory_space<vmem_shared>> -> memref<10112x64xf32, #tpu.memory_space<vmem_shared>>
      tpu.enqueue_indirect_dma source(%arg10 : memref<64x64xf32, #tpu.memory_space<vmem>>) target(%dma_start3A_123 : memref<10112x64xf32, #tpu.memory_space<vmem_shared>>) offsets(%dma_start3A_120 : memref<64xi32, #tpu.memory_space<vmem>>) semaphore(%arg22 : memref<!tpu.dma_semaphore, #tpu.memory_space<semaphore_mem>>) {add = true}
      %add3A_124 = arith.constant 3 : i32
      %add3A_125 = arith.addi %add3A_111, %add3A_124 : i32
      %ge3A_126 = arith.constant 5 : i32
      %ge3A_127 = arith.cmpi sge, %add3A_125, %ge3A_126 : i32
      %lt3A_128 = arith.constant 160 : i32
      %lt3A_129 = arith.cmpi slt, %add3A_125, %lt3A_128 : i32
      %and3A_130 = arith.andi %ge3A_127, %lt3A_129 : i1
      %convert_element_type3A_131 = arith.extui %and3A_130 : i1 to i32
      %cond3A_132 = arith.constant 0 : i32
      %cond3A_133 = arith.cmpi ne, %convert_element_type3A_131, %cond3A_132 : i32
      scf.if %cond3A_133 {
        %sub3A = arith.constant 5 : i32
        %sub3A_233 = arith.subi %add3A_125, %sub3A : i32
        %dma_wait3A_234 = arith.constant 0 : i32
        %dma_wait3A_235 = tpu.memref_slice %arg8[%sub3A_233, %dma_wait3A_234] : memref<160x64xi32, #tpu.memory_space<vmem>> -> memref<1x64xi32, #tpu.memory_space<vmem>>
        %dma_wait3A_236 = tpu.memref_squeeze %dma_wait3A_235 : memref<1x64xi32, #tpu.memory_space<vmem>> -> memref<64xi32, #tpu.memory_space<vmem>>
        %dma_wait3A_237 = arith.constant 0 : i32
        %dma_wait3A_238 = arith.constant 0 : i32
        %dma_wait3A_239 = tpu.memref_slice %arg15[%dma_wait3A_237, %dma_wait3A_238] : memref<10112x64xf32, #tpu.memory_space<vmem_shared>> -> memref<10112x64xf32, #tpu.memory_space<vmem_shared>>
        tpu.wait_indirect_dma semaphore(%arg25 : memref<!tpu.dma_semaphore, #tpu.memory_space<semaphore_mem>>) src(%arg13 : memref<64x64xf32, #tpu.memory_space<vmem>>) dst(%dma_wait3A_239 : memref<10112x64xf32, #tpu.memory_space<vmem_shared>>)
      } else {
      }
      %lt3A_134 = arith.constant 160 : i32
      %lt3A_135 = arith.cmpi slt, %add3A_125, %lt3A_134 : i32
      %convert_element_type3A_136 = arith.extui %lt3A_135 : i1 to i32
      %cond3A_137 = arith.constant 0 : i32
      %cond3A_138 = arith.cmpi ne, %convert_element_type3A_136, %cond3A_137 : i32
      scf.if %cond3A_138 {
        %dma_start3A_233 = arith.constant 0 : i32
        %dma_start3A_234 = tpu.memref_slice %arg7[%add3A_125, %dma_start3A_233] : memref<160x64xi32, #tpu.memory_space<vmem>> -> memref<1x64xi32, #tpu.memory_space<vmem>>
        %dma_start3A_235 = tpu.memref_squeeze %dma_start3A_234 : memref<1x64xi32, #tpu.memory_space<vmem>> -> memref<64xi32, #tpu.memory_space<vmem>>
        %dma_start3A_236 = arith.constant 0 : i32
        %dma_start3A_237 = arith.constant 0 : i32
        %dma_start3A_238 = tpu.memref_slice %arg2[%dma_start3A_236, %dma_start3A_237] : memref<10000x64xf32, #tpu.memory_space<hbm>> -> memref<10000x64xf32, #tpu.memory_space<hbm>>
        tpu.enqueue_indirect_dma source(%dma_start3A_238 : memref<10000x64xf32, #tpu.memory_space<hbm>>) target(%arg13 : memref<64x64xf32, #tpu.memory_space<vmem>>) offsets(%dma_start3A_235 : memref<64xi32, #tpu.memory_space<vmem>>) semaphore(%arg20 : memref<!tpu.dma_semaphore, #tpu.memory_space<semaphore_mem>>)
      } else {
      }
      %mul3A_139 = arith.constant 5 : i32
      %mul3A_140 = arith.muli %scan3A_80, %mul3A_139 : i32
      %add3A_141 = arith.constant 2 : i32
      %add3A_142 = arith.addi %mul3A_140, %add3A_141 : i32
      %dma_wait3A_143 = arith.constant 0 : i32
      %dma_wait3A_144 = tpu.memref_slice %arg7[%add3A_142, %dma_wait3A_143] : memref<160x64xi32, #tpu.memory_space<vmem>> -> memref<1x64xi32, #tpu.memory_space<vmem>>
      %dma_wait3A_145 = tpu.memref_squeeze %dma_wait3A_144 : memref<1x64xi32, #tpu.memory_space<vmem>> -> memref<64xi32, #tpu.memory_space<vmem>>
      %dma_wait3A_146 = arith.constant 0 : i32
      %dma_wait3A_147 = arith.constant 0 : i32
      %dma_wait3A_148 = tpu.memref_slice %arg2[%dma_wait3A_146, %dma_wait3A_147] : memref<10000x64xf32, #tpu.memory_space<hbm>> -> memref<10000x64xf32, #tpu.memory_space<hbm>>
      tpu.wait_indirect_dma semaphore(%arg18 : memref<!tpu.dma_semaphore, #tpu.memory_space<semaphore_mem>>) src(%dma_wait3A_148 : memref<10000x64xf32, #tpu.memory_space<hbm>>) dst(%arg11 : memref<64x64xf32, #tpu.memory_space<vmem>>)
      %dma_start3A_149 = arith.constant 0 : i32
      %dma_start3A_150 = tpu.memref_slice %arg8[%add3A_142, %dma_start3A_149] : memref<160x64xi32, #tpu.memory_space<vmem>> -> memref<1x64xi32, #tpu.memory_space<vmem>>
      %dma_start3A_151 = tpu.memref_squeeze %dma_start3A_150 : memref<1x64xi32, #tpu.memory_space<vmem>> -> memref<64xi32, #tpu.memory_space<vmem>>
      %dma_start3A_152 = arith.constant 0 : i32
      %dma_start3A_153 = arith.constant 0 : i32
      %dma_start3A_154 = tpu.memref_slice %arg15[%dma_start3A_152, %dma_start3A_153] : memref<10112x64xf32, #tpu.memory_space<vmem_shared>> -> memref<10112x64xf32, #tpu.memory_space<vmem_shared>>
      tpu.enqueue_indirect_dma source(%arg11 : memref<64x64xf32, #tpu.memory_space<vmem>>) target(%dma_start3A_154 : memref<10112x64xf32, #tpu.memory_space<vmem_shared>>) offsets(%dma_start3A_151 : memref<64xi32, #tpu.memory_space<vmem>>) semaphore(%arg23 : memref<!tpu.dma_semaphore, #tpu.memory_space<semaphore_mem>>) {add = true}
      %add3A_155 = arith.constant 3 : i32
      %add3A_156 = arith.addi %add3A_142, %add3A_155 : i32
      %ge3A_157 = arith.constant 5 : i32
      %ge3A_158 = arith.cmpi sge, %add3A_156, %ge3A_157 : i32
      %lt3A_159 = arith.constant 160 : i32
      %lt3A_160 = arith.cmpi slt, %add3A_156, %lt3A_159 : i32
      %and3A_161 = arith.andi %ge3A_158, %lt3A_160 : i1
      %convert_element_type3A_162 = arith.extui %and3A_161 : i1 to i32
      %cond3A_163 = arith.constant 0 : i32
      %cond3A_164 = arith.cmpi ne, %convert_element_type3A_162, %cond3A_163 : i32
      scf.if %cond3A_164 {
        %sub3A = arith.constant 5 : i32
        %sub3A_233 = arith.subi %add3A_156, %sub3A : i32
        %dma_wait3A_234 = arith.constant 0 : i32
        %dma_wait3A_235 = tpu.memref_slice %arg8[%sub3A_233, %dma_wait3A_234] : memref<160x64xi32, #tpu.memory_space<vmem>> -> memref<1x64xi32, #tpu.memory_space<vmem>>
        %dma_wait3A_236 = tpu.memref_squeeze %dma_wait3A_235 : memref<1x64xi32, #tpu.memory_space<vmem>> -> memref<64xi32, #tpu.memory_space<vmem>>
        %dma_wait3A_237 = arith.constant 0 : i32
        %dma_wait3A_238 = arith.constant 0 : i32
        %dma_wait3A_239 = tpu.memref_slice %arg15[%dma_wait3A_237, %dma_wait3A_238] : memref<10112x64xf32, #tpu.memory_space<vmem_shared>> -> memref<10112x64xf32, #tpu.memory_space<vmem_shared>>
        tpu.wait_indirect_dma semaphore(%arg21 : memref<!tpu.dma_semaphore, #tpu.memory_space<semaphore_mem>>) src(%arg9 : memref<64x64xf32, #tpu.memory_space<vmem>>) dst(%dma_wait3A_239 : memref<10112x64xf32, #tpu.memory_space<vmem_shared>>)
      } else {
      }
      %lt3A_165 = arith.constant 160 : i32
      %lt3A_166 = arith.cmpi slt, %add3A_156, %lt3A_165 : i32
      %convert_element_type3A_167 = arith.extui %lt3A_166 : i1 to i32
      %cond3A_168 = arith.constant 0 : i32
      %cond3A_169 = arith.cmpi ne, %convert_element_type3A_167, %cond3A_168 : i32
      scf.if %cond3A_169 {
        %dma_start3A_233 = arith.constant 0 : i32
        %dma_start3A_234 = tpu.memref_slice %arg7[%add3A_156, %dma_start3A_233] : memref<160x64xi32, #tpu.memory_space<vmem>> -> memref<1x64xi32, #tpu.memory_space<vmem>>
        %dma_start3A_235 = tpu.memref_squeeze %dma_start3A_234 : memref<1x64xi32, #tpu.memory_space<vmem>> -> memref<64xi32, #tpu.memory_space<vmem>>
        %dma_start3A_236 = arith.constant 0 : i32
        %dma_start3A_237 = arith.constant 0 : i32
        %dma_start3A_238 = tpu.memref_slice %arg2[%dma_start3A_236, %dma_start3A_237] : memref<10000x64xf32, #tpu.memory_space<hbm>> -> memref<10000x64xf32, #tpu.memory_space<hbm>>
        tpu.enqueue_indirect_dma source(%dma_start3A_238 : memref<10000x64xf32, #tpu.memory_space<hbm>>) target(%arg9 : memref<64x64xf32, #tpu.memory_space<vmem>>) offsets(%dma_start3A_235 : memref<64xi32, #tpu.memory_space<vmem>>) semaphore(%arg16 : memref<!tpu.dma_semaphore, #tpu.memory_space<semaphore_mem>>)
      } else {
      }
      %mul3A_170 = arith.constant 5 : i32
      %mul3A_171 = arith.muli %scan3A_80, %mul3A_170 : i32
      %add3A_172 = arith.constant 3 : i32
      %add3A_173 = arith.addi %mul3A_171, %add3A_172 : i32
      %dma_wait3A_174 = arith.constant 0 : i32
      %dma_wait3A_175 = tpu.memref_slice %arg7[%add3A_173, %dma_wait3A_174] : memref<160x64xi32, #tpu.memory_space<vmem>> -> memref<1x64xi32, #tpu.memory_space<vmem>>
      %dma_wait3A_176 = tpu.memref_squeeze %dma_wait3A_175 : memref<1x64xi32, #tpu.memory_space<vmem>> -> memref<64xi32, #tpu.memory_space<vmem>>
      %dma_wait3A_177 = arith.constant 0 : i32
      %dma_wait3A_178 = arith.constant 0 : i32
      %dma_wait3A_179 = tpu.memref_slice %arg2[%dma_wait3A_177, %dma_wait3A_178] : memref<10000x64xf32, #tpu.memory_space<hbm>> -> memref<10000x64xf32, #tpu.memory_space<hbm>>
      tpu.wait_indirect_dma semaphore(%arg19 : memref<!tpu.dma_semaphore, #tpu.memory_space<semaphore_mem>>) src(%dma_wait3A_179 : memref<10000x64xf32, #tpu.memory_space<hbm>>) dst(%arg12 : memref<64x64xf32, #tpu.memory_space<vmem>>)
      %dma_start3A_180 = arith.constant 0 : i32
      %dma_start3A_181 = tpu.memref_slice %arg8[%add3A_173, %dma_start3A_180] : memref<160x64xi32, #tpu.memory_space<vmem>> -> memref<1x64xi32, #tpu.memory_space<vmem>>
      %dma_start3A_182 = tpu.memref_squeeze %dma_start3A_181 : memref<1x64xi32, #tpu.memory_space<vmem>> -> memref<64xi32, #tpu.memory_space<vmem>>
      %dma_start3A_183 = arith.constant 0 : i32
      %dma_start3A_184 = arith.constant 0 : i32
      %dma_start3A_185 = tpu.memref_slice %arg15[%dma_start3A_183, %dma_start3A_184] : memref<10112x64xf32, #tpu.memory_space<vmem_shared>> -> memref<10112x64xf32, #tpu.memory_space<vmem_shared>>
      tpu.enqueue_indirect_dma source(%arg12 : memref<64x64xf32, #tpu.memory_space<vmem>>) target(%dma_start3A_185 : memref<10112x64xf32, #tpu.memory_space<vmem_shared>>) offsets(%dma_start3A_182 : memref<64xi32, #tpu.memory_space<vmem>>) semaphore(%arg24 : memref<!tpu.dma_semaphore, #tpu.memory_space<semaphore_mem>>) {add = true}
      %add3A_186 = arith.constant 3 : i32
      %add3A_187 = arith.addi %add3A_173, %add3A_186 : i32
      %ge3A_188 = arith.constant 5 : i32
      %ge3A_189 = arith.cmpi sge, %add3A_187, %ge3A_188 : i32
      %lt3A_190 = arith.constant 160 : i32
      %lt3A_191 = arith.cmpi slt, %add3A_187, %lt3A_190 : i32
      %and3A_192 = arith.andi %ge3A_189, %lt3A_191 : i1
      %convert_element_type3A_193 = arith.extui %and3A_192 : i1 to i32
      %cond3A_194 = arith.constant 0 : i32
      %cond3A_195 = arith.cmpi ne, %convert_element_type3A_193, %cond3A_194 : i32
      scf.if %cond3A_195 {
        %sub3A = arith.constant 5 : i32
        %sub3A_233 = arith.subi %add3A_187, %sub3A : i32
        %dma_wait3A_234 = arith.constant 0 : i32
        %dma_wait3A_235 = tpu.memref_slice %arg8[%sub3A_233, %dma_wait3A_234] : memref<160x64xi32, #tpu.memory_space<vmem>> -> memref<1x64xi32, #tpu.memory_space<vmem>>
        %dma_wait3A_236 = tpu.memref_squeeze %dma_wait3A_235 : memref<1x64xi32, #tpu.memory_space<vmem>> -> memref<64xi32, #tpu.memory_space<vmem>>
        %dma_wait3A_237 = arith.constant 0 : i32
        %dma_wait3A_238 = arith.constant 0 : i32
        %dma_wait3A_239 = tpu.memref_slice %arg15[%dma_wait3A_237, %dma_wait3A_238] : memref<10112x64xf32, #tpu.memory_space<vmem_shared>> -> memref<10112x64xf32, #tpu.memory_space<vmem_shared>>
        tpu.wait_indirect_dma semaphore(%arg22 : memref<!tpu.dma_semaphore, #tpu.memory_space<semaphore_mem>>) src(%arg10 : memref<64x64xf32, #tpu.memory_space<vmem>>) dst(%dma_wait3A_239 : memref<10112x64xf32, #tpu.memory_space<vmem_shared>>)
      } else {
      }
      %lt3A_196 = arith.constant 160 : i32
      %lt3A_197 = arith.cmpi slt, %add3A_187, %lt3A_196 : i32
      %convert_element_type3A_198 = arith.extui %lt3A_197 : i1 to i32
      %cond3A_199 = arith.constant 0 : i32
      %cond3A_200 = arith.cmpi ne, %convert_element_type3A_198, %cond3A_199 : i32
      scf.if %cond3A_200 {
        %dma_start3A_233 = arith.constant 0 : i32
        %dma_start3A_234 = tpu.memref_slice %arg7[%add3A_187, %dma_start3A_233] : memref<160x64xi32, #tpu.memory_space<vmem>> -> memref<1x64xi32, #tpu.memory_space<vmem>>
        %dma_start3A_235 = tpu.memref_squeeze %dma_start3A_234 : memref<1x64xi32, #tpu.memory_space<vmem>> -> memref<64xi32, #tpu.memory_space<vmem>>
        %dma_start3A_236 = arith.constant 0 : i32
        %dma_start3A_237 = arith.constant 0 : i32
        %dma_start3A_238 = tpu.memref_slice %arg2[%dma_start3A_236, %dma_start3A_237] : memref<10000x64xf32, #tpu.memory_space<hbm>> -> memref<10000x64xf32, #tpu.memory_space<hbm>>
        tpu.enqueue_indirect_dma source(%dma_start3A_238 : memref<10000x64xf32, #tpu.memory_space<hbm>>) target(%arg10 : memref<64x64xf32, #tpu.memory_space<vmem>>) offsets(%dma_start3A_235 : memref<64xi32, #tpu.memory_space<vmem>>) semaphore(%arg17 : memref<!tpu.dma_semaphore, #tpu.memory_space<semaphore_mem>>)
      } else {
      }
      %mul3A_201 = arith.constant 5 : i32
      %mul3A_202 = arith.muli %scan3A_80, %mul3A_201 : i32
      %add3A_203 = arith.constant 4 : i32
      %add3A_204 = arith.addi %mul3A_202, %add3A_203 : i32
      %dma_wait3A_205 = arith.constant 0 : i32
      %dma_wait3A_206 = tpu.memref_slice %arg7[%add3A_204, %dma_wait3A_205] : memref<160x64xi32, #tpu.memory_space<vmem>> -> memref<1x64xi32, #tpu.memory_space<vmem>>
      %dma_wait3A_207 = tpu.memref_squeeze %dma_wait3A_206 : memref<1x64xi32, #tpu.memory_space<vmem>> -> memref<64xi32, #tpu.memory_space<vmem>>
      %dma_wait3A_208 = arith.constant 0 : i32
      %dma_wait3A_209 = arith.constant 0 : i32
      %dma_wait3A_210 = tpu.memref_slice %arg2[%dma_wait3A_208, %dma_wait3A_209] : memref<10000x64xf32, #tpu.memory_space<hbm>> -> memref<10000x64xf32, #tpu.memory_space<hbm>>
      tpu.wait_indirect_dma semaphore(%arg20 : memref<!tpu.dma_semaphore, #tpu.memory_space<semaphore_mem>>) src(%dma_wait3A_210 : memref<10000x64xf32, #tpu.memory_space<hbm>>) dst(%arg13 : memref<64x64xf32, #tpu.memory_space<vmem>>)
      %dma_start3A_211 = arith.constant 0 : i32
      %dma_start3A_212 = tpu.memref_slice %arg8[%add3A_204, %dma_start3A_211] : memref<160x64xi32, #tpu.memory_space<vmem>> -> memref<1x64xi32, #tpu.memory_space<vmem>>
      %dma_start3A_213 = tpu.memref_squeeze %dma_start3A_212 : memref<1x64xi32, #tpu.memory_space<vmem>> -> memref<64xi32, #tpu.memory_space<vmem>>
      %dma_start3A_214 = arith.constant 0 : i32
      %dma_start3A_215 = arith.constant 0 : i32
      %dma_start3A_216 = tpu.memref_slice %arg15[%dma_start3A_214, %dma_start3A_215] : memref<10112x64xf32, #tpu.memory_space<vmem_shared>> -> memref<10112x64xf32, #tpu.memory_space<vmem_shared>>
      tpu.enqueue_indirect_dma source(%arg13 : memref<64x64xf32, #tpu.memory_space<vmem>>) target(%dma_start3A_216 : memref<10112x64xf32, #tpu.memory_space<vmem_shared>>) offsets(%dma_start3A_213 : memref<64xi32, #tpu.memory_space<vmem>>) semaphore(%arg25 : memref<!tpu.dma_semaphore, #tpu.memory_space<semaphore_mem>>) {add = true}
      %add3A_217 = arith.constant 3 : i32
      %add3A_218 = arith.addi %add3A_204, %add3A_217 : i32
      %ge3A_219 = arith.constant 5 : i32
      %ge3A_220 = arith.cmpi sge, %add3A_218, %ge3A_219 : i32
      %lt3A_221 = arith.constant 160 : i32
      %lt3A_222 = arith.cmpi slt, %add3A_218, %lt3A_221 : i32
      %and3A_223 = arith.andi %ge3A_220, %lt3A_222 : i1
      %convert_element_type3A_224 = arith.extui %and3A_223 : i1 to i32
      %cond3A_225 = arith.constant 0 : i32
      %cond3A_226 = arith.cmpi ne, %convert_element_type3A_224, %cond3A_225 : i32
      scf.if %cond3A_226 {
        %sub3A = arith.constant 5 : i32
        %sub3A_233 = arith.subi %add3A_218, %sub3A : i32
        %dma_wait3A_234 = arith.constant 0 : i32
        %dma_wait3A_235 = tpu.memref_slice %arg8[%sub3A_233, %dma_wait3A_234] : memref<160x64xi32, #tpu.memory_space<vmem>> -> memref<1x64xi32, #tpu.memory_space<vmem>>
        %dma_wait3A_236 = tpu.memref_squeeze %dma_wait3A_235 : memref<1x64xi32, #tpu.memory_space<vmem>> -> memref<64xi32, #tpu.memory_space<vmem>>
        %dma_wait3A_237 = arith.constant 0 : i32
        %dma_wait3A_238 = arith.constant 0 : i32
        %dma_wait3A_239 = tpu.memref_slice %arg15[%dma_wait3A_237, %dma_wait3A_238] : memref<10112x64xf32, #tpu.memory_space<vmem_shared>> -> memref<10112x64xf32, #tpu.memory_space<vmem_shared>>
        tpu.wait_indirect_dma semaphore(%arg23 : memref<!tpu.dma_semaphore, #tpu.memory_space<semaphore_mem>>) src(%arg11 : memref<64x64xf32, #tpu.memory_space<vmem>>) dst(%dma_wait3A_239 : memref<10112x64xf32, #tpu.memory_space<vmem_shared>>)
      } else {
      }
      %lt3A_227 = arith.constant 160 : i32
      %lt3A_228 = arith.cmpi slt, %add3A_218, %lt3A_227 : i32
      %convert_element_type3A_229 = arith.extui %lt3A_228 : i1 to i32
      %cond3A_230 = arith.constant 0 : i32
      %cond3A_231 = arith.cmpi ne, %convert_element_type3A_229, %cond3A_230 : i32
      scf.if %cond3A_231 {
        %dma_start3A_233 = arith.constant 0 : i32
        %dma_start3A_234 = tpu.memref_slice %arg7[%add3A_218, %dma_start3A_233] : memref<160x64xi32, #tpu.memory_space<vmem>> -> memref<1x64xi32, #tpu.memory_space<vmem>>
        %dma_start3A_235 = tpu.memref_squeeze %dma_start3A_234 : memref<1x64xi32, #tpu.memory_space<vmem>> -> memref<64xi32, #tpu.memory_space<vmem>>
        %dma_start3A_236 = arith.constant 0 : i32
        %dma_start3A_237 = arith.constant 0 : i32
        %dma_start3A_238 = tpu.memref_slice %arg2[%dma_start3A_236, %dma_start3A_237] : memref<10000x64xf32, #tpu.memory_space<hbm>> -> memref<10000x64xf32, #tpu.memory_space<hbm>>
        tpu.enqueue_indirect_dma source(%dma_start3A_238 : memref<10000x64xf32, #tpu.memory_space<hbm>>) target(%arg11 : memref<64x64xf32, #tpu.memory_space<vmem>>) offsets(%dma_start3A_235 : memref<64xi32, #tpu.memory_space<vmem>>) semaphore(%arg18 : memref<!tpu.dma_semaphore, #tpu.memory_space<semaphore_mem>>)
      } else {
      }
      %scan3A_232 = arith.constant 0 : i32
      scf.yield %scan3A_232 : i32
    }
    %scan3A_42 = arith.constant 32 : i32
    %dma_wait3A = arith.constant 155 : i32
    %dma_wait3A_43 = arith.constant 0 : i32
    %dma_wait3A_44 = tpu.memref_slice %arg8[%dma_wait3A, %dma_wait3A_43] : memref<160x64xi32, #tpu.memory_space<vmem>> -> memref<1x64xi32, #tpu.memory_space<vmem>>
    %dma_wait3A_45 = tpu.memref_squeeze %dma_wait3A_44 : memref<1x64xi32, #tpu.memory_space<vmem>> -> memref<64xi32, #tpu.memory_space<vmem>>
    %dma_wait3A_46 = arith.constant 0 : i32
    %dma_wait3A_47 = arith.constant 0 : i32
    %dma_wait3A_48 = tpu.memref_slice %arg15[%dma_wait3A_46, %dma_wait3A_47] : memref<10112x64xf32, #tpu.memory_space<vmem_shared>> -> memref<10112x64xf32, #tpu.memory_space<vmem_shared>>
    tpu.wait_indirect_dma semaphore(%arg21 : memref<!tpu.dma_semaphore, #tpu.memory_space<semaphore_mem>>) src(%arg9 : memref<64x64xf32, #tpu.memory_space<vmem>>) dst(%dma_wait3A_48 : memref<10112x64xf32, #tpu.memory_space<vmem_shared>>)
    %dma_wait3A_49 = arith.constant 156 : i32
    %dma_wait3A_50 = arith.constant 0 : i32
    %dma_wait3A_51 = tpu.memref_slice %arg8[%dma_wait3A_49, %dma_wait3A_50] : memref<160x64xi32, #tpu.memory_space<vmem>> -> memref<1x64xi32, #tpu.memory_space<vmem>>
    %dma_wait3A_52 = tpu.memref_squeeze %dma_wait3A_51 : memref<1x64xi32, #tpu.memory_space<vmem>> -> memref<64xi32, #tpu.memory_space<vmem>>
    %dma_wait3A_53 = arith.constant 0 : i32
    %dma_wait3A_54 = arith.constant 0 : i32
    %dma_wait3A_55 = tpu.memref_slice %arg15[%dma_wait3A_53, %dma_wait3A_54] : memref<10112x64xf32, #tpu.memory_space<vmem_shared>> -> memref<10112x64xf32, #tpu.memory_space<vmem_shared>>
    tpu.wait_indirect_dma semaphore(%arg22 : memref<!tpu.dma_semaphore, #tpu.memory_space<semaphore_mem>>) src(%arg10 : memref<64x64xf32, #tpu.memory_space<vmem>>) dst(%dma_wait3A_55 : memref<10112x64xf32, #tpu.memory_space<vmem_shared>>)
    %dma_wait3A_56 = arith.constant 157 : i32
    %dma_wait3A_57 = arith.constant 0 : i32
    %dma_wait3A_58 = tpu.memref_slice %arg8[%dma_wait3A_56, %dma_wait3A_57] : memref<160x64xi32, #tpu.memory_space<vmem>> -> memref<1x64xi32, #tpu.memory_space<vmem>>
    %dma_wait3A_59 = tpu.memref_squeeze %dma_wait3A_58 : memref<1x64xi32, #tpu.memory_space<vmem>> -> memref<64xi32, #tpu.memory_space<vmem>>
    %dma_wait3A_60 = arith.constant 0 : i32
    %dma_wait3A_61 = arith.constant 0 : i32
    %dma_wait3A_62 = tpu.memref_slice %arg15[%dma_wait3A_60, %dma_wait3A_61] : memref<10112x64xf32, #tpu.memory_space<vmem_shared>> -> memref<10112x64xf32, #tpu.memory_space<vmem_shared>>
    tpu.wait_indirect_dma semaphore(%arg23 : memref<!tpu.dma_semaphore, #tpu.memory_space<semaphore_mem>>) src(%arg11 : memref<64x64xf32, #tpu.memory_space<vmem>>) dst(%dma_wait3A_62 : memref<10112x64xf32, #tpu.memory_space<vmem_shared>>)
    %dma_wait3A_63 = arith.constant 158 : i32
    %dma_wait3A_64 = arith.constant 0 : i32
    %dma_wait3A_65 = tpu.memref_slice %arg8[%dma_wait3A_63, %dma_wait3A_64] : memref<160x64xi32, #tpu.memory_space<vmem>> -> memref<1x64xi32, #tpu.memory_space<vmem>>
    %dma_wait3A_66 = tpu.memref_squeeze %dma_wait3A_65 : memref<1x64xi32, #tpu.memory_space<vmem>> -> memref<64xi32, #tpu.memory_space<vmem>>
    %dma_wait3A_67 = arith.constant 0 : i32
    %dma_wait3A_68 = arith.constant 0 : i32
    %dma_wait3A_69 = tpu.memref_slice %arg15[%dma_wait3A_67, %dma_wait3A_68] : memref<10112x64xf32, #tpu.memory_space<vmem_shared>> -> memref<10112x64xf32, #tpu.memory_space<vmem_shared>>
    tpu.wait_indirect_dma semaphore(%arg24 : memref<!tpu.dma_semaphore, #tpu.memory_space<semaphore_mem>>) src(%arg12 : memref<64x64xf32, #tpu.memory_space<vmem>>) dst(%dma_wait3A_69 : memref<10112x64xf32, #tpu.memory_space<vmem_shared>>)
    %dma_wait3A_70 = arith.constant 159 : i32
    %dma_wait3A_71 = arith.constant 0 : i32
    %dma_wait3A_72 = tpu.memref_slice %arg8[%dma_wait3A_70, %dma_wait3A_71] : memref<160x64xi32, #tpu.memory_space<vmem>> -> memref<1x64xi32, #tpu.memory_space<vmem>>
    %dma_wait3A_73 = tpu.memref_squeeze %dma_wait3A_72 : memref<1x64xi32, #tpu.memory_space<vmem>> -> memref<64xi32, #tpu.memory_space<vmem>>
    %dma_wait3A_74 = arith.constant 0 : i32
    %dma_wait3A_75 = arith.constant 0 : i32
    %dma_wait3A_76 = tpu.memref_slice %arg15[%dma_wait3A_74, %dma_wait3A_75] : memref<10112x64xf32, #tpu.memory_space<vmem_shared>> -> memref<10112x64xf32, #tpu.memory_space<vmem_shared>>
    tpu.wait_indirect_dma semaphore(%arg25 : memref<!tpu.dma_semaphore, #tpu.memory_space<semaphore_mem>>) src(%arg13 : memref<64x64xf32, #tpu.memory_space<vmem>>) dst(%dma_wait3A_76 : memref<10112x64xf32, #tpu.memory_space<vmem_shared>>)
    %barrier3A_77 = arith.constant 0 : index
    tpu.barrier barrier_id(%barrier3A_77)
    %mul3A_78 = arith.constant 632 : i32
    %mul3A_79 = arith.muli %arg1, %mul3A_78 : i32
    "tpu.region"() ({
      %run_scoped3A = tpu.sem_alloc : memref<!tpu.dma_semaphore, #tpu.memory_space<semaphore_mem>>
      %dma_start3A_80 = arith.constant 0 : i32
      %dma_start3A_81 = tpu.memref_slice %arg6[%arg0, %mul3A_79, %dma_start3A_80] : memref<2x10112x64xf32, #tpu.memory_space<hbm>> -> memref<1x632x64xf32, #tpu.memory_space<hbm>>
      %dma_start3A_82 = tpu.memref_squeeze %dma_start3A_81 : memref<1x632x64xf32, #tpu.memory_space<hbm>> -> memref<632x64xf32, #tpu.memory_space<hbm>>
      %dma_start3A_83 = arith.constant 0 : i32
      %dma_start3A_84 = tpu.memref_slice %arg15[%mul3A_79, %dma_start3A_83] : memref<10112x64xf32, #tpu.memory_space<vmem_shared>> -> memref<632x64xf32, #tpu.memory_space<vmem_shared>>
      tpu.enqueue_dma source(%dma_start3A_84 : memref<632x64xf32, #tpu.memory_space<vmem_shared>>) target(%dma_start3A_82 : memref<632x64xf32, #tpu.memory_space<hbm>>) target_semaphore(%run_scoped3A : memref<!tpu.dma_semaphore, #tpu.memory_space<semaphore_mem>>)
      %dma_wait3A_85 = arith.constant 0 : i32
      %dma_wait3A_86 = tpu.memref_slice %arg6[%arg0, %mul3A_79, %dma_wait3A_85] : memref<2x10112x64xf32, #tpu.memory_space<hbm>> -> memref<1x632x64xf32, #tpu.memory_space<hbm>>
      %dma_wait3A_87 = tpu.memref_squeeze %dma_wait3A_86 : memref<1x632x64xf32, #tpu.memory_space<hbm>> -> memref<632x64xf32, #tpu.memory_space<hbm>>
      %dma_wait3A_88 = arith.constant 0 : i32
      %dma_wait3A_89 = tpu.memref_slice %arg15[%mul3A_79, %dma_wait3A_88] : memref<10112x64xf32, #tpu.memory_space<vmem_shared>> -> memref<632x64xf32, #tpu.memory_space<vmem_shared>>
      tpu.wait_dma2 semaphore(%run_scoped3A : memref<!tpu.dma_semaphore, #tpu.memory_space<semaphore_mem>>) src(%dma_wait3A_89 : memref<632x64xf32, #tpu.memory_space<vmem_shared>>) dst(%dma_wait3A_87 : memref<632x64xf32, #tpu.memory_space<hbm>>)
      tpu.yield
    }) : () -> ()
    return
  }
}

#map = affine_map<(d0, d1) -> (0, 0)>
#map1 = affine_map<(d0, d1) -> (0, 0, 0)>
module attributes {stable_mosaic.version = 14 : i64} {
  func.func @edge_kernel(%arg0: i32, %arg1: i32, %arg2: memref<10000x64xf32, #tpu.memory_space<hbm>>, %arg3: memref<32x160x64xi32, #tpu.memory_space<hbm>>, %arg4: memref<32x160x64xi32, #tpu.memory_space<hbm>>, %arg5: memref<128x64xf32, #tpu.memory_space<hbm>>, %arg6: memref<2x10112x64xf32, #tpu.memory_space<hbm>>, %arg7: memref<160x64xi32, #tpu.memory_space<vmem>>, %arg8: memref<160x64xi32, #tpu.memory_space<vmem>>, %arg9: memref<64x64xf32, #tpu.memory_space<vmem>>, %arg10: memref<64x64xf32, #tpu.memory_space<vmem>>, %arg11: memref<64x64xf32, #tpu.memory_space<vmem>>, %arg12: memref<64x64xf32, #tpu.memory_space<vmem>>, %arg13: memref<64x64xf32, #tpu.memory_space<vmem>>, %arg14: memref<128x64xf32, #tpu.memory_space<vmem>>, %arg15: memref<10112x64xf32, #tpu.memory_space<vmem_shared>>, %arg16: memref<!tpu.dma_semaphore, #tpu.memory_space<semaphore_mem>>, %arg17: memref<!tpu.dma_semaphore, #tpu.memory_space<semaphore_mem>>, %arg18: memref<!tpu.dma_semaphore, #tpu.memory_space<semaphore_mem>>, %arg19: memref<!tpu.dma_semaphore, #tpu.memory_space<semaphore_mem>>, %arg20: memref<!tpu.dma_semaphore, #tpu.memory_space<semaphore_mem>>, %arg21: memref<!tpu.dma_semaphore, #tpu.memory_space<semaphore_mem>>, %arg22: memref<!tpu.dma_semaphore, #tpu.memory_space<semaphore_mem>>, %arg23: memref<!tpu.dma_semaphore, #tpu.memory_space<semaphore_mem>>, %arg24: memref<!tpu.dma_semaphore, #tpu.memory_space<semaphore_mem>>, %arg25: memref<!tpu.dma_semaphore, #tpu.memory_space<semaphore_mem>>) attributes {dimension_semantics = [#tpu.dimension_semantics<core_parallel>, #tpu.dimension_semantics<subcore_parallel>], iteration_bounds = array<i64: 2, 16>, scalar_prefetch = 0 : i64, scratch_operands = 19 : i64, tpu.core_type = #tpu.core_type<sc_vector_subcore>, window_params = [{transform_indices = #map}, {transform_indices = #map1}, {transform_indices = #map1}, {transform_indices = #map}, {transform_indices = #map1}]} {
    %mul3A = arith.constant 2 : i32
    %mul3A_0 = arith.muli %arg1, %mul3A : i32
    %add3A = arith.addi %mul3A_0, %arg0 : i32
    "tpu.region"() ({
      %run_scoped3A = tpu.sem_alloc : memref<!tpu.dma_semaphore, #tpu.memory_space<semaphore_mem>>
      %dma_start3A_80 = arith.constant 0 : i32
      %dma_start3A_81 = arith.constant 0 : i32
      %dma_start3A_82 = tpu.memref_slice %arg3[%add3A, %dma_start3A_80, %dma_start3A_81] : memref<32x160x64xi32, #tpu.memory_space<hbm>> -> memref<1x160x64xi32, #tpu.memory_space<hbm>>
      %dma_start3A_83 = tpu.memref_squeeze %dma_start3A_82 : memref<1x160x64xi32, #tpu.memory_space<hbm>> -> memref<160x64xi32, #tpu.memory_space<hbm>>
      %dma_start3A_84 = arith.constant 0 : i32
      %dma_start3A_85 = arith.constant 0 : i32
      %dma_start3A_86 = tpu.memref_slice %arg3[%add3A, %dma_start3A_84, %dma_start3A_85] : memref<32x160x64xi32, #tpu.memory_space<hbm>> -> memref<1x160x64xi32, #tpu.memory_space<hbm>>
      %dma_start3A_87 = tpu.memref_squeeze %dma_start3A_86 : memref<1x160x64xi32, #tpu.memory_space<hbm>> -> memref<160x64xi32, #tpu.memory_space<hbm>>
      tpu.enqueue_dma source(%dma_start3A_87 : memref<160x64xi32, #tpu.memory_space<hbm>>) target(%arg7 : memref<160x64xi32, #tpu.memory_space<vmem>>) target_semaphore(%run_scoped3A : memref<!tpu.dma_semaphore, #tpu.memory_space<semaphore_mem>>)
      %dma_wait3A_88 = arith.constant 0 : i32
      %dma_wait3A_89 = arith.constant 0 : i32
      %dma_wait3A_90 = tpu.memref_slice %arg3[%add3A, %dma_wait3A_88, %dma_wait3A_89] : memref<32x160x64xi32, #tpu.memory_space<hbm>> -> memref<1x160x64xi32, #tpu.memory_space<hbm>>
      %dma_wait3A_91 = tpu.memref_squeeze %dma_wait3A_90 : memref<1x160x64xi32, #tpu.memory_space<hbm>> -> memref<160x64xi32, #tpu.memory_space<hbm>>
      %dma_wait3A_92 = arith.constant 0 : i32
      %dma_wait3A_93 = arith.constant 0 : i32
      %dma_wait3A_94 = tpu.memref_slice %arg3[%add3A, %dma_wait3A_92, %dma_wait3A_93] : memref<32x160x64xi32, #tpu.memory_space<hbm>> -> memref<1x160x64xi32, #tpu.memory_space<hbm>>
      %dma_wait3A_95 = tpu.memref_squeeze %dma_wait3A_94 : memref<1x160x64xi32, #tpu.memory_space<hbm>> -> memref<160x64xi32, #tpu.memory_space<hbm>>
      tpu.wait_dma2 semaphore(%run_scoped3A : memref<!tpu.dma_semaphore, #tpu.memory_space<semaphore_mem>>) src(%dma_wait3A_95 : memref<160x64xi32, #tpu.memory_space<hbm>>) dst(%arg7 : memref<160x64xi32, #tpu.memory_space<vmem>>)
      tpu.yield
    }) : () -> ()
    "tpu.region"() ({
      %run_scoped3A = tpu.sem_alloc : memref<!tpu.dma_semaphore, #tpu.memory_space<semaphore_mem>>
      %dma_start3A_80 = arith.constant 0 : i32
      %dma_start3A_81 = arith.constant 0 : i32
      %dma_start3A_82 = tpu.memref_slice %arg4[%add3A, %dma_start3A_80, %dma_start3A_81] : memref<32x160x64xi32, #tpu.memory_space<hbm>> -> memref<1x160x64xi32, #tpu.memory_space<hbm>>
      %dma_start3A_83 = tpu.memref_squeeze %dma_start3A_82 : memref<1x160x64xi32, #tpu.memory_space<hbm>> -> memref<160x64xi32, #tpu.memory_space<hbm>>
      %dma_start3A_84 = arith.constant 0 : i32
      %dma_start3A_85 = arith.constant 0 : i32
      %dma_start3A_86 = tpu.memref_slice %arg4[%add3A, %dma_start3A_84, %dma_start3A_85] : memref<32x160x64xi32, #tpu.memory_space<hbm>> -> memref<1x160x64xi32, #tpu.memory_space<hbm>>
      %dma_start3A_87 = tpu.memref_squeeze %dma_start3A_86 : memref<1x160x64xi32, #tpu.memory_space<hbm>> -> memref<160x64xi32, #tpu.memory_space<hbm>>
      tpu.enqueue_dma source(%dma_start3A_87 : memref<160x64xi32, #tpu.memory_space<hbm>>) target(%arg8 : memref<160x64xi32, #tpu.memory_space<vmem>>) target_semaphore(%run_scoped3A : memref<!tpu.dma_semaphore, #tpu.memory_space<semaphore_mem>>)
      %dma_wait3A_88 = arith.constant 0 : i32
      %dma_wait3A_89 = arith.constant 0 : i32
      %dma_wait3A_90 = tpu.memref_slice %arg4[%add3A, %dma_wait3A_88, %dma_wait3A_89] : memref<32x160x64xi32, #tpu.memory_space<hbm>> -> memref<1x160x64xi32, #tpu.memory_space<hbm>>
      %dma_wait3A_91 = tpu.memref_squeeze %dma_wait3A_90 : memref<1x160x64xi32, #tpu.memory_space<hbm>> -> memref<160x64xi32, #tpu.memory_space<hbm>>
      %dma_wait3A_92 = arith.constant 0 : i32
      %dma_wait3A_93 = arith.constant 0 : i32
      %dma_wait3A_94 = tpu.memref_slice %arg4[%add3A, %dma_wait3A_92, %dma_wait3A_93] : memref<32x160x64xi32, #tpu.memory_space<hbm>> -> memref<1x160x64xi32, #tpu.memory_space<hbm>>
      %dma_wait3A_95 = tpu.memref_squeeze %dma_wait3A_94 : memref<1x160x64xi32, #tpu.memory_space<hbm>> -> memref<160x64xi32, #tpu.memory_space<hbm>>
      tpu.wait_dma2 semaphore(%run_scoped3A : memref<!tpu.dma_semaphore, #tpu.memory_space<semaphore_mem>>) src(%dma_wait3A_95 : memref<160x64xi32, #tpu.memory_space<hbm>>) dst(%arg8 : memref<160x64xi32, #tpu.memory_space<vmem>>)
      tpu.yield
    }) : () -> ()
    "tpu.region"() ({
      %run_scoped3A = tpu.sem_alloc : memref<!tpu.dma_semaphore, #tpu.memory_space<semaphore_mem>>
      tpu.enqueue_dma source(%arg5 : memref<128x64xf32, #tpu.memory_space<hbm>>) target(%arg14 : memref<128x64xf32, #tpu.memory_space<vmem>>) target_semaphore(%run_scoped3A : memref<!tpu.dma_semaphore, #tpu.memory_space<semaphore_mem>>)
      tpu.wait_dma2 semaphore(%run_scoped3A : memref<!tpu.dma_semaphore, #tpu.memory_space<semaphore_mem>>) src(%arg5 : memref<128x64xf32, #tpu.memory_space<hbm>>) dst(%arg14 : memref<128x64xf32, #tpu.memory_space<vmem>>)
      tpu.yield
    }) : () -> ()
    %mul3A_1 = arith.constant 632 : i32
    %mul3A_2 = arith.muli %arg1, %mul3A_1 : i32
    %add3A_3 = arith.constant 0 : i32
    %add3A_4 = arith.addi %mul3A_2, %add3A_3 : i32
    "tpu.region"() ({
      %run_scoped3A = tpu.sem_alloc : memref<!tpu.dma_semaphore, #tpu.memory_space<semaphore_mem>>
      %dma_start3A_80 = arith.constant 0 : i32
      %dma_start3A_81 = tpu.memref_slice %arg15[%add3A_4, %dma_start3A_80] : memref<10112x64xf32, #tpu.memory_space<vmem_shared>> -> memref<128x64xf32, #tpu.memory_space<vmem_shared>>
      %dma_start3A_82 = arith.constant 0 : i32
      %dma_start3A_83 = tpu.memref_slice %arg15[%add3A_4, %dma_start3A_82] : memref<10112x64xf32, #tpu.memory_space<vmem_shared>> -> memref<128x64xf32, #tpu.memory_space<vmem_shared>>
      tpu.enqueue_dma source(%arg14 : memref<128x64xf32, #tpu.memory_space<vmem>>) target(%dma_start3A_83 : memref<128x64xf32, #tpu.memory_space<vmem_shared>>) target_semaphore(%run_scoped3A : memref<!tpu.dma_semaphore, #tpu.memory_space<semaphore_mem>>)
      %dma_wait3A_84 = arith.constant 0 : i32
      %dma_wait3A_85 = tpu.memref_slice %arg15[%add3A_4, %dma_wait3A_84] : memref<10112x64xf32, #tpu.memory_space<vmem_shared>> -> memref<128x64xf32, #tpu.memory_space<vmem_shared>>
      %dma_wait3A_86 = arith.constant 0 : i32
      %dma_wait3A_87 = tpu.memref_slice %arg15[%add3A_4, %dma_wait3A_86] : memref<10112x64xf32, #tpu.memory_space<vmem_shared>> -> memref<128x64xf32, #tpu.memory_space<vmem_shared>>
      tpu.wait_dma2 semaphore(%run_scoped3A : memref<!tpu.dma_semaphore, #tpu.memory_space<semaphore_mem>>) src(%arg14 : memref<128x64xf32, #tpu.memory_space<vmem>>) dst(%dma_wait3A_87 : memref<128x64xf32, #tpu.memory_space<vmem_shared>>)
      tpu.yield
    }) : () -> ()
    %mul3A_5 = arith.constant 632 : i32
    %mul3A_6 = arith.muli %arg1, %mul3A_5 : i32
    %add3A_7 = arith.constant 128 : i32
    %add3A_8 = arith.addi %mul3A_6, %add3A_7 : i32
    "tpu.region"() ({
      %run_scoped3A = tpu.sem_alloc : memref<!tpu.dma_semaphore, #tpu.memory_space<semaphore_mem>>
      %dma_start3A_80 = arith.constant 0 : i32
      %dma_start3A_81 = tpu.memref_slice %arg15[%add3A_8, %dma_start3A_80] : memref<10112x64xf32, #tpu.memory_space<vmem_shared>> -> memref<128x64xf32, #tpu.memory_space<vmem_shared>>
      %dma_start3A_82 = arith.constant 0 : i32
      %dma_start3A_83 = tpu.memref_slice %arg15[%add3A_8, %dma_start3A_82] : memref<10112x64xf32, #tpu.memory_space<vmem_shared>> -> memref<128x64xf32, #tpu.memory_space<vmem_shared>>
      tpu.enqueue_dma source(%arg14 : memref<128x64xf32, #tpu.memory_space<vmem>>) target(%dma_start3A_83 : memref<128x64xf32, #tpu.memory_space<vmem_shared>>) target_semaphore(%run_scoped3A : memref<!tpu.dma_semaphore, #tpu.memory_space<semaphore_mem>>)
      %dma_wait3A_84 = arith.constant 0 : i32
      %dma_wait3A_85 = tpu.memref_slice %arg15[%add3A_8, %dma_wait3A_84] : memref<10112x64xf32, #tpu.memory_space<vmem_shared>> -> memref<128x64xf32, #tpu.memory_space<vmem_shared>>
      %dma_wait3A_86 = arith.constant 0 : i32
      %dma_wait3A_87 = tpu.memref_slice %arg15[%add3A_8, %dma_wait3A_86] : memref<10112x64xf32, #tpu.memory_space<vmem_shared>> -> memref<128x64xf32, #tpu.memory_space<vmem_shared>>
      tpu.wait_dma2 semaphore(%run_scoped3A : memref<!tpu.dma_semaphore, #tpu.memory_space<semaphore_mem>>) src(%arg14 : memref<128x64xf32, #tpu.memory_space<vmem>>) dst(%dma_wait3A_87 : memref<128x64xf32, #tpu.memory_space<vmem_shared>>)
      tpu.yield
    }) : () -> ()
    %mul3A_9 = arith.constant 632 : i32
    %mul3A_10 = arith.muli %arg1, %mul3A_9 : i32
    %add3A_11 = arith.constant 256 : i32
    %add3A_12 = arith.addi %mul3A_10, %add3A_11 : i32
    "tpu.region"() ({
      %run_scoped3A = tpu.sem_alloc : memref<!tpu.dma_semaphore, #tpu.memory_space<semaphore_mem>>
      %dma_start3A_80 = arith.constant 0 : i32
      %dma_start3A_81 = tpu.memref_slice %arg15[%add3A_12, %dma_start3A_80] : memref<10112x64xf32, #tpu.memory_space<vmem_shared>> -> memref<128x64xf32, #tpu.memory_space<vmem_shared>>
      %dma_start3A_82 = arith.constant 0 : i32
      %dma_start3A_83 = tpu.memref_slice %arg15[%add3A_12, %dma_start3A_82] : memref<10112x64xf32, #tpu.memory_space<vmem_shared>> -> memref<128x64xf32, #tpu.memory_space<vmem_shared>>
      tpu.enqueue_dma source(%arg14 : memref<128x64xf32, #tpu.memory_space<vmem>>) target(%dma_start3A_83 : memref<128x64xf32, #tpu.memory_space<vmem_shared>>) target_semaphore(%run_scoped3A : memref<!tpu.dma_semaphore, #tpu.memory_space<semaphore_mem>>)
      %dma_wait3A_84 = arith.constant 0 : i32
      %dma_wait3A_85 = tpu.memref_slice %arg15[%add3A_12, %dma_wait3A_84] : memref<10112x64xf32, #tpu.memory_space<vmem_shared>> -> memref<128x64xf32, #tpu.memory_space<vmem_shared>>
      %dma_wait3A_86 = arith.constant 0 : i32
      %dma_wait3A_87 = tpu.memref_slice %arg15[%add3A_12, %dma_wait3A_86] : memref<10112x64xf32, #tpu.memory_space<vmem_shared>> -> memref<128x64xf32, #tpu.memory_space<vmem_shared>>
      tpu.wait_dma2 semaphore(%run_scoped3A : memref<!tpu.dma_semaphore, #tpu.memory_space<semaphore_mem>>) src(%arg14 : memref<128x64xf32, #tpu.memory_space<vmem>>) dst(%dma_wait3A_87 : memref<128x64xf32, #tpu.memory_space<vmem_shared>>)
      tpu.yield
    }) : () -> ()
    %mul3A_13 = arith.constant 632 : i32
    %mul3A_14 = arith.muli %arg1, %mul3A_13 : i32
    %add3A_15 = arith.constant 384 : i32
    %add3A_16 = arith.addi %mul3A_14, %add3A_15 : i32
    "tpu.region"() ({
      %run_scoped3A = tpu.sem_alloc : memref<!tpu.dma_semaphore, #tpu.memory_space<semaphore_mem>>
      %dma_start3A_80 = arith.constant 0 : i32
      %dma_start3A_81 = tpu.memref_slice %arg15[%add3A_16, %dma_start3A_80] : memref<10112x64xf32, #tpu.memory_space<vmem_shared>> -> memref<128x64xf32, #tpu.memory_space<vmem_shared>>
      %dma_start3A_82 = arith.constant 0 : i32
      %dma_start3A_83 = tpu.memref_slice %arg15[%add3A_16, %dma_start3A_82] : memref<10112x64xf32, #tpu.memory_space<vmem_shared>> -> memref<128x64xf32, #tpu.memory_space<vmem_shared>>
      tpu.enqueue_dma source(%arg14 : memref<128x64xf32, #tpu.memory_space<vmem>>) target(%dma_start3A_83 : memref<128x64xf32, #tpu.memory_space<vmem_shared>>) target_semaphore(%run_scoped3A : memref<!tpu.dma_semaphore, #tpu.memory_space<semaphore_mem>>)
      %dma_wait3A_84 = arith.constant 0 : i32
      %dma_wait3A_85 = tpu.memref_slice %arg15[%add3A_16, %dma_wait3A_84] : memref<10112x64xf32, #tpu.memory_space<vmem_shared>> -> memref<128x64xf32, #tpu.memory_space<vmem_shared>>
      %dma_wait3A_86 = arith.constant 0 : i32
      %dma_wait3A_87 = tpu.memref_slice %arg15[%add3A_16, %dma_wait3A_86] : memref<10112x64xf32, #tpu.memory_space<vmem_shared>> -> memref<128x64xf32, #tpu.memory_space<vmem_shared>>
      tpu.wait_dma2 semaphore(%run_scoped3A : memref<!tpu.dma_semaphore, #tpu.memory_space<semaphore_mem>>) src(%arg14 : memref<128x64xf32, #tpu.memory_space<vmem>>) dst(%dma_wait3A_87 : memref<128x64xf32, #tpu.memory_space<vmem_shared>>)
      tpu.yield
    }) : () -> ()
    %barrier3A = arith.constant 0 : index
    tpu.barrier barrier_id(%barrier3A)
    %dma_start3A = arith.constant 0 : i32
    %dma_start3A_17 = arith.constant 0 : i32
    %dma_start3A_18 = tpu.memref_slice %arg7[%dma_start3A, %dma_start3A_17] : memref<160x64xi32, #tpu.memory_space<vmem>> -> memref<1x64xi32, #tpu.memory_space<vmem>>
    %dma_start3A_19 = tpu.memref_squeeze %dma_start3A_18 : memref<1x64xi32, #tpu.memory_space<vmem>> -> memref<64xi32, #tpu.memory_space<vmem>>
    %dma_start3A_20 = arith.constant 0 : i32
    %dma_start3A_21 = arith.constant 0 : i32
    %dma_start3A_22 = tpu.memref_slice %arg2[%dma_start3A_20, %dma_start3A_21] : memref<10000x64xf32, #tpu.memory_space<hbm>> -> memref<10000x64xf32, #tpu.memory_space<hbm>>
    tpu.enqueue_indirect_dma source(%dma_start3A_22 : memref<10000x64xf32, #tpu.memory_space<hbm>>) target(%arg9 : memref<64x64xf32, #tpu.memory_space<vmem>>) offsets(%dma_start3A_19 : memref<64xi32, #tpu.memory_space<vmem>>) semaphore(%arg16 : memref<!tpu.dma_semaphore, #tpu.memory_space<semaphore_mem>>)
    %dma_start3A_23 = arith.constant 1 : i32
    %dma_start3A_24 = arith.constant 0 : i32
    %dma_start3A_25 = tpu.memref_slice %arg7[%dma_start3A_23, %dma_start3A_24] : memref<160x64xi32, #tpu.memory_space<vmem>> -> memref<1x64xi32, #tpu.memory_space<vmem>>
    %dma_start3A_26 = tpu.memref_squeeze %dma_start3A_25 : memref<1x64xi32, #tpu.memory_space<vmem>> -> memref<64xi32, #tpu.memory_space<vmem>>
    %dma_start3A_27 = arith.constant 0 : i32
    %dma_start3A_28 = arith.constant 0 : i32
    %dma_start3A_29 = tpu.memref_slice %arg2[%dma_start3A_27, %dma_start3A_28] : memref<10000x64xf32, #tpu.memory_space<hbm>> -> memref<10000x64xf32, #tpu.memory_space<hbm>>
    tpu.enqueue_indirect_dma source(%dma_start3A_29 : memref<10000x64xf32, #tpu.memory_space<hbm>>) target(%arg10 : memref<64x64xf32, #tpu.memory_space<vmem>>) offsets(%dma_start3A_26 : memref<64xi32, #tpu.memory_space<vmem>>) semaphore(%arg17 : memref<!tpu.dma_semaphore, #tpu.memory_space<semaphore_mem>>)
    %dma_start3A_30 = arith.constant 2 : i32
    %dma_start3A_31 = arith.constant 0 : i32
    %dma_start3A_32 = tpu.memref_slice %arg7[%dma_start3A_30, %dma_start3A_31] : memref<160x64xi32, #tpu.memory_space<vmem>> -> memref<1x64xi32, #tpu.memory_space<vmem>>
    %dma_start3A_33 = tpu.memref_squeeze %dma_start3A_32 : memref<1x64xi32, #tpu.memory_space<vmem>> -> memref<64xi32, #tpu.memory_space<vmem>>
    %dma_start3A_34 = arith.constant 0 : i32
    %dma_start3A_35 = arith.constant 0 : i32
    %dma_start3A_36 = tpu.memref_slice %arg2[%dma_start3A_34, %dma_start3A_35] : memref<10000x64xf32, #tpu.memory_space<hbm>> -> memref<10000x64xf32, #tpu.memory_space<hbm>>
    tpu.enqueue_indirect_dma source(%dma_start3A_36 : memref<10000x64xf32, #tpu.memory_space<hbm>>) target(%arg11 : memref<64x64xf32, #tpu.memory_space<vmem>>) offsets(%dma_start3A_33 : memref<64xi32, #tpu.memory_space<vmem>>) semaphore(%arg18 : memref<!tpu.dma_semaphore, #tpu.memory_space<semaphore_mem>>)
    %scan3A = arith.constant 0 : i32
    %scan3A_37 = arith.constant 0 : i32
    %scan3A_38 = arith.constant 32 : i32
    %scan3A_39 = arith.addi %scan3A_37, %scan3A_38 : i32
    %scan3A_40 = arith.constant 1 : i32
    %scan3A_41 = scf.for %scan3A_80 = %scan3A_37 to %scan3A_39 step %scan3A_40 iter_args(%scan3A_81 = %scan3A) -> (i32)  : i32 {
      %mul3A_82 = arith.constant 5 : i32
      %mul3A_83 = arith.muli %scan3A_80, %mul3A_82 : i32
      %add3A_84 = arith.constant 0 : i32
      %add3A_85 = arith.addi %mul3A_83, %add3A_84 : i32
      %dma_wait3A_86 = arith.constant 0 : i32
      %dma_wait3A_87 = tpu.memref_slice %arg7[%add3A_85, %dma_wait3A_86] : memref<160x64xi32, #tpu.memory_space<vmem>> -> memref<1x64xi32, #tpu.memory_space<vmem>>
      %dma_wait3A_88 = tpu.memref_squeeze %dma_wait3A_87 : memref<1x64xi32, #tpu.memory_space<vmem>> -> memref<64xi32, #tpu.memory_space<vmem>>
      %dma_wait3A_89 = arith.constant 0 : i32
      %dma_wait3A_90 = arith.constant 0 : i32
      %dma_wait3A_91 = tpu.memref_slice %arg2[%dma_wait3A_89, %dma_wait3A_90] : memref<10000x64xf32, #tpu.memory_space<hbm>> -> memref<10000x64xf32, #tpu.memory_space<hbm>>
      tpu.wait_indirect_dma semaphore(%arg16 : memref<!tpu.dma_semaphore, #tpu.memory_space<semaphore_mem>>) src(%dma_wait3A_91 : memref<10000x64xf32, #tpu.memory_space<hbm>>) dst(%arg9 : memref<64x64xf32, #tpu.memory_space<vmem>>)
      %dma_start3A_92 = arith.constant 0 : i32
      %dma_start3A_93 = tpu.memref_slice %arg8[%add3A_85, %dma_start3A_92] : memref<160x64xi32, #tpu.memory_space<vmem>> -> memref<1x64xi32, #tpu.memory_space<vmem>>
      %dma_start3A_94 = tpu.memref_squeeze %dma_start3A_93 : memref<1x64xi32, #tpu.memory_space<vmem>> -> memref<64xi32, #tpu.memory_space<vmem>>
      %dma_start3A_95 = arith.constant 0 : i32
      %dma_start3A_96 = arith.constant 0 : i32
      %dma_start3A_97 = tpu.memref_slice %arg15[%dma_start3A_95, %dma_start3A_96] : memref<10112x64xf32, #tpu.memory_space<vmem_shared>> -> memref<10112x64xf32, #tpu.memory_space<vmem_shared>>
      tpu.enqueue_indirect_dma source(%arg9 : memref<64x64xf32, #tpu.memory_space<vmem>>) target(%dma_start3A_97 : memref<10112x64xf32, #tpu.memory_space<vmem_shared>>) offsets(%dma_start3A_94 : memref<64xi32, #tpu.memory_space<vmem>>) semaphore(%arg21 : memref<!tpu.dma_semaphore, #tpu.memory_space<semaphore_mem>>) {add = true}
      %add3A_98 = arith.constant 3 : i32
      %add3A_99 = arith.addi %add3A_85, %add3A_98 : i32
      %ge3A = arith.constant 5 : i32
      %ge3A_100 = arith.cmpi sge, %add3A_99, %ge3A : i32
      %lt3A = arith.constant 160 : i32
      %lt3A_101 = arith.cmpi slt, %add3A_99, %lt3A : i32
      %and3A = arith.andi %ge3A_100, %lt3A_101 : i1
      %convert_element_type3A = arith.extui %and3A : i1 to i32
      %cond3A = arith.constant 0 : i32
      %cond3A_102 = arith.cmpi ne, %convert_element_type3A, %cond3A : i32
      scf.if %cond3A_102 {
        %sub3A = arith.constant 5 : i32
        %sub3A_233 = arith.subi %add3A_99, %sub3A : i32
        %dma_wait3A_234 = arith.constant 0 : i32
        %dma_wait3A_235 = tpu.memref_slice %arg8[%sub3A_233, %dma_wait3A_234] : memref<160x64xi32, #tpu.memory_space<vmem>> -> memref<1x64xi32, #tpu.memory_space<vmem>>
        %dma_wait3A_236 = tpu.memref_squeeze %dma_wait3A_235 : memref<1x64xi32, #tpu.memory_space<vmem>> -> memref<64xi32, #tpu.memory_space<vmem>>
        %dma_wait3A_237 = arith.constant 0 : i32
        %dma_wait3A_238 = arith.constant 0 : i32
        %dma_wait3A_239 = tpu.memref_slice %arg15[%dma_wait3A_237, %dma_wait3A_238] : memref<10112x64xf32, #tpu.memory_space<vmem_shared>> -> memref<10112x64xf32, #tpu.memory_space<vmem_shared>>
        tpu.wait_indirect_dma semaphore(%arg24 : memref<!tpu.dma_semaphore, #tpu.memory_space<semaphore_mem>>) src(%arg12 : memref<64x64xf32, #tpu.memory_space<vmem>>) dst(%dma_wait3A_239 : memref<10112x64xf32, #tpu.memory_space<vmem_shared>>)
      } else {
      }
      %lt3A_103 = arith.constant 160 : i32
      %lt3A_104 = arith.cmpi slt, %add3A_99, %lt3A_103 : i32
      %convert_element_type3A_105 = arith.extui %lt3A_104 : i1 to i32
      %cond3A_106 = arith.constant 0 : i32
      %cond3A_107 = arith.cmpi ne, %convert_element_type3A_105, %cond3A_106 : i32
      scf.if %cond3A_107 {
        %dma_start3A_233 = arith.constant 0 : i32
        %dma_start3A_234 = tpu.memref_slice %arg7[%add3A_99, %dma_start3A_233] : memref<160x64xi32, #tpu.memory_space<vmem>> -> memref<1x64xi32, #tpu.memory_space<vmem>>
        %dma_start3A_235 = tpu.memref_squeeze %dma_start3A_234 : memref<1x64xi32, #tpu.memory_space<vmem>> -> memref<64xi32, #tpu.memory_space<vmem>>
        %dma_start3A_236 = arith.constant 0 : i32
        %dma_start3A_237 = arith.constant 0 : i32
        %dma_start3A_238 = tpu.memref_slice %arg2[%dma_start3A_236, %dma_start3A_237] : memref<10000x64xf32, #tpu.memory_space<hbm>> -> memref<10000x64xf32, #tpu.memory_space<hbm>>
        tpu.enqueue_indirect_dma source(%dma_start3A_238 : memref<10000x64xf32, #tpu.memory_space<hbm>>) target(%arg12 : memref<64x64xf32, #tpu.memory_space<vmem>>) offsets(%dma_start3A_235 : memref<64xi32, #tpu.memory_space<vmem>>) semaphore(%arg19 : memref<!tpu.dma_semaphore, #tpu.memory_space<semaphore_mem>>)
      } else {
      }
      %mul3A_108 = arith.constant 5 : i32
      %mul3A_109 = arith.muli %scan3A_80, %mul3A_108 : i32
      %add3A_110 = arith.constant 1 : i32
      %add3A_111 = arith.addi %mul3A_109, %add3A_110 : i32
      %dma_wait3A_112 = arith.constant 0 : i32
      %dma_wait3A_113 = tpu.memref_slice %arg7[%add3A_111, %dma_wait3A_112] : memref<160x64xi32, #tpu.memory_space<vmem>> -> memref<1x64xi32, #tpu.memory_space<vmem>>
      %dma_wait3A_114 = tpu.memref_squeeze %dma_wait3A_113 : memref<1x64xi32, #tpu.memory_space<vmem>> -> memref<64xi32, #tpu.memory_space<vmem>>
      %dma_wait3A_115 = arith.constant 0 : i32
      %dma_wait3A_116 = arith.constant 0 : i32
      %dma_wait3A_117 = tpu.memref_slice %arg2[%dma_wait3A_115, %dma_wait3A_116] : memref<10000x64xf32, #tpu.memory_space<hbm>> -> memref<10000x64xf32, #tpu.memory_space<hbm>>
      tpu.wait_indirect_dma semaphore(%arg17 : memref<!tpu.dma_semaphore, #tpu.memory_space<semaphore_mem>>) src(%dma_wait3A_117 : memref<10000x64xf32, #tpu.memory_space<hbm>>) dst(%arg10 : memref<64x64xf32, #tpu.memory_space<vmem>>)
      %dma_start3A_118 = arith.constant 0 : i32
      %dma_start3A_119 = tpu.memref_slice %arg8[%add3A_111, %dma_start3A_118] : memref<160x64xi32, #tpu.memory_space<vmem>> -> memref<1x64xi32, #tpu.memory_space<vmem>>
      %dma_start3A_120 = tpu.memref_squeeze %dma_start3A_119 : memref<1x64xi32, #tpu.memory_space<vmem>> -> memref<64xi32, #tpu.memory_space<vmem>>
      %dma_start3A_121 = arith.constant 0 : i32
      %dma_start3A_122 = arith.constant 0 : i32
      %dma_start3A_123 = tpu.memref_slice %arg15[%dma_start3A_121, %dma_start3A_122] : memref<10112x64xf32, #tpu.memory_space<vmem_shared>> -> memref<10112x64xf32, #tpu.memory_space<vmem_shared>>
      tpu.enqueue_indirect_dma source(%arg10 : memref<64x64xf32, #tpu.memory_space<vmem>>) target(%dma_start3A_123 : memref<10112x64xf32, #tpu.memory_space<vmem_shared>>) offsets(%dma_start3A_120 : memref<64xi32, #tpu.memory_space<vmem>>) semaphore(%arg22 : memref<!tpu.dma_semaphore, #tpu.memory_space<semaphore_mem>>) {add = true}
      %add3A_124 = arith.constant 3 : i32
      %add3A_125 = arith.addi %add3A_111, %add3A_124 : i32
      %ge3A_126 = arith.constant 5 : i32
      %ge3A_127 = arith.cmpi sge, %add3A_125, %ge3A_126 : i32
      %lt3A_128 = arith.constant 160 : i32
      %lt3A_129 = arith.cmpi slt, %add3A_125, %lt3A_128 : i32
      %and3A_130 = arith.andi %ge3A_127, %lt3A_129 : i1
      %convert_element_type3A_131 = arith.extui %and3A_130 : i1 to i32
      %cond3A_132 = arith.constant 0 : i32
      %cond3A_133 = arith.cmpi ne, %convert_element_type3A_131, %cond3A_132 : i32
      scf.if %cond3A_133 {
        %sub3A = arith.constant 5 : i32
        %sub3A_233 = arith.subi %add3A_125, %sub3A : i32
        %dma_wait3A_234 = arith.constant 0 : i32
        %dma_wait3A_235 = tpu.memref_slice %arg8[%sub3A_233, %dma_wait3A_234] : memref<160x64xi32, #tpu.memory_space<vmem>> -> memref<1x64xi32, #tpu.memory_space<vmem>>
        %dma_wait3A_236 = tpu.memref_squeeze %dma_wait3A_235 : memref<1x64xi32, #tpu.memory_space<vmem>> -> memref<64xi32, #tpu.memory_space<vmem>>
        %dma_wait3A_237 = arith.constant 0 : i32
        %dma_wait3A_238 = arith.constant 0 : i32
        %dma_wait3A_239 = tpu.memref_slice %arg15[%dma_wait3A_237, %dma_wait3A_238] : memref<10112x64xf32, #tpu.memory_space<vmem_shared>> -> memref<10112x64xf32, #tpu.memory_space<vmem_shared>>
        tpu.wait_indirect_dma semaphore(%arg25 : memref<!tpu.dma_semaphore, #tpu.memory_space<semaphore_mem>>) src(%arg13 : memref<64x64xf32, #tpu.memory_space<vmem>>) dst(%dma_wait3A_239 : memref<10112x64xf32, #tpu.memory_space<vmem_shared>>)
      } else {
      }
      %lt3A_134 = arith.constant 160 : i32
      %lt3A_135 = arith.cmpi slt, %add3A_125, %lt3A_134 : i32
      %convert_element_type3A_136 = arith.extui %lt3A_135 : i1 to i32
      %cond3A_137 = arith.constant 0 : i32
      %cond3A_138 = arith.cmpi ne, %convert_element_type3A_136, %cond3A_137 : i32
      scf.if %cond3A_138 {
        %dma_start3A_233 = arith.constant 0 : i32
        %dma_start3A_234 = tpu.memref_slice %arg7[%add3A_125, %dma_start3A_233] : memref<160x64xi32, #tpu.memory_space<vmem>> -> memref<1x64xi32, #tpu.memory_space<vmem>>
        %dma_start3A_235 = tpu.memref_squeeze %dma_start3A_234 : memref<1x64xi32, #tpu.memory_space<vmem>> -> memref<64xi32, #tpu.memory_space<vmem>>
        %dma_start3A_236 = arith.constant 0 : i32
        %dma_start3A_237 = arith.constant 0 : i32
        %dma_start3A_238 = tpu.memref_slice %arg2[%dma_start3A_236, %dma_start3A_237] : memref<10000x64xf32, #tpu.memory_space<hbm>> -> memref<10000x64xf32, #tpu.memory_space<hbm>>
        tpu.enqueue_indirect_dma source(%dma_start3A_238 : memref<10000x64xf32, #tpu.memory_space<hbm>>) target(%arg13 : memref<64x64xf32, #tpu.memory_space<vmem>>) offsets(%dma_start3A_235 : memref<64xi32, #tpu.memory_space<vmem>>) semaphore(%arg20 : memref<!tpu.dma_semaphore, #tpu.memory_space<semaphore_mem>>)
      } else {
      }
      %mul3A_139 = arith.constant 5 : i32
      %mul3A_140 = arith.muli %scan3A_80, %mul3A_139 : i32
      %add3A_141 = arith.constant 2 : i32
      %add3A_142 = arith.addi %mul3A_140, %add3A_141 : i32
      %dma_wait3A_143 = arith.constant 0 : i32
      %dma_wait3A_144 = tpu.memref_slice %arg7[%add3A_142, %dma_wait3A_143] : memref<160x64xi32, #tpu.memory_space<vmem>> -> memref<1x64xi32, #tpu.memory_space<vmem>>
      %dma_wait3A_145 = tpu.memref_squeeze %dma_wait3A_144 : memref<1x64xi32, #tpu.memory_space<vmem>> -> memref<64xi32, #tpu.memory_space<vmem>>
      %dma_wait3A_146 = arith.constant 0 : i32
      %dma_wait3A_147 = arith.constant 0 : i32
      %dma_wait3A_148 = tpu.memref_slice %arg2[%dma_wait3A_146, %dma_wait3A_147] : memref<10000x64xf32, #tpu.memory_space<hbm>> -> memref<10000x64xf32, #tpu.memory_space<hbm>>
      tpu.wait_indirect_dma semaphore(%arg18 : memref<!tpu.dma_semaphore, #tpu.memory_space<semaphore_mem>>) src(%dma_wait3A_148 : memref<10000x64xf32, #tpu.memory_space<hbm>>) dst(%arg11 : memref<64x64xf32, #tpu.memory_space<vmem>>)
      %dma_start3A_149 = arith.constant 0 : i32
      %dma_start3A_150 = tpu.memref_slice %arg8[%add3A_142, %dma_start3A_149] : memref<160x64xi32, #tpu.memory_space<vmem>> -> memref<1x64xi32, #tpu.memory_space<vmem>>
      %dma_start3A_151 = tpu.memref_squeeze %dma_start3A_150 : memref<1x64xi32, #tpu.memory_space<vmem>> -> memref<64xi32, #tpu.memory_space<vmem>>
      %dma_start3A_152 = arith.constant 0 : i32
      %dma_start3A_153 = arith.constant 0 : i32
      %dma_start3A_154 = tpu.memref_slice %arg15[%dma_start3A_152, %dma_start3A_153] : memref<10112x64xf32, #tpu.memory_space<vmem_shared>> -> memref<10112x64xf32, #tpu.memory_space<vmem_shared>>
      tpu.enqueue_indirect_dma source(%arg11 : memref<64x64xf32, #tpu.memory_space<vmem>>) target(%dma_start3A_154 : memref<10112x64xf32, #tpu.memory_space<vmem_shared>>) offsets(%dma_start3A_151 : memref<64xi32, #tpu.memory_space<vmem>>) semaphore(%arg23 : memref<!tpu.dma_semaphore, #tpu.memory_space<semaphore_mem>>) {add = true}
      %add3A_155 = arith.constant 3 : i32
      %add3A_156 = arith.addi %add3A_142, %add3A_155 : i32
      %ge3A_157 = arith.constant 5 : i32
      %ge3A_158 = arith.cmpi sge, %add3A_156, %ge3A_157 : i32
      %lt3A_159 = arith.constant 160 : i32
      %lt3A_160 = arith.cmpi slt, %add3A_156, %lt3A_159 : i32
      %and3A_161 = arith.andi %ge3A_158, %lt3A_160 : i1
      %convert_element_type3A_162 = arith.extui %and3A_161 : i1 to i32
      %cond3A_163 = arith.constant 0 : i32
      %cond3A_164 = arith.cmpi ne, %convert_element_type3A_162, %cond3A_163 : i32
      scf.if %cond3A_164 {
        %sub3A = arith.constant 5 : i32
        %sub3A_233 = arith.subi %add3A_156, %sub3A : i32
        %dma_wait3A_234 = arith.constant 0 : i32
        %dma_wait3A_235 = tpu.memref_slice %arg8[%sub3A_233, %dma_wait3A_234] : memref<160x64xi32, #tpu.memory_space<vmem>> -> memref<1x64xi32, #tpu.memory_space<vmem>>
        %dma_wait3A_236 = tpu.memref_squeeze %dma_wait3A_235 : memref<1x64xi32, #tpu.memory_space<vmem>> -> memref<64xi32, #tpu.memory_space<vmem>>
        %dma_wait3A_237 = arith.constant 0 : i32
        %dma_wait3A_238 = arith.constant 0 : i32
        %dma_wait3A_239 = tpu.memref_slice %arg15[%dma_wait3A_237, %dma_wait3A_238] : memref<10112x64xf32, #tpu.memory_space<vmem_shared>> -> memref<10112x64xf32, #tpu.memory_space<vmem_shared>>
        tpu.wait_indirect_dma semaphore(%arg21 : memref<!tpu.dma_semaphore, #tpu.memory_space<semaphore_mem>>) src(%arg9 : memref<64x64xf32, #tpu.memory_space<vmem>>) dst(%dma_wait3A_239 : memref<10112x64xf32, #tpu.memory_space<vmem_shared>>)
      } else {
      }
      %lt3A_165 = arith.constant 160 : i32
      %lt3A_166 = arith.cmpi slt, %add3A_156, %lt3A_165 : i32
      %convert_element_type3A_167 = arith.extui %lt3A_166 : i1 to i32
      %cond3A_168 = arith.constant 0 : i32
      %cond3A_169 = arith.cmpi ne, %convert_element_type3A_167, %cond3A_168 : i32
      scf.if %cond3A_169 {
        %dma_start3A_233 = arith.constant 0 : i32
        %dma_start3A_234 = tpu.memref_slice %arg7[%add3A_156, %dma_start3A_233] : memref<160x64xi32, #tpu.memory_space<vmem>> -> memref<1x64xi32, #tpu.memory_space<vmem>>
        %dma_start3A_235 = tpu.memref_squeeze %dma_start3A_234 : memref<1x64xi32, #tpu.memory_space<vmem>> -> memref<64xi32, #tpu.memory_space<vmem>>
        %dma_start3A_236 = arith.constant 0 : i32
        %dma_start3A_237 = arith.constant 0 : i32
        %dma_start3A_238 = tpu.memref_slice %arg2[%dma_start3A_236, %dma_start3A_237] : memref<10000x64xf32, #tpu.memory_space<hbm>> -> memref<10000x64xf32, #tpu.memory_space<hbm>>
        tpu.enqueue_indirect_dma source(%dma_start3A_238 : memref<10000x64xf32, #tpu.memory_space<hbm>>) target(%arg9 : memref<64x64xf32, #tpu.memory_space<vmem>>) offsets(%dma_start3A_235 : memref<64xi32, #tpu.memory_space<vmem>>) semaphore(%arg16 : memref<!tpu.dma_semaphore, #tpu.memory_space<semaphore_mem>>)
      } else {
      }
      %mul3A_170 = arith.constant 5 : i32
      %mul3A_171 = arith.muli %scan3A_80, %mul3A_170 : i32
      %add3A_172 = arith.constant 3 : i32
      %add3A_173 = arith.addi %mul3A_171, %add3A_172 : i32
      %dma_wait3A_174 = arith.constant 0 : i32
      %dma_wait3A_175 = tpu.memref_slice %arg7[%add3A_173, %dma_wait3A_174] : memref<160x64xi32, #tpu.memory_space<vmem>> -> memref<1x64xi32, #tpu.memory_space<vmem>>
      %dma_wait3A_176 = tpu.memref_squeeze %dma_wait3A_175 : memref<1x64xi32, #tpu.memory_space<vmem>> -> memref<64xi32, #tpu.memory_space<vmem>>
      %dma_wait3A_177 = arith.constant 0 : i32
      %dma_wait3A_178 = arith.constant 0 : i32
      %dma_wait3A_179 = tpu.memref_slice %arg2[%dma_wait3A_177, %dma_wait3A_178] : memref<10000x64xf32, #tpu.memory_space<hbm>> -> memref<10000x64xf32, #tpu.memory_space<hbm>>
      tpu.wait_indirect_dma semaphore(%arg19 : memref<!tpu.dma_semaphore, #tpu.memory_space<semaphore_mem>>) src(%dma_wait3A_179 : memref<10000x64xf32, #tpu.memory_space<hbm>>) dst(%arg12 : memref<64x64xf32, #tpu.memory_space<vmem>>)
      %dma_start3A_180 = arith.constant 0 : i32
      %dma_start3A_181 = tpu.memref_slice %arg8[%add3A_173, %dma_start3A_180] : memref<160x64xi32, #tpu.memory_space<vmem>> -> memref<1x64xi32, #tpu.memory_space<vmem>>
      %dma_start3A_182 = tpu.memref_squeeze %dma_start3A_181 : memref<1x64xi32, #tpu.memory_space<vmem>> -> memref<64xi32, #tpu.memory_space<vmem>>
      %dma_start3A_183 = arith.constant 0 : i32
      %dma_start3A_184 = arith.constant 0 : i32
      %dma_start3A_185 = tpu.memref_slice %arg15[%dma_start3A_183, %dma_start3A_184] : memref<10112x64xf32, #tpu.memory_space<vmem_shared>> -> memref<10112x64xf32, #tpu.memory_space<vmem_shared>>
      tpu.enqueue_indirect_dma source(%arg12 : memref<64x64xf32, #tpu.memory_space<vmem>>) target(%dma_start3A_185 : memref<10112x64xf32, #tpu.memory_space<vmem_shared>>) offsets(%dma_start3A_182 : memref<64xi32, #tpu.memory_space<vmem>>) semaphore(%arg24 : memref<!tpu.dma_semaphore, #tpu.memory_space<semaphore_mem>>) {add = true}
      %add3A_186 = arith.constant 3 : i32
      %add3A_187 = arith.addi %add3A_173, %add3A_186 : i32
      %ge3A_188 = arith.constant 5 : i32
      %ge3A_189 = arith.cmpi sge, %add3A_187, %ge3A_188 : i32
      %lt3A_190 = arith.constant 160 : i32
      %lt3A_191 = arith.cmpi slt, %add3A_187, %lt3A_190 : i32
      %and3A_192 = arith.andi %ge3A_189, %lt3A_191 : i1
      %convert_element_type3A_193 = arith.extui %and3A_192 : i1 to i32
      %cond3A_194 = arith.constant 0 : i32
      %cond3A_195 = arith.cmpi ne, %convert_element_type3A_193, %cond3A_194 : i32
      scf.if %cond3A_195 {
        %sub3A = arith.constant 5 : i32
        %sub3A_233 = arith.subi %add3A_187, %sub3A : i32
        %dma_wait3A_234 = arith.constant 0 : i32
        %dma_wait3A_235 = tpu.memref_slice %arg8[%sub3A_233, %dma_wait3A_234] : memref<160x64xi32, #tpu.memory_space<vmem>> -> memref<1x64xi32, #tpu.memory_space<vmem>>
        %dma_wait3A_236 = tpu.memref_squeeze %dma_wait3A_235 : memref<1x64xi32, #tpu.memory_space<vmem>> -> memref<64xi32, #tpu.memory_space<vmem>>
        %dma_wait3A_237 = arith.constant 0 : i32
        %dma_wait3A_238 = arith.constant 0 : i32
        %dma_wait3A_239 = tpu.memref_slice %arg15[%dma_wait3A_237, %dma_wait3A_238] : memref<10112x64xf32, #tpu.memory_space<vmem_shared>> -> memref<10112x64xf32, #tpu.memory_space<vmem_shared>>
        tpu.wait_indirect_dma semaphore(%arg22 : memref<!tpu.dma_semaphore, #tpu.memory_space<semaphore_mem>>) src(%arg10 : memref<64x64xf32, #tpu.memory_space<vmem>>) dst(%dma_wait3A_239 : memref<10112x64xf32, #tpu.memory_space<vmem_shared>>)
      } else {
      }
      %lt3A_196 = arith.constant 160 : i32
      %lt3A_197 = arith.cmpi slt, %add3A_187, %lt3A_196 : i32
      %convert_element_type3A_198 = arith.extui %lt3A_197 : i1 to i32
      %cond3A_199 = arith.constant 0 : i32
      %cond3A_200 = arith.cmpi ne, %convert_element_type3A_198, %cond3A_199 : i32
      scf.if %cond3A_200 {
        %dma_start3A_233 = arith.constant 0 : i32
        %dma_start3A_234 = tpu.memref_slice %arg7[%add3A_187, %dma_start3A_233] : memref<160x64xi32, #tpu.memory_space<vmem>> -> memref<1x64xi32, #tpu.memory_space<vmem>>
        %dma_start3A_235 = tpu.memref_squeeze %dma_start3A_234 : memref<1x64xi32, #tpu.memory_space<vmem>> -> memref<64xi32, #tpu.memory_space<vmem>>
        %dma_start3A_236 = arith.constant 0 : i32
        %dma_start3A_237 = arith.constant 0 : i32
        %dma_start3A_238 = tpu.memref_slice %arg2[%dma_start3A_236, %dma_start3A_237] : memref<10000x64xf32, #tpu.memory_space<hbm>> -> memref<10000x64xf32, #tpu.memory_space<hbm>>
        tpu.enqueue_indirect_dma source(%dma_start3A_238 : memref<10000x64xf32, #tpu.memory_space<hbm>>) target(%arg10 : memref<64x64xf32, #tpu.memory_space<vmem>>) offsets(%dma_start3A_235 : memref<64xi32, #tpu.memory_space<vmem>>) semaphore(%arg17 : memref<!tpu.dma_semaphore, #tpu.memory_space<semaphore_mem>>)
      } else {
      }
      %mul3A_201 = arith.constant 5 : i32
      %mul3A_202 = arith.muli %scan3A_80, %mul3A_201 : i32
      %add3A_203 = arith.constant 4 : i32
      %add3A_204 = arith.addi %mul3A_202, %add3A_203 : i32
      %dma_wait3A_205 = arith.constant 0 : i32
      %dma_wait3A_206 = tpu.memref_slice %arg7[%add3A_204, %dma_wait3A_205] : memref<160x64xi32, #tpu.memory_space<vmem>> -> memref<1x64xi32, #tpu.memory_space<vmem>>
      %dma_wait3A_207 = tpu.memref_squeeze %dma_wait3A_206 : memref<1x64xi32, #tpu.memory_space<vmem>> -> memref<64xi32, #tpu.memory_space<vmem>>
      %dma_wait3A_208 = arith.constant 0 : i32
      %dma_wait3A_209 = arith.constant 0 : i32
      %dma_wait3A_210 = tpu.memref_slice %arg2[%dma_wait3A_208, %dma_wait3A_209] : memref<10000x64xf32, #tpu.memory_space<hbm>> -> memref<10000x64xf32, #tpu.memory_space<hbm>>
      tpu.wait_indirect_dma semaphore(%arg20 : memref<!tpu.dma_semaphore, #tpu.memory_space<semaphore_mem>>) src(%dma_wait3A_210 : memref<10000x64xf32, #tpu.memory_space<hbm>>) dst(%arg13 : memref<64x64xf32, #tpu.memory_space<vmem>>)
      %dma_start3A_211 = arith.constant 0 : i32
      %dma_start3A_212 = tpu.memref_slice %arg8[%add3A_204, %dma_start3A_211] : memref<160x64xi32, #tpu.memory_space<vmem>> -> memref<1x64xi32, #tpu.memory_space<vmem>>
      %dma_start3A_213 = tpu.memref_squeeze %dma_start3A_212 : memref<1x64xi32, #tpu.memory_space<vmem>> -> memref<64xi32, #tpu.memory_space<vmem>>
      %dma_start3A_214 = arith.constant 0 : i32
      %dma_start3A_215 = arith.constant 0 : i32
      %dma_start3A_216 = tpu.memref_slice %arg15[%dma_start3A_214, %dma_start3A_215] : memref<10112x64xf32, #tpu.memory_space<vmem_shared>> -> memref<10112x64xf32, #tpu.memory_space<vmem_shared>>
      tpu.enqueue_indirect_dma source(%arg13 : memref<64x64xf32, #tpu.memory_space<vmem>>) target(%dma_start3A_216 : memref<10112x64xf32, #tpu.memory_space<vmem_shared>>) offsets(%dma_start3A_213 : memref<64xi32, #tpu.memory_space<vmem>>) semaphore(%arg25 : memref<!tpu.dma_semaphore, #tpu.memory_space<semaphore_mem>>) {add = true}
      %add3A_217 = arith.constant 3 : i32
      %add3A_218 = arith.addi %add3A_204, %add3A_217 : i32
      %ge3A_219 = arith.constant 5 : i32
      %ge3A_220 = arith.cmpi sge, %add3A_218, %ge3A_219 : i32
      %lt3A_221 = arith.constant 160 : i32
      %lt3A_222 = arith.cmpi slt, %add3A_218, %lt3A_221 : i32
      %and3A_223 = arith.andi %ge3A_220, %lt3A_222 : i1
      %convert_element_type3A_224 = arith.extui %and3A_223 : i1 to i32
      %cond3A_225 = arith.constant 0 : i32
      %cond3A_226 = arith.cmpi ne, %convert_element_type3A_224, %cond3A_225 : i32
      scf.if %cond3A_226 {
        %sub3A = arith.constant 5 : i32
        %sub3A_233 = arith.subi %add3A_218, %sub3A : i32
        %dma_wait3A_234 = arith.constant 0 : i32
        %dma_wait3A_235 = tpu.memref_slice %arg8[%sub3A_233, %dma_wait3A_234] : memref<160x64xi32, #tpu.memory_space<vmem>> -> memref<1x64xi32, #tpu.memory_space<vmem>>
        %dma_wait3A_236 = tpu.memref_squeeze %dma_wait3A_235 : memref<1x64xi32, #tpu.memory_space<vmem>> -> memref<64xi32, #tpu.memory_space<vmem>>
        %dma_wait3A_237 = arith.constant 0 : i32
        %dma_wait3A_238 = arith.constant 0 : i32
        %dma_wait3A_239 = tpu.memref_slice %arg15[%dma_wait3A_237, %dma_wait3A_238] : memref<10112x64xf32, #tpu.memory_space<vmem_shared>> -> memref<10112x64xf32, #tpu.memory_space<vmem_shared>>
        tpu.wait_indirect_dma semaphore(%arg23 : memref<!tpu.dma_semaphore, #tpu.memory_space<semaphore_mem>>) src(%arg11 : memref<64x64xf32, #tpu.memory_space<vmem>>) dst(%dma_wait3A_239 : memref<10112x64xf32, #tpu.memory_space<vmem_shared>>)
      } else {
      }
      %lt3A_227 = arith.constant 160 : i32
      %lt3A_228 = arith.cmpi slt, %add3A_218, %lt3A_227 : i32
      %convert_element_type3A_229 = arith.extui %lt3A_228 : i1 to i32
      %cond3A_230 = arith.constant 0 : i32
      %cond3A_231 = arith.cmpi ne, %convert_element_type3A_229, %cond3A_230 : i32
      scf.if %cond3A_231 {
        %dma_start3A_233 = arith.constant 0 : i32
        %dma_start3A_234 = tpu.memref_slice %arg7[%add3A_218, %dma_start3A_233] : memref<160x64xi32, #tpu.memory_space<vmem>> -> memref<1x64xi32, #tpu.memory_space<vmem>>
        %dma_start3A_235 = tpu.memref_squeeze %dma_start3A_234 : memref<1x64xi32, #tpu.memory_space<vmem>> -> memref<64xi32, #tpu.memory_space<vmem>>
        %dma_start3A_236 = arith.constant 0 : i32
        %dma_start3A_237 = arith.constant 0 : i32
        %dma_start3A_238 = tpu.memref_slice %arg2[%dma_start3A_236, %dma_start3A_237] : memref<10000x64xf32, #tpu.memory_space<hbm>> -> memref<10000x64xf32, #tpu.memory_space<hbm>>
        tpu.enqueue_indirect_dma source(%dma_start3A_238 : memref<10000x64xf32, #tpu.memory_space<hbm>>) target(%arg11 : memref<64x64xf32, #tpu.memory_space<vmem>>) offsets(%dma_start3A_235 : memref<64xi32, #tpu.memory_space<vmem>>) semaphore(%arg18 : memref<!tpu.dma_semaphore, #tpu.memory_space<semaphore_mem>>)
      } else {
      }
      %scan3A_232 = arith.constant 0 : i32
      scf.yield %scan3A_232 : i32
    }
    %scan3A_42 = arith.constant 32 : i32
    %dma_wait3A = arith.constant 155 : i32
    %dma_wait3A_43 = arith.constant 0 : i32
    %dma_wait3A_44 = tpu.memref_slice %arg8[%dma_wait3A, %dma_wait3A_43] : memref<160x64xi32, #tpu.memory_space<vmem>> -> memref<1x64xi32, #tpu.memory_space<vmem>>
    %dma_wait3A_45 = tpu.memref_squeeze %dma_wait3A_44 : memref<1x64xi32, #tpu.memory_space<vmem>> -> memref<64xi32, #tpu.memory_space<vmem>>
    %dma_wait3A_46 = arith.constant 0 : i32
    %dma_wait3A_47 = arith.constant 0 : i32
    %dma_wait3A_48 = tpu.memref_slice %arg15[%dma_wait3A_46, %dma_wait3A_47] : memref<10112x64xf32, #tpu.memory_space<vmem_shared>> -> memref<10112x64xf32, #tpu.memory_space<vmem_shared>>
    tpu.wait_indirect_dma semaphore(%arg21 : memref<!tpu.dma_semaphore, #tpu.memory_space<semaphore_mem>>) src(%arg9 : memref<64x64xf32, #tpu.memory_space<vmem>>) dst(%dma_wait3A_48 : memref<10112x64xf32, #tpu.memory_space<vmem_shared>>)
    %dma_wait3A_49 = arith.constant 156 : i32
    %dma_wait3A_50 = arith.constant 0 : i32
    %dma_wait3A_51 = tpu.memref_slice %arg8[%dma_wait3A_49, %dma_wait3A_50] : memref<160x64xi32, #tpu.memory_space<vmem>> -> memref<1x64xi32, #tpu.memory_space<vmem>>
    %dma_wait3A_52 = tpu.memref_squeeze %dma_wait3A_51 : memref<1x64xi32, #tpu.memory_space<vmem>> -> memref<64xi32, #tpu.memory_space<vmem>>
    %dma_wait3A_53 = arith.constant 0 : i32
    %dma_wait3A_54 = arith.constant 0 : i32
    %dma_wait3A_55 = tpu.memref_slice %arg15[%dma_wait3A_53, %dma_wait3A_54] : memref<10112x64xf32, #tpu.memory_space<vmem_shared>> -> memref<10112x64xf32, #tpu.memory_space<vmem_shared>>
    tpu.wait_indirect_dma semaphore(%arg22 : memref<!tpu.dma_semaphore, #tpu.memory_space<semaphore_mem>>) src(%arg10 : memref<64x64xf32, #tpu.memory_space<vmem>>) dst(%dma_wait3A_55 : memref<10112x64xf32, #tpu.memory_space<vmem_shared>>)
    %dma_wait3A_56 = arith.constant 157 : i32
    %dma_wait3A_57 = arith.constant 0 : i32
    %dma_wait3A_58 = tpu.memref_slice %arg8[%dma_wait3A_56, %dma_wait3A_57] : memref<160x64xi32, #tpu.memory_space<vmem>> -> memref<1x64xi32, #tpu.memory_space<vmem>>
    %dma_wait3A_59 = tpu.memref_squeeze %dma_wait3A_58 : memref<1x64xi32, #tpu.memory_space<vmem>> -> memref<64xi32, #tpu.memory_space<vmem>>
    %dma_wait3A_60 = arith.constant 0 : i32
    %dma_wait3A_61 = arith.constant 0 : i32
    %dma_wait3A_62 = tpu.memref_slice %arg15[%dma_wait3A_60, %dma_wait3A_61] : memref<10112x64xf32, #tpu.memory_space<vmem_shared>> -> memref<10112x64xf32, #tpu.memory_space<vmem_shared>>
    tpu.wait_indirect_dma semaphore(%arg23 : memref<!tpu.dma_semaphore, #tpu.memory_space<semaphore_mem>>) src(%arg11 : memref<64x64xf32, #tpu.memory_space<vmem>>) dst(%dma_wait3A_62 : memref<10112x64xf32, #tpu.memory_space<vmem_shared>>)
    %dma_wait3A_63 = arith.constant 158 : i32
    %dma_wait3A_64 = arith.constant 0 : i32
    %dma_wait3A_65 = tpu.memref_slice %arg8[%dma_wait3A_63, %dma_wait3A_64] : memref<160x64xi32, #tpu.memory_space<vmem>> -> memref<1x64xi32, #tpu.memory_space<vmem>>
    %dma_wait3A_66 = tpu.memref_squeeze %dma_wait3A_65 : memref<1x64xi32, #tpu.memory_space<vmem>> -> memref<64xi32, #tpu.memory_space<vmem>>
    %dma_wait3A_67 = arith.constant 0 : i32
    %dma_wait3A_68 = arith.constant 0 : i32
    %dma_wait3A_69 = tpu.memref_slice %arg15[%dma_wait3A_67, %dma_wait3A_68] : memref<10112x64xf32, #tpu.memory_space<vmem_shared>> -> memref<10112x64xf32, #tpu.memory_space<vmem_shared>>
    tpu.wait_indirect_dma semaphore(%arg24 : memref<!tpu.dma_semaphore, #tpu.memory_space<semaphore_mem>>) src(%arg12 : memref<64x64xf32, #tpu.memory_space<vmem>>) dst(%dma_wait3A_69 : memref<10112x64xf32, #tpu.memory_space<vmem_shared>>)
    %dma_wait3A_70 = arith.constant 159 : i32
    %dma_wait3A_71 = arith.constant 0 : i32
    %dma_wait3A_72 = tpu.memref_slice %arg8[%dma_wait3A_70, %dma_wait3A_71] : memref<160x64xi32, #tpu.memory_space<vmem>> -> memref<1x64xi32, #tpu.memory_space<vmem>>
    %dma_wait3A_73 = tpu.memref_squeeze %dma_wait3A_72 : memref<1x64xi32, #tpu.memory_space<vmem>> -> memref<64xi32, #tpu.memory_space<vmem>>
    %dma_wait3A_74 = arith.constant 0 : i32
    %dma_wait3A_75 = arith.constant 0 : i32
    %dma_wait3A_76 = tpu.memref_slice %arg15[%dma_wait3A_74, %dma_wait3A_75] : memref<10112x64xf32, #tpu.memory_space<vmem_shared>> -> memref<10112x64xf32, #tpu.memory_space<vmem_shared>>
    tpu.wait_indirect_dma semaphore(%arg25 : memref<!tpu.dma_semaphore, #tpu.memory_space<semaphore_mem>>) src(%arg13 : memref<64x64xf32, #tpu.memory_space<vmem>>) dst(%dma_wait3A_76 : memref<10112x64xf32, #tpu.memory_space<vmem_shared>>)
    %barrier3A_77 = arith.constant 0 : index
    tpu.barrier barrier_id(%barrier3A_77)
    %mul3A_78 = arith.constant 632 : i32
    %mul3A_79 = arith.muli %arg1, %mul3A_78 : i32
    "tpu.region"() ({
      %run_scoped3A = tpu.sem_alloc : memref<!tpu.dma_semaphore, #tpu.memory_space<semaphore_mem>>
      %dma_start3A_80 = arith.constant 0 : i32
      %dma_start3A_81 = tpu.memref_slice %arg6[%arg0, %mul3A_79, %dma_start3A_80] : memref<2x10112x64xf32, #tpu.memory_space<hbm>> -> memref<1x632x64xf32, #tpu.memory_space<hbm>>
      %dma_start3A_82 = tpu.memref_squeeze %dma_start3A_81 : memref<1x632x64xf32, #tpu.memory_space<hbm>> -> memref<632x64xf32, #tpu.memory_space<hbm>>
      %dma_start3A_83 = arith.constant 0 : i32
      %dma_start3A_84 = tpu.memref_slice %arg15[%mul3A_79, %dma_start3A_83] : memref<10112x64xf32, #tpu.memory_space<vmem_shared>> -> memref<632x64xf32, #tpu.memory_space<vmem_shared>>
      tpu.enqueue_dma source(%dma_start3A_84 : memref<632x64xf32, #tpu.memory_space<vmem_shared>>) target(%dma_start3A_82 : memref<632x64xf32, #tpu.memory_space<hbm>>) target_semaphore(%run_scoped3A : memref<!tpu.dma_semaphore, #tpu.memory_space<semaphore_mem>>)
      %dma_wait3A_85 = arith.constant 0 : i32
      %dma_wait3A_86 = tpu.memref_slice %arg6[%arg0, %mul3A_79, %dma_wait3A_85] : memref<2x10112x64xf32, #tpu.memory_space<hbm>> -> memref<1x632x64xf32, #tpu.memory_space<hbm>>
      %dma_wait3A_87 = tpu.memref_squeeze %dma_wait3A_86 : memref<1x632x64xf32, #tpu.memory_space<hbm>> -> memref<632x64xf32, #tpu.memory_space<hbm>>
      %dma_wait3A_88 = arith.constant 0 : i32
      %dma_wait3A_89 = tpu.memref_slice %arg15[%mul3A_79, %dma_wait3A_88] : memref<10112x64xf32, #tpu.memory_space<vmem_shared>> -> memref<632x64xf32, #tpu.memory_space<vmem_shared>>
      tpu.wait_dma2 semaphore(%run_scoped3A : memref<!tpu.dma_semaphore, #tpu.memory_space<semaphore_mem>>) src(%dma_wait3A_89 : memref<632x64xf32, #tpu.memory_space<vmem_shared>>) dst(%dma_wait3A_87 : memref<632x64xf32, #tpu.memory_space<hbm>>)
      tpu.yield
    }) : () -> ()
    return
  }
}

module attributes {stable_mosaic.version = 14 : i64} {
  func.func @_tc1_body(%arg0: i32, %arg1: memref<1000x128xf32, #tpu.memory_space<vmem>>, %arg2: memref<128x64xf32, #tpu.memory_space<vmem>>, %arg3: memref<2x1000x16xf32, #tpu.memory_space<vmem>>, %arg4: memref<1000x64xf32, #tpu.memory_space<vmem>>) attributes {dimension_semantics = [#tpu.dimension_semantics<arbitrary>], iteration_bounds = array<i64: 10>, scalar_prefetch = 0 : i64, scratch_operands = 0 : i64, tpu.core_type = #tpu.core_type<tc>, window_params = [{transform_indices = @transform_0, window_bounds = array<i64: 1000, 128>}, {pipeline_mode = #tpu.pipeline_mode<synchronous>, transform_indices = @transform_1, window_bounds = array<i64: 128, 64>}, {transform_indices = @transform_2, window_bounds = array<i64: 2, 1000, 16>}, {transform_indices = @transform_3, window_bounds = array<i64: 1000, 64>}]} {
    %get3A = arith.constant 0 : index
    %get3A_0 = arith.constant 0 : index
    %get3A_1 = arith.constant 0 : index
    %get3A_2 = vector.load %arg3[%get3A, %get3A_0, %get3A_1] : memref<2x1000x16xf32, #tpu.memory_space<vmem>>, vector<1x1000x1xf32>
    %get3A_3 = vector.shape_cast %get3A_2 : vector<1x1000x1xf32> to vector<1000x1xf32>
    %get3A_4 = arith.constant 1 : index
    %get3A_5 = arith.constant 0 : index
    %get3A_6 = arith.constant 0 : index
    %get3A_7 = vector.load %arg3[%get3A_4, %get3A_5, %get3A_6] : memref<2x1000x16xf32, #tpu.memory_space<vmem>>, vector<1x1000x1xf32>
    %get3A_8 = vector.shape_cast %get3A_7 : vector<1x1000x1xf32> to vector<1000x1xf32>
    %add3A = arith.addf %get3A_3, %get3A_8 : vector<1000x1xf32>
    %add3A_9 = arith.constant 1.000000e+00 : f32
    %add3A_10 = vector.broadcast %add3A_9 : f32 to vector<1000x1xf32>
    %add3A_11 = arith.addf %add3A, %add3A_10 : vector<1000x1xf32>
    %rsqrt3A = math.rsqrt %add3A_11 : vector<1000x1xf32>
    %mul3A = arith.constant 5.000000e-01 : f32
    %mul3A_12 = vector.broadcast %mul3A : f32 to vector<1000x1xf32>
    %mul3A_13 = arith.mulf %mul3A_12, %add3A_11 : vector<1000x1xf32>
    %mul3A_14 = arith.mulf %mul3A_13, %rsqrt3A : vector<1000x1xf32>
    %mul3A_15 = arith.mulf %mul3A_14, %rsqrt3A : vector<1000x1xf32>
    %sub3A = arith.constant 1.500000e+00 : f32
    %sub3A_16 = vector.broadcast %sub3A : f32 to vector<1000x1xf32>
    %sub3A_17 = arith.subf %sub3A_16, %mul3A_15 : vector<1000x1xf32>
    %mul3A_18 = arith.mulf %rsqrt3A, %sub3A_17 : vector<1000x1xf32>
    %get3A_19 = arith.constant 0 : index
    %get3A_20 = arith.constant 0 : index
    %get3A_21 = vector.load %arg1[%get3A_19, %get3A_20] : memref<1000x128xf32, #tpu.memory_space<vmem>>, vector<1000x128xf32>
    %get3A_22 = arith.constant 0 : index
    %get3A_23 = arith.constant 0 : index
    %get3A_24 = vector.load %arg2[%get3A_22, %get3A_23] : memref<128x64xf32, #tpu.memory_space<vmem>>, vector<128x64xf32>
    %dot_general3A = arith.constant dense<0.000000e+00> : vector<1000x64xf32>
    %dot_general3A_25 = tpu.matmul %get3A_21, %get3A_24, %dot_general3A {dimension_numbers = #tpu.dot_dimension_numbers<[1], [0], [0], [1], [0, 0, 1, 1], [], []>, transpose_lhs_hint = false} : vector<1000x128xf32>, vector<128x64xf32>, vector<1000x64xf32> -> vector<1000x64xf32>
    %mul3A_26 = vector.broadcast %mul3A_18 : vector<1000x1xf32> to vector<1000x64xf32>
    %mul3A_27 = arith.mulf %dot_general3A_25, %mul3A_26 : vector<1000x64xf32>
    %swap3A = arith.constant 0 : index
    %swap3A_28 = arith.constant 0 : index
    %swap3A_29 = vector.load %arg4[%swap3A, %swap3A_28] : memref<1000x64xf32, #tpu.memory_space<vmem>>, vector<1000x64xf32>
    tpu.vector_store %arg4[%swap3A, %swap3A_28], %mul3A_27 {strides = array<i32>} : memref<1000x64xf32, #tpu.memory_space<vmem>>, vector<1000x64xf32>,
    return
  }
  func.func @transform_0(%arg0: i32) -> (i32, i32) {
    %c0_i32 = arith.constant 0 : i32
    %c0_i32_0 = arith.constant 0 : i32
    return %arg0, %c0_i32 : i32, i32
  }
  func.func @transform_1(%arg0: i32) -> (i32, i32) {
    %c0_i32 = arith.constant 0 : i32
    %c0_i32_0 = arith.constant 0 : i32
    %c0_i32_1 = arith.constant 0 : i32
    return %c0_i32, %c0_i32_0 : i32, i32
  }
  func.func @transform_2(%arg0: i32) -> (i32, i32, i32) {
    %c0_i32 = arith.constant 0 : i32
    %c0_i32_0 = arith.constant 0 : i32
    %c0_i32_1 = arith.constant 0 : i32
    return %c0_i32, %arg0, %c0_i32_0 : i32, i32, i32
  }
  func.func @transform_3(%arg0: i32) -> (i32, i32) {
    %c0_i32 = arith.constant 0 : i32
    %c0_i32_0 = arith.constant 0 : i32
    return %arg0, %c0_i32 : i32, i32
  }
}

module attributes {stable_mosaic.version = 14 : i64} {
  func.func @_tc2_body(%arg0: i32, %arg1: memref<1000x64xf32, #tpu.memory_space<vmem>>, %arg2: memref<2x1000x64xf32, #tpu.memory_space<vmem>>, %arg3: memref<2x1000x16xf32, #tpu.memory_space<vmem>>, %arg4: memref<64x64xf32, #tpu.memory_space<vmem>>, %arg5: memref<1x64xf32, #tpu.memory_space<vmem>>, %arg6: memref<1000x64xf32, #tpu.memory_space<vmem>>) attributes {dimension_semantics = [#tpu.dimension_semantics<arbitrary>], iteration_bounds = array<i64: 10>, scalar_prefetch = 0 : i64, scratch_operands = 0 : i64, tpu.core_type = #tpu.core_type<tc>, window_params = [{transform_indices = @transform_0, window_bounds = array<i64: 1000, 64>}, {transform_indices = @transform_1, window_bounds = array<i64: 2, 1000, 64>}, {transform_indices = @transform_2, window_bounds = array<i64: 2, 1000, 16>}, {pipeline_mode = #tpu.pipeline_mode<synchronous>, transform_indices = @transform_3, window_bounds = array<i64: 64, 64>}, {pipeline_mode = #tpu.pipeline_mode<synchronous>, transform_indices = @transform_4, window_bounds = array<i64: 1, 64>}, {transform_indices = @transform_5, window_bounds = array<i64: 1000, 64>}]} {
    %get3A = arith.constant 0 : index
    %get3A_0 = arith.constant 0 : index
    %get3A_1 = arith.constant 0 : index
    %get3A_2 = vector.load %arg3[%get3A, %get3A_0, %get3A_1] : memref<2x1000x16xf32, #tpu.memory_space<vmem>>, vector<1x1000x1xf32>
    %get3A_3 = vector.shape_cast %get3A_2 : vector<1x1000x1xf32> to vector<1000x1xf32>
    %get3A_4 = arith.constant 1 : index
    %get3A_5 = arith.constant 0 : index
    %get3A_6 = arith.constant 0 : index
    %get3A_7 = vector.load %arg3[%get3A_4, %get3A_5, %get3A_6] : memref<2x1000x16xf32, #tpu.memory_space<vmem>>, vector<1x1000x1xf32>
    %get3A_8 = vector.shape_cast %get3A_7 : vector<1x1000x1xf32> to vector<1000x1xf32>
    %add3A = arith.addf %get3A_3, %get3A_8 : vector<1000x1xf32>
    %add3A_9 = arith.constant 1.000000e+00 : f32
    %add3A_10 = vector.broadcast %add3A_9 : f32 to vector<1000x1xf32>
    %add3A_11 = arith.addf %add3A, %add3A_10 : vector<1000x1xf32>
    %rsqrt3A = math.rsqrt %add3A_11 : vector<1000x1xf32>
    %mul3A = arith.constant 5.000000e-01 : f32
    %mul3A_12 = vector.broadcast %mul3A : f32 to vector<1000x1xf32>
    %mul3A_13 = arith.mulf %mul3A_12, %add3A_11 : vector<1000x1xf32>
    %mul3A_14 = arith.mulf %mul3A_13, %rsqrt3A : vector<1000x1xf32>
    %mul3A_15 = arith.mulf %mul3A_14, %rsqrt3A : vector<1000x1xf32>
    %sub3A = arith.constant 1.500000e+00 : f32
    %sub3A_16 = vector.broadcast %sub3A : f32 to vector<1000x1xf32>
    %sub3A_17 = arith.subf %sub3A_16, %mul3A_15 : vector<1000x1xf32>
    %mul3A_18 = arith.mulf %rsqrt3A, %sub3A_17 : vector<1000x1xf32>
    %get3A_19 = arith.constant 0 : index
    %get3A_20 = arith.constant 0 : index
    %get3A_21 = arith.constant 0 : index
    %get3A_22 = vector.load %arg2[%get3A_19, %get3A_20, %get3A_21] : memref<2x1000x64xf32, #tpu.memory_space<vmem>>, vector<1x1000x64xf32>
    %get3A_23 = vector.shape_cast %get3A_22 : vector<1x1000x64xf32> to vector<1000x64xf32>
    %get3A_24 = arith.constant 1 : index
    %get3A_25 = arith.constant 0 : index
    %get3A_26 = arith.constant 0 : index
    %get3A_27 = vector.load %arg2[%get3A_24, %get3A_25, %get3A_26] : memref<2x1000x64xf32, #tpu.memory_space<vmem>>, vector<1x1000x64xf32>
    %get3A_28 = vector.shape_cast %get3A_27 : vector<1x1000x64xf32> to vector<1000x64xf32>
    %add3A_29 = arith.addf %get3A_23, %get3A_28 : vector<1000x64xf32>
    %get3A_30 = arith.constant 0 : index
    %get3A_31 = arith.constant 0 : index
    %get3A_32 = vector.load %arg1[%get3A_30, %get3A_31] : memref<1000x64xf32, #tpu.memory_space<vmem>>, vector<1000x64xf32>
    %add3A_33 = arith.addf %add3A_29, %get3A_32 : vector<1000x64xf32>
    %mul3A_34 = vector.broadcast %mul3A_18 : vector<1000x1xf32> to vector<1000x64xf32>
    %mul3A_35 = arith.mulf %add3A_33, %mul3A_34 : vector<1000x64xf32>
    %get3A_36 = arith.constant 0 : index
    %get3A_37 = arith.constant 0 : index
    %get3A_38 = vector.load %arg5[%get3A_36, %get3A_37] : memref<1x64xf32, #tpu.memory_space<vmem>>, vector<1x64xf32>
    %add3A_39 = vector.broadcast %get3A_38 : vector<1x64xf32> to vector<1000x64xf32>
    %add3A_40 = arith.addf %mul3A_35, %add3A_39 : vector<1000x64xf32>
    %max3A = arith.constant 0.000000e+00 : f32
    %max3A_41 = vector.broadcast %max3A : f32 to vector<1000x64xf32>
    %max3A_42 = arith.maximumf %add3A_40, %max3A_41 : vector<1000x64xf32>
    %get3A_43 = arith.constant 0 : index
    %get3A_44 = arith.constant 0 : index
    %get3A_45 = vector.load %arg4[%get3A_43, %get3A_44] : memref<64x64xf32, #tpu.memory_space<vmem>>, vector<64x64xf32>
    %dot_general3A = arith.constant dense<0.000000e+00> : vector<1000x64xf32>
    %dot_general3A_46 = tpu.matmul %max3A_42, %get3A_45, %dot_general3A {dimension_numbers = #tpu.dot_dimension_numbers<[1], [0], [0], [1], [0, 0, 1, 1], [], []>, transpose_lhs_hint = false} : vector<1000x64xf32>, vector<64x64xf32>, vector<1000x64xf32> -> vector<1000x64xf32>
    %mul3A_47 = vector.broadcast %mul3A_18 : vector<1000x1xf32> to vector<1000x64xf32>
    %mul3A_48 = arith.mulf %dot_general3A_46, %mul3A_47 : vector<1000x64xf32>
    %swap3A = arith.constant 0 : index
    %swap3A_49 = arith.constant 0 : index
    %swap3A_50 = vector.load %arg6[%swap3A, %swap3A_49] : memref<1000x64xf32, #tpu.memory_space<vmem>>, vector<1000x64xf32>
    tpu.vector_store %arg6[%swap3A, %swap3A_49], %mul3A_48 {strides = array<i32>} : memref<1000x64xf32, #tpu.memory_space<vmem>>, vector<1000x64xf32>,
    return
  }
  func.func @transform_0(%arg0: i32) -> (i32, i32) {
    %c0_i32 = arith.constant 0 : i32
    %c0_i32_0 = arith.constant 0 : i32
    return %arg0, %c0_i32 : i32, i32
  }
  func.func @transform_1(%arg0: i32) -> (i32, i32, i32) {
    %c0_i32 = arith.constant 0 : i32
    %c0_i32_0 = arith.constant 0 : i32
    %c0_i32_1 = arith.constant 0 : i32
    return %c0_i32, %arg0, %c0_i32_0 : i32, i32, i32
  }
  func.func @transform_2(%arg0: i32) -> (i32, i32, i32) {
    %c0_i32 = arith.constant 0 : i32
    %c0_i32_0 = arith.constant 0 : i32
    %c0_i32_1 = arith.constant 0 : i32
    return %c0_i32, %arg0, %c0_i32_0 : i32, i32, i32
  }
  func.func @transform_3(%arg0: i32) -> (i32, i32) {
    %c0_i32 = arith.constant 0 : i32
    %c0_i32_0 = arith.constant 0 : i32
    %c0_i32_1 = arith.constant 0 : i32
    return %c0_i32, %c0_i32_0 : i32, i32
  }
  func.func @transform_4(%arg0: i32) -> (i32, i32) {
    %c0_i32 = arith.constant 0 : i32
    %c0_i32_0 = arith.constant 0 : i32
    %c0_i32_1 = arith.constant 0 : i32
    return %c0_i32, %c0_i32_0 : i32, i32
  }
  func.func @transform_5(%arg0: i32) -> (i32, i32) {
    %c0_i32 = arith.constant 0 : i32
    %c0_i32_0 = arith.constant 0 : i32
    return %arg0, %c0_i32 : i32, i32
  }
}

module attributes {stable_mosaic.version = 14 : i64} {
  func.func @_tc3_body(%arg0: i32, %arg1: memref<1000x64xf32, #tpu.memory_space<vmem>>, %arg2: memref<2x1000x64xf32, #tpu.memory_space<vmem>>, %arg3: memref<2x1000x16xf32, #tpu.memory_space<vmem>>, %arg4: memref<1x64xf32, #tpu.memory_space<vmem>>, %arg5: memref<1x64xf32, #tpu.memory_space<vmem>>, %arg6: memref<1x1x1000xi32, #tpu.memory_space<vmem>>, %arg7: memref<1x1xf32, #tpu.memory_space<vmem>>, %arg8: memref<1x64xf32, #tpu.memory_space<vmem>>, %arg9: memref<64x8xf32, #tpu.memory_space<vmem>>) attributes {dimension_semantics = [#tpu.dimension_semantics<arbitrary>], iteration_bounds = array<i64: 10>, scalar_prefetch = 0 : i64, scratch_operands = 1 : i64, tpu.core_type = #tpu.core_type<tc>, window_params = [{transform_indices = @transform_0, window_bounds = array<i64: 1000, 64>}, {transform_indices = @transform_1, window_bounds = array<i64: 2, 1000, 64>}, {transform_indices = @transform_2, window_bounds = array<i64: 2, 1000, 16>}, {pipeline_mode = #tpu.pipeline_mode<synchronous>, transform_indices = @transform_3, window_bounds = array<i64: 1, 64>}, {pipeline_mode = #tpu.pipeline_mode<synchronous>, transform_indices = @transform_4, window_bounds = array<i64: 1, 64>}, {transform_indices = @transform_5, window_bounds = array<i64: 1, 1, 1000>}, {pipeline_mode = #tpu.pipeline_mode<synchronous>, transform_indices = @transform_6, window_bounds = array<i64: 1, 1>}, {pipeline_mode = #tpu.pipeline_mode<synchronous>, transform_indices = @transform_7, window_bounds = array<i64: 1, 64>}]} {
    %get3A = arith.constant 0 : index
    %get3A_0 = arith.constant 0 : index
    %get3A_1 = arith.constant 0 : index
    %get3A_2 = vector.load %arg3[%get3A, %get3A_0, %get3A_1] : memref<2x1000x16xf32, #tpu.memory_space<vmem>>, vector<1x1000x1xf32>
    %get3A_3 = vector.shape_cast %get3A_2 : vector<1x1000x1xf32> to vector<1000x1xf32>
    %get3A_4 = arith.constant 1 : index
    %get3A_5 = arith.constant 0 : index
    %get3A_6 = arith.constant 0 : index
    %get3A_7 = vector.load %arg3[%get3A_4, %get3A_5, %get3A_6] : memref<2x1000x16xf32, #tpu.memory_space<vmem>>, vector<1x1000x1xf32>
    %get3A_8 = vector.shape_cast %get3A_7 : vector<1x1000x1xf32> to vector<1000x1xf32>
    %add3A = arith.addf %get3A_3, %get3A_8 : vector<1000x1xf32>
    %add3A_9 = arith.constant 1.000000e+00 : f32
    %add3A_10 = vector.broadcast %add3A_9 : f32 to vector<1000x1xf32>
    %add3A_11 = arith.addf %add3A, %add3A_10 : vector<1000x1xf32>
    %rsqrt3A = math.rsqrt %add3A_11 : vector<1000x1xf32>
    %mul3A = arith.constant 5.000000e-01 : f32
    %mul3A_12 = vector.broadcast %mul3A : f32 to vector<1000x1xf32>
    %mul3A_13 = arith.mulf %mul3A_12, %add3A_11 : vector<1000x1xf32>
    %mul3A_14 = arith.mulf %mul3A_13, %rsqrt3A : vector<1000x1xf32>
    %mul3A_15 = arith.mulf %mul3A_14, %rsqrt3A : vector<1000x1xf32>
    %sub3A = arith.constant 1.500000e+00 : f32
    %sub3A_16 = vector.broadcast %sub3A : f32 to vector<1000x1xf32>
    %sub3A_17 = arith.subf %sub3A_16, %mul3A_15 : vector<1000x1xf32>
    %mul3A_18 = arith.mulf %rsqrt3A, %sub3A_17 : vector<1000x1xf32>
    %get3A_19 = arith.constant 0 : index
    %get3A_20 = arith.constant 0 : index
    %get3A_21 = arith.constant 0 : index
    %get3A_22 = vector.load %arg2[%get3A_19, %get3A_20, %get3A_21] : memref<2x1000x64xf32, #tpu.memory_space<vmem>>, vector<1x1000x64xf32>
    %get3A_23 = vector.shape_cast %get3A_22 : vector<1x1000x64xf32> to vector<1000x64xf32>
    %get3A_24 = arith.constant 1 : index
    %get3A_25 = arith.constant 0 : index
    %get3A_26 = arith.constant 0 : index
    %get3A_27 = vector.load %arg2[%get3A_24, %get3A_25, %get3A_26] : memref<2x1000x64xf32, #tpu.memory_space<vmem>>, vector<1x1000x64xf32>
    %get3A_28 = vector.shape_cast %get3A_27 : vector<1x1000x64xf32> to vector<1000x64xf32>
    %add3A_29 = arith.addf %get3A_23, %get3A_28 : vector<1000x64xf32>
    %get3A_30 = arith.constant 0 : index
    %get3A_31 = arith.constant 0 : index
    %get3A_32 = vector.load %arg1[%get3A_30, %get3A_31] : memref<1000x64xf32, #tpu.memory_space<vmem>>, vector<1000x64xf32>
    %add3A_33 = arith.addf %add3A_29, %get3A_32 : vector<1000x64xf32>
    %mul3A_34 = vector.broadcast %mul3A_18 : vector<1000x1xf32> to vector<1000x64xf32>
    %mul3A_35 = arith.mulf %add3A_33, %mul3A_34 : vector<1000x64xf32>
    %get3A_36 = arith.constant 0 : index
    %get3A_37 = arith.constant 0 : index
    %get3A_38 = vector.load %arg4[%get3A_36, %get3A_37] : memref<1x64xf32, #tpu.memory_space<vmem>>, vector<1x64xf32>
    %add3A_39 = vector.broadcast %get3A_38 : vector<1x64xf32> to vector<1000x64xf32>
    %add3A_40 = arith.addf %mul3A_35, %add3A_39 : vector<1000x64xf32>
    %get3A_41 = arith.constant 0 : index
    %get3A_42 = arith.constant 0 : index
    %get3A_43 = vector.load %arg5[%get3A_41, %get3A_42] : memref<1x64xf32, #tpu.memory_space<vmem>>, vector<1x64xf32>
    %mul3A_44 = vector.broadcast %get3A_43 : vector<1x64xf32> to vector<1000x64xf32>
    %mul3A_45 = arith.mulf %add3A_40, %mul3A_44 : vector<1000x64xf32>
    %reduce_sum3A = arith.constant dense<0.000000e+00> : vector<1000xf32>
    %reduce_sum3A_46 = vector.multi_reduction <add>, %mul3A_45, %reduce_sum3A [1] : vector<1000x64xf32> to vector<1000xf32>
    %get3A_47 = arith.constant 0 : index
    %get3A_48 = arith.constant 0 : index
    %get3A_49 = arith.constant 0 : index
    %get3A_50 = vector.load %arg6[%get3A_47, %get3A_48, %get3A_49] : memref<1x1x1000xi32, #tpu.memory_space<vmem>>, vector<1x1x1000xi32>
    %get3A_51 = vector.shape_cast %get3A_50 : vector<1x1x1000xi32> to vector<1000xi32>
    %iota3A = tpu.iota {dimensions = array<i32: 0>} : vector<64x1000xi32>
    %broadcast_in_dim3A = vector.shape_cast %get3A_51 : vector<1000xi32> to vector<1x1000xi32>
    %eq3A = vector.broadcast %broadcast_in_dim3A : vector<1x1000xi32> to vector<64x1000xi32>
    %eq3A_52 = arith.cmpi eq, %iota3A, %eq3A : vector<64x1000xi32>
    %convert_element_type3A = arith.extui %eq3A_52 : vector<64x1000xi1> to vector<64x1000xi32>
    %convert_element_type3A_53 = arith.sitofp %convert_element_type3A : vector<64x1000xi32> to vector<64x1000xf32>
    %broadcast_in_dim3A_54 = vector.shape_cast %reduce_sum3A_46 : vector<1000xf32> to vector<1000x1xf32>
    %broadcast_in_dim3A_55 = arith.constant 1.000000e+00 : f32
    %broadcast_in_dim3A_56 = vector.broadcast %broadcast_in_dim3A_55 : f32 to vector<1000x1xf32>
    %broadcast_in_dim3A_57 = arith.constant 0.000000e+00 : f32
    %broadcast_in_dim3A_58 = vector.broadcast %broadcast_in_dim3A_57 : f32 to vector<1000x6xf32>
    %concatenate3A = tpu.concatenate %broadcast_in_dim3A_54, %broadcast_in_dim3A_56, %broadcast_in_dim3A_58 in 1 : vector<1000x1xf32>, vector<1000x1xf32>, vector<1000x6xf32> -> vector<1000x8xf32>
    %dot_general3A = arith.constant dense<0.000000e+00> : vector<64x8xf32>
    %dot_general3A_59 = tpu.matmul %convert_element_type3A_53, %concatenate3A, %dot_general3A {dimension_numbers = #tpu.dot_dimension_numbers<[1], [0], [0], [1], [0, 0, 1, 1], [], []>, transpose_lhs_hint = false} : vector<64x1000xf32>, vector<1000x8xf32>, vector<64x8xf32> -> vector<64x8xf32>
    %eq3A_60 = arith.constant 0 : i32
    %eq3A_61 = arith.cmpi eq, %arg0, %eq3A_60 : i32
    %convert_element_type3A_62 = arith.extui %eq3A_61 : i1 to i32
    %cond3A = arith.constant 0 : i32
    %cond3A_63 = arith.cmpi ne, %convert_element_type3A_62, %cond3A : i32
    scf.if %cond3A_63 {
      %broadcast_in_dim3A_75 = arith.constant 0.000000e+00 : f32
      %broadcast_in_dim3A_76 = vector.broadcast %broadcast_in_dim3A_75 : f32 to vector<64x8xf32>
      %swap3A_77 = arith.constant 0 : index
      %swap3A_78 = arith.constant 0 : index
      %swap3A_79 = vector.load %arg9[%swap3A_77, %swap3A_78] : memref<64x8xf32, #tpu.memory_space<vmem>>, vector<64x8xf32>
      tpu.vector_store %arg9[%swap3A_77, %swap3A_78], %broadcast_in_dim3A_76 {strides = array<i32>} : memref<64x8xf32, #tpu.memory_space<vmem>>, vector<64x8xf32>,
    } else {
    }
    %get3A_64 = arith.constant 0 : index
    %get3A_65 = arith.constant 0 : index
    %get3A_66 = vector.load %arg9[%get3A_64, %get3A_65] : memref<64x8xf32, #tpu.memory_space<vmem>>, vector<64x8xf32>
    %add3A_67 = arith.addf %get3A_66, %dot_general3A_59 : vector<64x8xf32>
    %swap3A = arith.constant 0 : index
    %swap3A_68 = arith.constant 0 : index
    %swap3A_69 = vector.load %arg9[%swap3A, %swap3A_68] : memref<64x8xf32, #tpu.memory_space<vmem>>, vector<64x8xf32>
    tpu.vector_store %arg9[%swap3A, %swap3A_68], %add3A_67 {strides = array<i32>} : memref<64x8xf32, #tpu.memory_space<vmem>>, vector<64x8xf32>,
    %eq3A_70 = arith.constant 9 : i32
    %eq3A_71 = arith.cmpi eq, %arg0, %eq3A_70 : i32
    %convert_element_type3A_72 = arith.extui %eq3A_71 : i1 to i32
    %cond3A_73 = arith.constant 0 : i32
    %cond3A_74 = arith.cmpi ne, %convert_element_type3A_72, %cond3A_73 : i32
    scf.if %cond3A_74 {
      %get3A_75 = arith.constant 0 : index
      %get3A_76 = arith.constant 0 : index
      %get3A_77 = vector.load %arg9[%get3A_75, %get3A_76] : memref<64x8xf32, #tpu.memory_space<vmem>>, vector<64x1xf32>
      %get3A_78 = vector.shape_cast %get3A_77 : vector<64x1xf32> to vector<64xf32>
      %get3A_79 = arith.constant 0 : index
      %get3A_80 = arith.constant 1 : index
      %get3A_81 = vector.load %arg9[%get3A_79, %get3A_80] : memref<64x8xf32, #tpu.memory_space<vmem>>, vector<64x1xf32>
      %get3A_82 = vector.shape_cast %get3A_81 : vector<64x1xf32> to vector<64xf32>
      %max3A = arith.constant 1.000000e+00 : f32
      %max3A_83 = vector.broadcast %max3A : f32 to vector<64xf32>
      %max3A_84 = arith.maximumf %get3A_82, %max3A_83 : vector<64xf32>
      %div3A = arith.divf %get3A_78, %max3A_84 : vector<64xf32>
      %get3A_85 = arith.constant 0 : index
      %get3A_86 = arith.constant 0 : index
      %get3A_87 = vector.load %arg7[%get3A_85, %get3A_86] : memref<1x1xf32, #tpu.memory_space<vmem>>, vector<1x1xf32>
      %get3A_88 = vector.extract %get3A_87[0, 0] : f32 from vector<1x1xf32>
      %add3A_89 = vector.broadcast %get3A_88 : f32 to vector<64xf32>
      %add3A_90 = arith.addf %div3A, %add3A_89 : vector<64xf32>
      %swap3A_91 = arith.constant 0 : index
      %swap3A_92 = arith.constant 0 : index
      %swap3A_93 = vector.load %arg8[%swap3A_91, %swap3A_92] : memref<1x64xf32, #tpu.memory_space<vmem>>, vector<1x64xf32>
      %swap3A_94 = vector.shape_cast %swap3A_93 : vector<1x64xf32> to vector<64xf32>
      %swap3A_95 = vector.shape_cast %add3A_90 : vector<64xf32> to vector<1x64xf32>
      tpu.vector_store %arg8[%swap3A_91, %swap3A_92], %swap3A_95 {strides = array<i32>} : memref<1x64xf32, #tpu.memory_space<vmem>>, vector<1x64xf32>,
    } else {
    }
    return
  }
  func.func @transform_0(%arg0: i32) -> (i32, i32) {
    %c0_i32 = arith.constant 0 : i32
    %c0_i32_0 = arith.constant 0 : i32
    return %arg0, %c0_i32 : i32, i32
  }
  func.func @transform_1(%arg0: i32) -> (i32, i32, i32) {
    %c0_i32 = arith.constant 0 : i32
    %c0_i32_0 = arith.constant 0 : i32
    %c0_i32_1 = arith.constant 0 : i32
    return %c0_i32, %arg0, %c0_i32_0 : i32, i32, i32
  }
  func.func @transform_2(%arg0: i32) -> (i32, i32, i32) {
    %c0_i32 = arith.constant 0 : i32
    %c0_i32_0 = arith.constant 0 : i32
    %c0_i32_1 = arith.constant 0 : i32
    return %c0_i32, %arg0, %c0_i32_0 : i32, i32, i32
  }
  func.func @transform_3(%arg0: i32) -> (i32, i32) {
    %c0_i32 = arith.constant 0 : i32
    %c0_i32_0 = arith.constant 0 : i32
    %c0_i32_1 = arith.constant 0 : i32
    return %c0_i32, %c0_i32_0 : i32, i32
  }
  func.func @transform_4(%arg0: i32) -> (i32, i32) {
    %c0_i32 = arith.constant 0 : i32
    %c0_i32_0 = arith.constant 0 : i32
    %c0_i32_1 = arith.constant 0 : i32
    return %c0_i32, %c0_i32_0 : i32, i32
  }
  func.func @transform_5(%arg0: i32) -> (i32, i32, i32) {
    %c0_i32 = arith.constant 0 : i32
    %c0_i32_0 = arith.constant 0 : i32
    %c0_i32_1 = arith.constant 0 : i32
    return %arg0, %c0_i32, %c0_i32_0 : i32, i32, i32
  }
  func.func @transform_6(%arg0: i32) -> (i32, i32) {
    %c0_i32 = arith.constant 0 : i32
    %c0_i32_0 = arith.constant 0 : i32
    %c0_i32_1 = arith.constant 0 : i32
    return %c0_i32, %c0_i32_0 : i32, i32
  }
  func.func @transform_7(%arg0: i32) -> (i32, i32) {
    %c0_i32 = arith.constant 0 : i32
    %c0_i32_0 = arith.constant 0 : i32
    %c0_i32_1 = arith.constant 0 : i32
    return %c0_i32, %c0_i32_0 : i32, i32
  }
}

</mosaic_0001>

<sc_bundles>
// kernel: kernel.11.cloned.1.call-start
scs
__scs_entry_jumppad:
0x0: {  	(pc) =	sbr.rel $0x88, $3  }
0x1: {  	(tag) =	ssettag $0x0;
	lr =	simm.s32 $0x1  }
0x2: {  	[smem:$0x3F98] =	sst lr;
	_ =	strace $0xD0000000  }
0x3: {  	_ = 	snop  }
0x4: {  	_ = 	snop  }
0x5: {  	_ = 	snop  }
0x6: {  	_ = 	snop  }
0x7: {  	_ = 	snop  }
__scs_overlays_trampoline_lowered:
0x8: {  	[smem:$0x3FA7] =	sst s0  }
0x9: {  	[smem:$0x3FA8] =	sst s1  }
0xa: {  	[smem:$0x3FA9] =	sst s2  }
0xb: {  	[smem:$0x3FAA] =	sst s3  }
0xc: {  	[smem:$0x3FAB] =	sst s4  }
0xd: {  	[smem:$0x3FAC] =	sst s5  }
0xe: {  	[smem:$0x3FAD] =	sst s6  }
0xf: {  	[smem:$0x3FAE] =	sst s7  }
0x10: {  	[smem:$0x3FAF] =	sst s8  }
0x11: {  	[smem:$0x3FB0] =	sst s9;
	s0 =	simm.s32 @!p0 $0x0  }
0x12: {  	s1 =	sld [smem:$0x3F96];
	s0 =	simm.s32 @p0 $0x1  }
0x13: {  	[smem:$0x3FB1] =	sst s0;
	s0 =	simm.s32 @!p1 $0x0  }
0x14: {  	s2 =	sld [smem:$0x3F95];
	s0 =	simm.s32 @p1 $0x1  }
0x15: {  	[smem:$0x3FB2] =	sst s0;
	s0 =	simm.s32 @!p2 $0x0  }
0x16: {  	s3 =	sld [smem:$0x3FDB];
	s0 =	simm.s32 @p2 $0x1  }
0x17: {  	s4 =	simm.s32 $0x1BF5;
	[smem:$0x3FB4] =	sst s0  }
0x18: {  	s0 =	sld [smem:$0x3F97];
	_ =	swait.ge [sflag:s4], $0x0  }
0x19: {  	s7 =	sld [smem:$0x3F98]  }
0x1a: {  	s8 =	sadd.s32 $0xFFFFE003, lr  }
0x1b: {  	s9 =	sadd.s32 $0xFFFFFEF7, lr;
	s5 =	simm.s32 $0xFFFFFFFF;
	p2 =	slt.u32 s8, $0xFFFFF086  }
0x1c: {  	p1 =	slt.u32 s9, $0xF7A;
	s5 =	simm.s32 @!p2 $0x0  }
0x1d: {  	s5 =	simm.s32 @p1 $0x1;
	p0 =	seq.s32 s7, s2  }
0x1e: {  	s7 =	smul.u32 @!p0 $0xF7A, s2;
	p2 =	seq.s32 @!p0 s5, $0x0  }
0x1f: {  	s9 =	smul.u32 $0xF7A, s1;
	s8 =	simm.s32 @!p0 $0x1BF5;
	p2 =	por !p2, p0  }
0x20: {  	[sflag:s8] =	ssyncset.s32 @!p0 $0xFFFFF086;
	s6 =	sadd.s32 @!p0 s3, s7;
	s7 =	simm.s32 @!p0 $0x108  }
0x21: {  	s3 =	sadd.s32 s3, s9;
	s6 =	sadd.s32 @!p0 $0x88, s6;
	s7 =	simm.s32 @p2 $0x1082  }
0x22: {  	[simem:s7], [sflag:s8] =	dma.local @!p0 [hbm:s6], $0xF7A  }
0x23: {  	s9 =	sor.u32 $0xD0000000, s2;
	s6 =	simm.s32 $0x108;
	_ =	swait.ge @!p0 [sflag:s8], $0x0  }
0x24: {  	s3 =	sadd.s32 $0x88, s3;
	s6 =	simm.s32 @!p1 $0x1082;
	[sflag:s4] =	ssyncset.s32 $0xFFFFF086  }
0x25: {  	[simem:s6], [sflag:s4] =	dma.local [hbm:s3], $0xF7A  }
0x26: {  	[smem:$0x3F98] =	sst s1;
	(tag) =	ssettag s2;
	_ =	strace s9  }
0x27: {  	s1 =	sld [smem:$0x3FA8]  }
0x28: {  	s2 =	sld [smem:$0x3FA9]  }
0x29: {  	s4 =	sld [smem:$0x3FAB]  }
0x2a: {  	p0 =	seq.s32 s5, $0x0;
	s5 =	sld [smem:$0x3FAC]  }
0x2b: {  	s6 =	sld [smem:$0x3FAD]  }
0x2c: {  	s7 =	sld [smem:$0x3FAE]  }
0x2d: {  	s3 =	simm.s32 $0x108;
	s8 =	sld [smem:$0x3FAF]  }
0x2e: {  	s3 =	simm.s32 @!p0 $0x1082;
	s9 =	sld [smem:$0x3FB0]  }
0x2f: {  	lr =	sadd.s32 s0, s3;
	s0 =	sld [smem:$0x3FA7]  }
0x30: {  	s3 =	sld [smem:$0x3FAA]  }
0x31: {  	[smem:$0x3FB3] =	sst s10  }
0x32: {  	s10 =	sld [smem:$0x3FB1];
	_ =	sdelay $0x3  }
0x33: {  	p0 =	seq.s32 s10, $0x1;
	s10 =	sld [smem:$0x3FB3];
	_ =	sdelay $0x3  }
0x34: {  	[smem:$0x3FB3] =	sst s10  }
0x35: {  	s10 =	sld [smem:$0x3FB2];
	_ =	sdelay $0x3  }
0x36: {  	p1 =	seq.s32 s10, $0x1;
	s10 =	sld [smem:$0x3FB3];
	_ =	sdelay $0x3  }
0x37: {  	[smem:$0x3FB3] =	sst s10  }
0x38: {  	s10 =	sld [smem:$0x3FB4]  }
0x39: {  	_ = 	snop;
	(pc) =	sbr.ind lr, $3  }
0x3a: {  	_ = 	snop  }
0x3b: {  	_ = 	snop  }
0x3c: {  	p2 =	seq.s32 s10, $0x1;
	s10 =	sld [smem:$0x3FB3]  }
0x3d: {  	_ =	shalt  }
0x3e: {  	_ =	shalt  }
0x3f: {  	_ =	shalt  }
0x40: {  	_ =	shalt  }
0x41: {  	_ =	shalt  }
0x42: {  	_ =	shalt  }
0x43: {  	_ =	shalt  }
0x44: {  	_ =	shalt  }
0x45: {  	_ =	shalt  }
0x46: {  	_ =	shalt  }
0x47: {  	_ =	shalt  }
0x48: {  	_ =	shalt  }
0x49: {  	_ =	shalt  }
0x4a: {  	_ =	shalt  }
0x4b: {  	_ =	shalt  }
0x4c: {  	_ =	shalt  }
0x4d: {  	_ =	shalt  }
0x4e: {  	_ =	shalt  }
0x4f: {  	_ =	shalt  }
0x50: {  	_ =	shalt  }
0x51: {  	_ =	shalt  }
0x52: {  	_ =	shalt  }
0x53: {  	_ =	shalt  }
0x54: {  	_ =	shalt  }
0x55: {  	_ =	shalt  }
0x56: {  	_ =	shalt  }
0x57: {  	_ =	shalt  }
0x58: {  	_ =	shalt  }
0x59: {  	_ =	shalt  }
0x5a: {  	_ =	shalt  }
0x5b: {  	_ =	shalt  }
0x5c: {  	_ =	shalt  }
0x5d: {  	_ =	shalt  }
0x5e: {  	_ =	shalt  }
0x5f: {  	_ =	shalt  }
0x60: {  	_ =	shalt  }
0x61: {  	_ =	shalt  }
0x62: {  	_ =	shalt  }
0x63: {  	_ =	shalt  }
0x64: {  	_ =	shalt  }
0x65: {  	_ =	shalt  }
0x66: {  	_ =	shalt  }
0x67: {  	_ =	shalt  }
0x68: {  	_ =	shalt  }
0x69: {  	_ =	shalt  }
0x6a: {  	_ =	shalt  }
0x6b: {  	_ =	shalt  }
0x6c: {  	_ =	shalt  }
0x6d: {  	_ =	shalt  }
0x6e: {  	_ =	shalt  }
0x6f: {  	_ =	shalt  }
0x70: {  	_ =	shalt  }
0x71: {  	_ =	shalt  }
0x72: {  	_ =	shalt  }
0x73: {  	_ =	shalt  }
0x74: {  	_ =	shalt  }
0x75: {  	_ =	shalt  }
0x76: {  	_ =	shalt  }
0x77: {  	_ =	shalt  }
0x78: {  	_ =	shalt  }
0x79: {  	_ =	shalt  }
0x7a: {  	_ =	shalt  }
0x7b: {  	_ =	shalt  }
0x7c: {  	_ =	shalt  }
0x7d: {  	_ =	shalt  }
0x7e: {  	_ =	shalt  }
0x7f: {  	_ =	shalt  }
0x80: {  	_ =	shalt  }
0x81: {  	_ =	shalt  }
0x82: {  	_ =	shalt  }
0x83: {  	_ =	shalt  }
0x84: {  	_ =	shalt  }
0x85: {  	_ =	shalt  }
0x86: {  	_ =	shalt  }
0x87: {  	_ =	shalt  }
.Lfunc_end0:
.L_simem_size_0:
called_computation.1_lowered:
.L_overlay_start_0:
0x88: {  	s2 =	sld [smem:$0x3FD9]  }
0x89: {  	s3 =	sld [smem:$0x3FFE];
	_ =	sdelay $0x1  }
0x8a: {  	s1 =	srdreg.scid  }
0x8b: {  	s0 =	sand.u32 $0x1, s1  }
0x8c: {  	s16 =	sshll.u32 s0, $0xA;
	s2 =	sadd.s32 s3, s2  }
0x8d: {  	s2 =	sadd.s32 s2, s16  }
0x8e: {  	[smem:$0x3FBF] =	sst s2  }
0x8f: {  	_ = 	snop  }
0x90: {  	(tm) =	ssettm $0x1  }
0x91: {  	s17 =	sld [smem:$0x3FFB];
	_ =	sdelay $0x3  }
0x92: {  	_ =	strace s17  }
0x93: {  	s2 =	sld [smem:$0x3FFC];
	_ =	sdelay $0x3  }
0x94: {  	_ =	strace s2  }
0x95: {  	s2 =	sld [smem:$0x3FFD];
	_ =	sdelay $0x3  }
0x96: {  	_ =	strace s2  }
0x97: {  	_ =	strace $0x8FFFFFFF  }
0x98: {  	s18 =	sld [smem:$0x3FDB];
	_ =	sdelay $0x1  }
0x99: {  	s19 =	simm.s32 $_scs_section_size  }
0x9a: {  	s4 =	simm.s32 $_size__tile_overlayer_lowered;
	s5 =	simm.s32 $_tile_overlayer_lowered  }
0x9b: {  	s22 =	simm.s32 $0x1BFF;
	s21 =	sshll.u32 s5, $0x1;
	s2 =	sadd.s32 s19, s18  }
0x9c: {  	s6 =	simm.s32 $0x0;
	s20 =	sshll.u32 s4, $0x1;
	s4 =	sadd.s32 s21, s2  }
0x9d: {  	[timem:s6], [sflag:s22] =	dma.local [hbm:s4], s20  }
0x9e: {  	_ =	swait.ge [sflag:s22], s20  }
0x9f: {  	s3 =	ssub.s32 $0x0, s20;
	[sflag:s22] =	ssyncset.done $0x0  }
0xa0: {  	[sflag:s22] =	ssyncadd.s32 s3;
	_ =	sdelay $0x1  }
0xa1: {  	s23 =	simm.s32 $0x1B8B  }
0xa2: {  	_ =	swait.ge [sflag:s23], $0x1  }
0xa3: {  	[sflag:s23] =	ssyncset.done $0x0  }
0xa4: {  	s25 =	simm.s32 $0x1B8E;
	s24 =	sld [smem:$0x3FFE];
	[sflag:s23] =	ssyncadd.s32 $0xFFFFFFFF  }
0xa5: {  	s26 =	simm.s32 $execute0_lowered;
	[smem:$0x3FD2] =	sst s25  }
0xa6: {  	s4 =	sshll.u32 s26, $0x1;
	_ =	strace $0x80000049;
	[dreg:$0x1] =	wrdreg $0xFFFFFFFF  }
0xa7: {  	s28 =	simm.s32 $_size_execute0_lowered;
	s2 =	sadd.s32 s2, s4;
	[dreg:$0x0] =	wrdreg $0x0  }
0xa8: {  	s4 =	sshll.u32 s28, $0x1;
	[dreg:$0x2] =	wrdreg s2  }
0xa9: {  	[dreg:$0x3] =	wrdreg s4  }
0xaa: {  	[dreg:$0x4] =	wrdreg $0xC0  }
0xab: {  	_ =	task [dreg:s6], $0x5FFFF  }
0xac: {  	[dreg:$0x1] =	wrdreg $0xFFFFFFFF  }
0xad: {  	[dreg:$0x0] =	wrdreg $0x60  }
0xae: {  	[dreg:$0x2] =	wrdreg s24  }
0xaf: {  	[dreg:$0x3] =	wrdreg $0xC0000  }
0xb0: {  	[dreg:$0x4] =	wrdreg $0x9  }
0xb1: {  	_ =	task.clear_ibuf [dreg:s6], $0x5FFFF;
	_ =	strace $0x90000049  }
0xb2: {  	s29 =	simm.s32 $0x9;
	_ =	strace $0x8000004B  }
0xb3: {  	_ =	swait.ge [sflag:s29], $0x1  }
0xb4: {  	[sflag:s29] =	ssyncadd.s32 $0xFFFFFFFF  }
0xb5: {  	_ =	strace $0x9000004B  }
0xb6: {  	_ =	sfence  }
0xb7: {  	s30 =	sld [smem:$0x0];
	_ =	sdelay $0x2  }
0xb8: {  	s31 =	sshll.u32 s1, $0xD;
	s1 =	sshrl.u32 s1, $0x2  }
0xb9: {  	s3 =	sand.u32 $0x4000, s31;
	s1 =	sadd.s32 s1, s30  }
0xba: {  	s0 =	sor.u32 s3, s0;
	s1 =	sshll.u32 s1, $0x11  }
0xbb: {  	s0 =	sor.u32 s1, s0  }
0xbc: {  	s0 =	sadd.s32 $0x8F2B, s0  }
0xbd: {  	[sflag:s0] =	ssyncadd.remote.s32 $0x1  }
0xbe: {  	_ =	sfence.sel $0xFFFF  }
0xbf: {  	[dreg:$0x0] =	wrdreg $0xFFFFFFFF;
	(pc) =	sbr.abs _section_cstart, $3  }
0xc0: {  	[dreg:$0x1] =	wrdreg $0xFFFFFFFF  }
0xc1: {  	_ =	task.clear_ibuf [dreg:s6], $0x2FFFF;
	_ =	strace $0x9FFFFFFF  }
0xc2: {  	(tm) =	ssettm $0x7FFFFFFF  }
0xc3: {  	_ =	shalt  }
tec
execute0_lowered:
.L_overlay_start_1:
0x0: {  	(tag) =	ssettag $0x1  }
0x1: {  	s0 =	srdreg.scid  }
0x2: {  	s8 =	stileid.u32;
	s5 =	rddreg [dreg:$0x0]  }
0x3: {  	s2 =	rddreg [dreg:$0x1];
	s3 =	simm.s32 $0x0;
	s14 =	simm.s32 $0xB  }
0x4: {  	s16 =	simm.s32 $0xA000;
	s17 =	simm.s32 $0x40;
	s18 =	simm.s32 $0x5000  }
0x5: {  	s19 =	simm.s32 $0x6000;
	s28 =	simm.s32 $0x6;
	s29 =	simm.s32 $0x4  }
0x6: {  	s30 =	simm.s32 $0x7;
	s31 =	simm.s32 $0x5;
	s15 =	simm.s32 $0x9  }
0x7: {  	s20 =	simm.s32 $0xA;
	s0 =	sand.u32 $0x1, s0;
	s1 =	sshll.u32 s8, $0x1  }
0x8: {  	s6 =	smul.u32 $0x9E00, s8;
	[smem:$0x7FF] =	sst s3;
	s4 =	sadd.s32 $0x96200, s5  }
0x9: {  	s8 =	smul.u32 $0x27800, s8;
	s9 =	sadd.s32 $0xBE00, s5;
	s1 =	sor.u32 s0, s1  }
0xa: {  	s7 =	smul.u32 $0x9E000, s0;
	_ =	strace $0x8000004A;
	s0 =	ssub.s32 $0x2, s0  }
0xb: {  	[dreg:$0x3] =	wrdreg s9;
	s1 =	smul.u32 $0x500, s1;
	s21 =	sshrl.u32 s0, $0x1  }
0xc: {  	s23 =	sshrl.u32 s8, $0x2;
	s8 =	sadd.s32 s6, s2;
	s7 =	sadd.s32 s6, s7  }
0xd: {  	s0 =	ssub.s32 s0, s21;
	s24 =	sadd.s32 s23, s2;
	s21 =	simm.s32 $0x7000  }
0xe: {  	s23 =	simm.s32 $0x8000;
	s1 =	sadd.s32 s1, s5;
	s7 =	sshrl.u32 s7, $0x3  }
0xf: {  	s25 =	sadd.s32 $0x2000, s24;
	s26 =	sadd.s32 $0x4000, s24;
	s11 =	sadd.s32 $0x6000, s24  }
0x10: {  	s13 =	smax.u32 s0, $0x1;
	s24 =	simm.s32 $0x2;
	[dreg:$0x6] =	wrdreg s25  }
0x11: {  	s0 =	simm.s32 $0x0;
	s22 =	sadd.s32 $0x16000, s1;
	[dreg:$0x7] =	wrdreg s26  }
0x12: {  	s5 =	sadd.s32 s7, s5;
	s1 =	sadd.s32 $0x1E00, s1;
	[dreg:$0x4] =	wrdreg s22  }
0x13: {  	s25 =	simm.s32 $0x9000;
	s26 =	simm.s32 $0x3;
	[dreg:$0x5] =	wrdreg s1  }
0x14: {  	s12 =	sadd.s32 $0xA9C00, s5;
	s22 =	simm.s32 $0x1;
	s1 =	simm.s32 $0x8  }
.LBB2_1:
0x15: {  	s5 =	rddreg [dreg:$0x4]  }
0x16: {  	[tilespmem:s3], [sflag:$0xB] =	stream.linear.gather [hbm4b:s5+s3], $0x2800, $0x38;
	[tilespmem:$0x15E00] =	vst v63  }
0x17: {  	_ =	swait.ge [sflag:s14], $0x2800  }
0x18: {  	[sflag:s14] =	ssyncset.done $0x0  }
0x19: {  	s6 =	simm.s32 $0x2800;
	s7 =	rddreg [dreg:$0x5];
	[sflag:s14] =	ssyncadd.s32 $0xFFFFD800  }
0x1a: {  	[tilespmem:s6], [sflag:$0xB] =	stream.linear.gather [hbm4b:s7+s3], $0x2800, $0x38;
	[tilespmem:$0x15E00] =	vst v63  }
0x1b: {  	_ =	swait.ge [sflag:s14], $0x2800  }
0x1c: {  	[sflag:s14] =	ssyncset.done $0x0  }
0x1d: {  	s9 =	rddreg [dreg:$0x3];
	[sflag:s14] =	ssyncadd.s32 $0xFFFFD800  }
0x1e: {  	[tilespmem:s16], [sflag:$0xB] =	stream.linear.gather [hbm4b:s9+s3], $0x2000, $0x38;
	[tilespmem:$0x15E00] =	vst v63  }
0x1f: {  	_ =	swait.ge [sflag:s14], $0x2000  }
0x20: {  	[sflag:s14] =	ssyncset.done $0x0  }
0x21: {  	[sflag:s14] =	ssyncadd.s32 $0xFFFFE000  }
0x22: {  	[spmem:s8] =	stream.linear.scatter [tilespmem:s16], [sflag:$0xB], $0x2000, $0x38;
	[tilespmem:$0x15E00] =	vst v63  }
0x23: {  	_ =	swait.ge [sflag:s14], $0x2000  }
0x24: {  	[sflag:s14] =	ssyncset.done $0x0  }
0x25: {  	s10 =	rddreg [dreg:$0x6];
	[sflag:s14] =	ssyncadd.s32 $0xFFFFE000  }
0x26: {  	[spmem:s10] =	stream.linear.scatter [tilespmem:s16], [sflag:$0xB], $0x2000, $0x38;
	[tilespmem:$0x15E00] =	vst v63  }
0x27: {  	_ =	swait.ge [sflag:s14], $0x2000  }
0x28: {  	[sflag:s14] =	ssyncset.done $0x0  }
0x29: {  	s6 =	rddreg [dreg:$0x7];
	[sflag:s14] =	ssyncadd.s32 $0xFFFFE000  }
0x2a: {  	[spmem:s6] =	stream.linear.scatter [tilespmem:s16], [sflag:$0xB], $0x2000, $0x38;
	[tilespmem:$0x15E00] =	vst v63  }
0x2b: {  	_ =	swait.ge [sflag:s14], $0x2000  }
0x2c: {  	[sflag:s14] =	ssyncset.done $0x0  }
0x2d: {  	[sflag:s14] =	ssyncadd.s32 $0xFFFFE000  }
0x2e: {  	[spmem:s11] =	stream.linear.scatter [tilespmem:s16], [sflag:$0xB], $0x2000, $0x38;
	[tilespmem:$0x15E00] =	vst v63  }
0x2f: {  	_ =	swait.ge [sflag:s14], $0x2000  }
0x30: {  	[sflag:s14] =	ssyncset.done $0x0  }
0x31: {  	[sflag:s14] =	ssyncadd.s32 $0xFFFFE000  }
0x32: {  	[bflag:$0x0] =	sbarrier.arrive $0xFFFF  }
0x33: {  	[tilespmem:s18], [sflag:$0x1] =	stream.indirect.gather [hbm4b:s4+s17], $0x40, s3, s17, $0xb8;
	[tilespmem:$0x15E00] =	vst v63  }
0x34: {  	_ = 	snop  }
0x35: {  	[tilespmem:s19], [sflag:$0x2] =	stream.indirect.gather [hbm4b:s4+s17], $0x40, s17, s17, $0xb8;
	[tilespmem:$0x15E00] =	vst v63  }
0x36: {  	s7 =	simm.s32 $0x80  }
0x37: {  	[tilespmem:s21], [sflag:$0x3] =	stream.indirect.gather [hbm4b:s4+s17], $0x40, s7, s17, $0xb8;
	[tilespmem:$0x15E00] =	vst v63  }
0x38: {  	_ =	swait.ge [sflag:s22], $0x1000  }
0x39: {  	p0 =	por $0x1, $0x1;
	[sflag:s22] =	ssyncset.done $0x0  }
0x3a: {  	s9 =	simm.s32 $0x2800;
	s6 =	simm.s32 @!p0 $0x9;
	[sflag:s22] =	ssyncadd.s32 $0xFFFFF000  }
0x3b: {  	[spmem:s2] =	stream.indirect.scatter.add.f32 [tilespmem:s18], [sflag:$0x6], $0x40, s9, s17, $0xb8;
	[tilespmem:$0x15E00] =	vst v63  }
0x3c: {  	_ =	swait.ge @!p0 [sflag:s6], $0x1000  }
0x3d: {  	[sflag:s6] =	ssyncset.done @!p0 $0x0  }
0x3e: {  	s10 =	simm.s32 $0xC0;
	[sflag:s6] =	ssyncadd.s32 @!p0 $0xFFFFF000  }
0x3f: {  	[tilespmem:s23], [sflag:$0x4] =	stream.indirect.gather [hbm4b:s4+s17], $0x40, s10, s17, $0xb8;
	[tilespmem:$0x15E00] =	vst v63  }
0x40: {  	_ =	swait.ge [sflag:s24], $0x1000  }
0x41: {  	p0 =	por $0x1, $0x1;
	[sflag:s24] =	ssyncset.done $0x0  }
0x42: {  	s7 =	simm.s32 $0x2840;
	s6 =	simm.s32 @!p0 $0xA;
	[sflag:s24] =	ssyncadd.s32 $0xFFFFF000  }
0x43: {  	[spmem:s2] =	stream.indirect.scatter.add.f32 [tilespmem:s19], [sflag:$0x7], $0x40, s7, s17, $0xb8;
	[tilespmem:$0x15E00] =	vst v63  }
0x44: {  	_ =	swait.ge @!p0 [sflag:s6], $0x1000  }
0x45: {  	[sflag:s6] =	ssyncset.done @!p0 $0x0  }
0x46: {  	s9 =	simm.s32 $0x100;
	[sflag:s6] =	ssyncadd.s32 @!p0 $0xFFFFF000  }
0x47: {  	[tilespmem:s25], [sflag:$0x5] =	stream.indirect.gather [hbm4b:s4+s17], $0x40, s9, s17, $0xb8;
	[tilespmem:$0x15E00] =	vst v63  }
0x48: {  	_ =	swait.ge [sflag:s26], $0x1000  }
0x49: {  	[sflag:s26] =	ssyncset.done $0x0  }
0x4a: {  	s10 =	simm.s32 $0x2880;
	[sflag:s26] =	ssyncadd.s32 $0xFFFFF000  }
0x4b: {  	[spmem:s2] =	stream.indirect.scatter.add.f32 [tilespmem:s21], [sflag:$0x8], $0x40, s10, s17, $0xb8;
	[tilespmem:$0x15E00] =	vst v63  }
0x4c: {  	_ =	swait.ge [sflag:s28], $0x1000  }
0x4d: {  	[sflag:s28] =	ssyncset.done $0x0  }
0x4e: {  	s6 =	simm.s32 $0x140;
	[sflag:s28] =	ssyncadd.s32 $0xFFFFF000  }
0x4f: {  	[tilespmem:s18], [sflag:$0x1] =	stream.indirect.gather [hbm4b:s4+s17], $0x40, s6, s17, $0xb8;
	[tilespmem:$0x15E00] =	vst v63  }
0x50: {  	_ =	swait.ge [sflag:s29], $0x1000  }
0x51: {  	[sflag:s29] =	ssyncset.done $0x0  }
0x52: {  	s7 =	simm.s32 $0x28C0;
	[sflag:s29] =	ssyncadd.s32 $0xFFFFF000  }
0x53: {  	[spmem:s2] =	stream.indirect.scatter.add.f32 [tilespmem:s23], [sflag:$0x9], $0x40, s7, s17, $0xb8;
	[tilespmem:$0x15E00] =	vst v63  }
0x54: {  	_ =	swait.ge [sflag:s30], $0x1000  }
0x55: {  	[sflag:s30] =	ssyncset.done $0x0  }
0x56: {  	s9 =	simm.s32 $0x180;
	[sflag:s30] =	ssyncadd.s32 $0xFFFFF000  }
0x57: {  	[tilespmem:s19], [sflag:$0x2] =	stream.indirect.gather [hbm4b:s4+s17], $0x40, s9, s17, $0xb8;
	[tilespmem:$0x15E00] =	vst v63  }
0x58: {  	_ =	swait.ge [sflag:s31], $0x1000  }
0x59: {  	[sflag:s31] =	ssyncset.done $0x0  }
0x5a: {  	s10 =	simm.s32 $0x2900;
	[sflag:s31] =	ssyncadd.s32 $0xFFFFF000  }
0x5b: {  	[spmem:s2] =	stream.indirect.scatter.add.f32 [tilespmem:s25], [sflag:$0xA], $0x40, s10, s17, $0xb8;
	[tilespmem:$0x15E00] =	vst v63  }
0x5c: {  	s5 =	simm.s32 $0xFFFFFFFE;
	_ =	swait.ge [sflag:s1], $0x1000  }
0x5d: {  	s6 =	simm.s32 $0x500;
	s7 =	simm.s32 $0x1C0;
	[sflag:s1] =	ssyncset.done $0x0  }
.LBB2_2:
0x5e: {  	[sflag:s1] =	ssyncadd.s32 $0xFFFFF000  }
0x5f: {  	s5 =	sadd.s32 $0x5, s5;
	s9 =	smov.u32 s6;
	s6 =	sadd.s32 $0x500, s6  }
0x60: {  	[tilespmem:s21], [sflag:$0x3] =	stream.indirect.gather [hbm4b:s4+s17], $0x40, s7, s17, $0xb8;
	[tilespmem:$0x15E00] =	vst v63  }
0x61: {  	s7 =	sshra.s32 s9, $0x2;
	p0 =	sne.s32 s6, $0x9B00;
	_ =	swait.ge [sflag:s22], $0x1000  }
0x62: {  	p1 =	sgt.u32 s5, $0x9A;
	s9 =	sadd.s32 $0x2800, s7;
	[sflag:s22] =	ssyncset.done $0x0  }
0x63: {  	s10 =	simm.s32 @!p1 $0x9;
	[sflag:s22] =	ssyncadd.s32 $0xFFFFF000  }
0x64: {  	[spmem:s2] =	stream.indirect.scatter.add.f32 [tilespmem:s18], [sflag:$0x6], $0x40, s9, s17, $0xb8;
	[tilespmem:$0x15E00] =	vst v63  }
0x65: {  	_ =	swait.ge @!p1 [sflag:s10], $0x1000  }
0x66: {  	s9 =	sadd.s32 $0xC0, s7;
	[sflag:s10] =	ssyncset.done @!p1 $0x0  }
0x67: {  	[sflag:s10] =	ssyncadd.s32 @!p1 $0xFFFFF000  }
0x68: {  	[tilespmem:s23], [sflag:$0x4] =	stream.indirect.gather [hbm4b:s4+s17], $0x40, s9, s17, $0xb8;
	[tilespmem:$0x15E00] =	vst v63  }
0x69: {  	s9 =	sadd.s32 $0x1, s5;
	_ =	swait.ge [sflag:s24], $0x1000  }
0x6a: {  	s10 =	sadd.s32 $0x2840, s7;
	p1 =	sgt.u32 s9, $0x9A;
	[sflag:s24] =	ssyncset.done $0x0  }
0x6b: {  	s9 =	simm.s32 @!p1 $0xA;
	[sflag:s24] =	ssyncadd.s32 $0xFFFFF000  }
0x6c: {  	[spmem:s2] =	stream.indirect.scatter.add.f32 [tilespmem:s19], [sflag:$0x7], $0x40, s10, s17, $0xb8;
	[tilespmem:$0x15E00] =	vst v63  }
0x6d: {  	_ =	swait.ge @!p1 [sflag:s9], $0x1000  }
0x6e: {  	s10 =	sadd.s32 $0x100, s7;
	[sflag:s9] =	ssyncset.done @!p1 $0x0  }
0x6f: {  	[sflag:s9] =	ssyncadd.s32 @!p1 $0xFFFFF000  }
0x70: {  	[tilespmem:s25], [sflag:$0x5] =	stream.indirect.gather [hbm4b:s4+s17], $0x40, s10, s17, $0xb8;
	[tilespmem:$0x15E00] =	vst v63  }
0x71: {  	_ =	swait.ge [sflag:s26], $0x1000  }
0x72: {  	s9 =	sadd.s32 $0x2880, s7;
	[sflag:s26] =	ssyncset.done $0x0  }
0x73: {  	[sflag:s26] =	ssyncadd.s32 $0xFFFFF000  }
0x74: {  	[spmem:s2] =	stream.indirect.scatter.add.f32 [tilespmem:s21], [sflag:$0x8], $0x40, s9, s17, $0xb8;
	[tilespmem:$0x15E00] =	vst v63  }
0x75: {  	_ =	swait.ge [sflag:s28], $0x1000  }
0x76: {  	s9 =	sadd.s32 $0x140, s7;
	[sflag:s28] =	ssyncset.done $0x0  }
0x77: {  	[sflag:s28] =	ssyncadd.s32 $0xFFFFF000  }
0x78: {  	[tilespmem:s18], [sflag:$0x1] =	stream.indirect.gather [hbm4b:s4+s17], $0x40, s9, s17, $0xb8;
	[tilespmem:$0x15E00] =	vst v63  }
0x79: {  	_ =	swait.ge [sflag:s29], $0x1000  }
0x7a: {  	s9 =	sadd.s32 $0x28C0, s7;
	[sflag:s29] =	ssyncset.done $0x0  }
0x7b: {  	[sflag:s29] =	ssyncadd.s32 $0xFFFFF000  }
0x7c: {  	[spmem:s2] =	stream.indirect.scatter.add.f32 [tilespmem:s23], [sflag:$0x9], $0x40, s9, s17, $0xb8;
	[tilespmem:$0x15E00] =	vst v63  }
0x7d: {  	_ =	swait.ge [sflag:s30], $0x1000  }
0x7e: {  	s9 =	sadd.s32 $0x180, s7;
	[sflag:s30] =	ssyncset.done $0x0  }
0x7f: {  	[sflag:s30] =	ssyncadd.s32 $0xFFFFF000  }
0x80: {  	[tilespmem:s19], [sflag:$0x2] =	stream.indirect.gather [hbm4b:s4+s17], $0x40, s9, s17, $0xb8;
	[tilespmem:$0x15E00] =	vst v63  }
0x81: {  	_ =	swait.ge [sflag:s31], $0x1000  }
.Ltmp0:
0x82: {  	s9 =	sadd.s32 $0x2900, s7;
	[sflag:s31] =	ssyncset.done $0x0;
	(pc) =	sbr.rel @p0 .LBB2_2-.Ltmp0, $4  }
0x83: {  	[sflag:s31] =	ssyncadd.s32 $0xFFFFF000  }
0x84: {  	[spmem:s2] =	stream.indirect.scatter.add.f32 [tilespmem:s25], [sflag:$0xA], $0x40, s9, s17, $0xb8;
	[tilespmem:$0x15E00] =	vst v63  }
0x85: {  	_ =	swait.ge [sflag:s1], $0x1000  }
0x86: {  	s7 =	sadd.s32 $0x1C0, s7;
	[sflag:s1] =	ssyncset.done $0x0  }
0x87: {  	[sflag:s1] =	ssyncadd.s32 $0xFFFFF000  }
0x88: {  	[tilespmem:s21], [sflag:$0x3] =	stream.indirect.gather [hbm4b:s4+s17], $0x40, s7, s17, $0xb8;
	[tilespmem:$0x15E00] =	vst v63  }
0x89: {  	_ =	swait.ge [sflag:s22], $0x1000  }
0x8a: {  	[sflag:s22] =	ssyncset.done $0x0  }
0x8b: {  	s5 =	simm.s32 $0x4EC0;
	[sflag:s22] =	ssyncadd.s32 $0xFFFFF000  }
0x8c: {  	[spmem:s2] =	stream.indirect.scatter.add.f32 [tilespmem:s18], [sflag:$0x6], $0x40, s5, s17, $0xb8;
	[tilespmem:$0x15E00] =	vst v63  }
0x8d: {  	_ =	swait.ge [sflag:s15], $0x1000  }
0x8e: {  	[sflag:s15] =	ssyncset.done $0x0  }
0x8f: {  	s7 =	simm.s32 $0x2780;
	[sflag:s15] =	ssyncadd.s32 $0xFFFFF000  }
0x90: {  	[tilespmem:s23], [sflag:$0x4] =	stream.indirect.gather [hbm4b:s4+s17], $0x40, s7, s17, $0xb8;
	[tilespmem:$0x15E00] =	vst v63  }
0x91: {  	_ =	swait.ge [sflag:s24], $0x1000  }
0x92: {  	[sflag:s24] =	ssyncset.done $0x0  }
0x93: {  	s9 =	simm.s32 $0x4F00;
	[sflag:s24] =	ssyncadd.s32 $0xFFFFF000  }
0x94: {  	[spmem:s2] =	stream.indirect.scatter.add.f32 [tilespmem:s19], [sflag:$0x7], $0x40, s9, s17, $0xb8;
	[tilespmem:$0x15E00] =	vst v63  }
0x95: {  	_ =	swait.ge [sflag:s20], $0x1000  }
0x96: {  	[sflag:s20] =	ssyncset.done $0x0  }
0x97: {  	s10 =	simm.s32 $0x27C0;
	[sflag:s20] =	ssyncadd.s32 $0xFFFFF000  }
0x98: {  	[tilespmem:s25], [sflag:$0x5] =	stream.indirect.gather [hbm4b:s4+s17], $0x40, s10, s17, $0xb8;
	[tilespmem:$0x15E00] =	vst v63  }
0x99: {  	_ =	swait.ge [sflag:s26], $0x1000  }
0x9a: {  	[sflag:s26] =	ssyncset.done $0x0  }
0x9b: {  	s6 =	simm.s32 $0x4F40;
	[sflag:s26] =	ssyncadd.s32 $0xFFFFF000  }
0x9c: {  	[spmem:s2] =	stream.indirect.scatter.add.f32 [tilespmem:s21], [sflag:$0x8], $0x40, s6, s17, $0xb8;
	[tilespmem:$0x15E00] =	vst v63  }
0x9d: {  	_ =	swait.ge [sflag:s29], $0x1000  }
0x9e: {  	[sflag:s29] =	ssyncset.done $0x0  }
0x9f: {  	s7 =	simm.s32 $0x4F80;
	[sflag:s29] =	ssyncadd.s32 $0xFFFFF000  }
0xa0: {  	[spmem:s2] =	stream.indirect.scatter.add.f32 [tilespmem:s23], [sflag:$0x9], $0x40, s7, s17, $0xb8;
	[tilespmem:$0x15E00] =	vst v63  }
0xa1: {  	_ =	swait.ge [sflag:s31], $0x1000  }
0xa2: {  	[sflag:s31] =	ssyncset.done $0x0  }
0xa3: {  	s9 =	simm.s32 $0x4FC0;
	[sflag:s31] =	ssyncadd.s32 $0xFFFFF000  }
0xa4: {  	[spmem:s2] =	stream.indirect.scatter.add.f32 [tilespmem:s25], [sflag:$0xA], $0x40, s9, s17, $0xb8;
	[tilespmem:$0x15E00] =	vst v63  }
0xa5: {  	_ =	swait.ge [sflag:s28], $0x1000  }
0xa6: {  	[sflag:s28] =	ssyncset.done $0x0  }
0xa7: {  	[sflag:s28] =	ssyncadd.s32 $0xFFFFF000  }
0xa8: {  	_ =	swait.ge [sflag:s30], $0x1000  }
0xa9: {  	[sflag:s30] =	ssyncset.done $0x0  }
0xaa: {  	[sflag:s30] =	ssyncadd.s32 $0xFFFFF000  }
0xab: {  	_ =	swait.ge [sflag:s1], $0x1000  }
0xac: {  	[sflag:s1] =	ssyncset.done $0x0  }
0xad: {  	[sflag:s1] =	ssyncadd.s32 $0xFFFFF000  }
0xae: {  	_ =	swait.ge [sflag:s15], $0x1000  }
0xaf: {  	[sflag:s15] =	ssyncset.done $0x0  }
0xb0: {  	[sflag:s15] =	ssyncadd.s32 $0xFFFFF000  }
0xb1: {  	s10 =	stileid.u32;
	_ =	swait.ge [sflag:s20], $0x1000  }
0xb2: {  	s0 =	sadd.s32 $0x1, s0;
	s5 =	sshll.u32 s10, $0x6;
	[sflag:s20] =	ssyncset.done $0x0  }
0xb3: {  	p0 =	sne.s32 s0, s13;
	s5 =	sor.u32 $0x1C0B, s5;
	[sflag:s20] =	ssyncadd.s32 $0xFFFFF000  }
.Ltmp1:
0xb4: {  	s6 =	sshrl.u32 s8, $0x3;
	[bflag:$0x0] =	sbarrier.arrive $0xFFFF;
	(pc) =	sbr.rel @p0 .LBB2_1-.Ltmp1, $4  }
0xb5: {  	[hbm:s12], [sflag:s5] =	dma.local [spmem:s6], $0x13C0  }
0xb6: {  	_ =	swait.ge [sflag:s14], $0x13C0  }
0xb7: {  	[sflag:s14] =	ssyncset.done $0x0  }
0xb8: {  	[sflag:s14] =	ssyncadd.s32 $0xFFFFEC40  }
0xb9: {  	_ =	sfence.sel $0x180000  }
0xba: {  	[bflag:$0x0] =	sbarrier.arrive $0xFFFF  }
0xbb: {  	_ =	strace $0x9000004A  }
0xbc: {  	s0 =	stileid.u32;
	[bflag:$0x2] =	sbarrier.arrive $0xFFFF  }
0xbd: {  	p0 =	sne.s32 s0, $0x0;
	s0 =	rddreg [dreg:$0x2]  }
0xbe: {  	s0 =	sadd.s32 @!p0 $0x100000, s0  }
0xbf: {  	[sflag:s0] =	ssyncadd.tile.s32 @!p0 $0x1;
	_ =	shalt  }
.Lfunc_end2:
_tile_overlayer_lowered:
.L_overlay_start_2:
0xc0: {  	(tag) =	ssettag $0x2  }
0xc1: {  	s0 =	rddreg [dreg:$0x0];
	s2 =	stileid.u32  }
0xc2: {  	s1 =	rddreg [dreg:$0x1];
	p0 =	sne.s32 s2, $0x0  }
0xc3: {  	s3 =	rddreg [dreg:$0x2];
	[bflag:$0x3] =	sbarrier.arrive $0xFFFF;
	s2 =	simm.s32 @!p0 $0x1C0B  }
0xc4: {  	[timem:s3], [sflag:s2] =	dma.local @!p0 [hbm:s0], s1  }
0xc5: {  	s0 =	simm.s32 @!p0 $0xB  }
0xc6: {  	_ =	swait.ge @!p0 [sflag:s0], s1  }
0xc7: {  	s1 =	ssub.s32 @!p0 $0x0, s1;
	[sflag:s0] =	ssyncset.done @!p0 $0x0  }
0xc8: {  	[sflag:s0] =	ssyncadd.s32 @!p0 s1  }
0xc9: {  	[bflag:$0x3] =	sbarrier.arrive $0xFFFF  }
0xca: {  	_ =	shalt  }

// kernel: kernel.14.cloned.1.call-start
scs
__scs_entry_jumppad:
0x0: {  	(pc) =	sbr.rel $0x88, $3  }
0x1: {  	(tag) =	ssettag $0x0;
	lr =	simm.s32 $0x1  }
0x2: {  	[smem:$0x3F98] =	sst lr;
	_ =	strace $0xD0000000  }
0x3: {  	_ = 	snop  }
0x4: {  	_ = 	snop  }
0x5: {  	_ = 	snop  }
0x6: {  	_ = 	snop  }
0x7: {  	_ = 	snop  }
__scs_overlays_trampoline_lowered:
0x8: {  	[smem:$0x3FA7] =	sst s0  }
0x9: {  	[smem:$0x3FA8] =	sst s1  }
0xa: {  	[smem:$0x3FA9] =	sst s2  }
0xb: {  	[smem:$0x3FAA] =	sst s3  }
0xc: {  	[smem:$0x3FAB] =	sst s4  }
0xd: {  	[smem:$0x3FAC] =	sst s5  }
0xe: {  	[smem:$0x3FAD] =	sst s6  }
0xf: {  	[smem:$0x3FAE] =	sst s7  }
0x10: {  	[smem:$0x3FAF] =	sst s8  }
0x11: {  	[smem:$0x3FB0] =	sst s9;
	s0 =	simm.s32 @!p0 $0x0  }
0x12: {  	s1 =	sld [smem:$0x3F96];
	s0 =	simm.s32 @p0 $0x1  }
0x13: {  	[smem:$0x3FB1] =	sst s0;
	s0 =	simm.s32 @!p1 $0x0  }
0x14: {  	s2 =	sld [smem:$0x3F95];
	s0 =	simm.s32 @p1 $0x1  }
0x15: {  	[smem:$0x3FB2] =	sst s0;
	s0 =	simm.s32 @!p2 $0x0  }
0x16: {  	s3 =	sld [smem:$0x3FDB];
	s0 =	simm.s32 @p2 $0x1  }
0x17: {  	s4 =	simm.s32 $0x1BF5;
	[smem:$0x3FB4] =	sst s0  }
0x18: {  	s0 =	sld [smem:$0x3F97];
	_ =	swait.ge [sflag:s4], $0x0  }
0x19: {  	s7 =	sld [smem:$0x3F98]  }
0x1a: {  	s8 =	sadd.s32 $0xFFFFE003, lr  }
0x1b: {  	s9 =	sadd.s32 $0xFFFFFEF7, lr;
	s5 =	simm.s32 $0xFFFFFFFF;
	p2 =	slt.u32 s8, $0xFFFFF086  }
0x1c: {  	p1 =	slt.u32 s9, $0xF7A;
	s5 =	simm.s32 @!p2 $0x0  }
0x1d: {  	s5 =	simm.s32 @p1 $0x1;
	p0 =	seq.s32 s7, s2  }
0x1e: {  	s7 =	smul.u32 @!p0 $0xF7A, s2;
	p2 =	seq.s32 @!p0 s5, $0x0  }
0x1f: {  	s9 =	smul.u32 $0xF7A, s1;
	s8 =	simm.s32 @!p0 $0x1BF5;
	p2 =	por !p2, p0  }
0x20: {  	[sflag:s8] =	ssyncset.s32 @!p0 $0xFFFFF086;
	s6 =	sadd.s32 @!p0 s3, s7;
	s7 =	simm.s32 @!p0 $0x108  }
0x21: {  	s3 =	sadd.s32 s3, s9;
	s6 =	sadd.s32 @!p0 $0x88, s6;
	s7 =	simm.s32 @p2 $0x1082  }
0x22: {  	[simem:s7], [sflag:s8] =	dma.local @!p0 [hbm:s6], $0xF7A  }
0x23: {  	s9 =	sor.u32 $0xD0000000, s2;
	s6 =	simm.s32 $0x108;
	_ =	swait.ge @!p0 [sflag:s8], $0x0  }
0x24: {  	s3 =	sadd.s32 $0x88, s3;
	s6 =	simm.s32 @!p1 $0x1082;
	[sflag:s4] =	ssyncset.s32 $0xFFFFF086  }
0x25: {  	[simem:s6], [sflag:s4] =	dma.local [hbm:s3], $0xF7A  }
0x26: {  	[smem:$0x3F98] =	sst s1;
	(tag) =	ssettag s2;
	_ =	strace s9  }
0x27: {  	s1 =	sld [smem:$0x3FA8]  }
0x28: {  	s2 =	sld [smem:$0x3FA9]  }
0x29: {  	s4 =	sld [smem:$0x3FAB]  }
0x2a: {  	p0 =	seq.s32 s5, $0x0;
	s5 =	sld [smem:$0x3FAC]  }
0x2b: {  	s6 =	sld [smem:$0x3FAD]  }
0x2c: {  	s7 =	sld [smem:$0x3FAE]  }
0x2d: {  	s3 =	simm.s32 $0x108;
	s8 =	sld [smem:$0x3FAF]  }
0x2e: {  	s3 =	simm.s32 @!p0 $0x1082;
	s9 =	sld [smem:$0x3FB0]  }
0x2f: {  	lr =	sadd.s32 s0, s3;
	s0 =	sld [smem:$0x3FA7]  }
0x30: {  	s3 =	sld [smem:$0x3FAA]  }
0x31: {  	[smem:$0x3FB3] =	sst s10  }
0x32: {  	s10 =	sld [smem:$0x3FB1];
	_ =	sdelay $0x3  }
0x33: {  	p0 =	seq.s32 s10, $0x1;
	s10 =	sld [smem:$0x3FB3];
	_ =	sdelay $0x3  }
0x34: {  	[smem:$0x3FB3] =	sst s10  }
0x35: {  	s10 =	sld [smem:$0x3FB2];
	_ =	sdelay $0x3  }
0x36: {  	p1 =	seq.s32 s10, $0x1;
	s10 =	sld [smem:$0x3FB3];
	_ =	sdelay $0x3  }
0x37: {  	[smem:$0x3FB3] =	sst s10  }
0x38: {  	s10 =	sld [smem:$0x3FB4]  }
0x39: {  	_ = 	snop;
	(pc) =	sbr.ind lr, $3  }
0x3a: {  	_ = 	snop  }
0x3b: {  	_ = 	snop  }
0x3c: {  	p2 =	seq.s32 s10, $0x1;
	s10 =	sld [smem:$0x3FB3]  }
0x3d: {  	_ =	shalt  }
0x3e: {  	_ =	shalt  }
0x3f: {  	_ =	shalt  }
0x40: {  	_ =	shalt  }
0x41: {  	_ =	shalt  }
0x42: {  	_ =	shalt  }
0x43: {  	_ =	shalt  }
0x44: {  	_ =	shalt  }
0x45: {  	_ =	shalt  }
0x46: {  	_ =	shalt  }
0x47: {  	_ =	shalt  }
0x48: {  	_ =	shalt  }
0x49: {  	_ =	shalt  }
0x4a: {  	_ =	shalt  }
0x4b: {  	_ =	shalt  }
0x4c: {  	_ =	shalt  }
0x4d: {  	_ =	shalt  }
0x4e: {  	_ =	shalt  }
0x4f: {  	_ =	shalt  }
0x50: {  	_ =	shalt  }
0x51: {  	_ =	shalt  }
0x52: {  	_ =	shalt  }
0x53: {  	_ =	shalt  }
0x54: {  	_ =	shalt  }
0x55: {  	_ =	shalt  }
0x56: {  	_ =	shalt  }
0x57: {  	_ =	shalt  }
0x58: {  	_ =	shalt  }
0x59: {  	_ =	shalt  }
0x5a: {  	_ =	shalt  }
0x5b: {  	_ =	shalt  }
0x5c: {  	_ =	shalt  }
0x5d: {  	_ =	shalt  }
0x5e: {  	_ =	shalt  }
0x5f: {  	_ =	shalt  }
0x60: {  	_ =	shalt  }
0x61: {  	_ =	shalt  }
0x62: {  	_ =	shalt  }
0x63: {  	_ =	shalt  }
0x64: {  	_ =	shalt  }
0x65: {  	_ =	shalt  }
0x66: {  	_ =	shalt  }
0x67: {  	_ =	shalt  }
0x68: {  	_ =	shalt  }
0x69: {  	_ =	shalt  }
0x6a: {  	_ =	shalt  }
0x6b: {  	_ =	shalt  }
0x6c: {  	_ =	shalt  }
0x6d: {  	_ =	shalt  }
0x6e: {  	_ =	shalt  }
0x6f: {  	_ =	shalt  }
0x70: {  	_ =	shalt  }
0x71: {  	_ =	shalt  }
0x72: {  	_ =	shalt  }
0x73: {  	_ =	shalt  }
0x74: {  	_ =	shalt  }
0x75: {  	_ =	shalt  }
0x76: {  	_ =	shalt  }
0x77: {  	_ =	shalt  }
0x78: {  	_ =	shalt  }
0x79: {  	_ =	shalt  }
0x7a: {  	_ =	shalt  }
0x7b: {  	_ =	shalt  }
0x7c: {  	_ =	shalt  }
0x7d: {  	_ =	shalt  }
0x7e: {  	_ =	shalt  }
0x7f: {  	_ =	shalt  }
0x80: {  	_ =	shalt  }
0x81: {  	_ =	shalt  }
0x82: {  	_ =	shalt  }
0x83: {  	_ =	shalt  }
0x84: {  	_ =	shalt  }
0x85: {  	_ =	shalt  }
0x86: {  	_ =	shalt  }
0x87: {  	_ =	shalt  }
.Lfunc_end0:
.L_simem_size_0:
called_computation.2_lowered:
.L_overlay_start_0:
0x88: {  	s2 =	sld [smem:$0x3FD9]  }
0x89: {  	s3 =	sld [smem:$0x3FFE];
	_ =	sdelay $0x1  }
0x8a: {  	s1 =	srdreg.scid  }
0x8b: {  	s0 =	sand.u32 $0x1, s1  }
0x8c: {  	s16 =	sshll.u32 s0, $0xA;
	s2 =	sadd.s32 s3, s2  }
0x8d: {  	s2 =	sadd.s32 s2, s16  }
0x8e: {  	[smem:$0x3FBF] =	sst s2  }
0x8f: {  	_ = 	snop  }
0x90: {  	(tm) =	ssettm $0x1  }
0x91: {  	s17 =	sld [smem:$0x3FFB];
	_ =	sdelay $0x3  }
0x92: {  	_ =	strace s17  }
0x93: {  	s2 =	sld [smem:$0x3FFC];
	_ =	sdelay $0x3  }
0x94: {  	_ =	strace s2  }
0x95: {  	s2 =	sld [smem:$0x3FFD];
	_ =	sdelay $0x3  }
0x96: {  	_ =	strace s2  }
0x97: {  	_ =	strace $0x8FFFFFFF  }
0x98: {  	s18 =	sld [smem:$0x3FDB];
	_ =	sdelay $0x1  }
0x99: {  	s19 =	simm.s32 $_scs_section_size  }
0x9a: {  	s4 =	simm.s32 $_size__tile_overlayer_lowered;
	s5 =	simm.s32 $_tile_overlayer_lowered  }
0x9b: {  	s22 =	simm.s32 $0x1BFF;
	s21 =	sshll.u32 s5, $0x1;
	s2 =	sadd.s32 s19, s18  }
0x9c: {  	s6 =	simm.s32 $0x0;
	s20 =	sshll.u32 s4, $0x1;
	s4 =	sadd.s32 s21, s2  }
0x9d: {  	[timem:s6], [sflag:s22] =	dma.local [hbm:s4], s20  }
0x9e: {  	_ =	swait.ge [sflag:s22], s20  }
0x9f: {  	s3 =	ssub.s32 $0x0, s20;
	[sflag:s22] =	ssyncset.done $0x0  }
0xa0: {  	[sflag:s22] =	ssyncadd.s32 s3;
	_ =	sdelay $0x1  }
0xa1: {  	s23 =	simm.s32 $0x1B8B  }
0xa2: {  	_ =	swait.ge [sflag:s23], $0x1  }
0xa3: {  	[sflag:s23] =	ssyncset.done $0x0  }
0xa4: {  	s25 =	simm.s32 $0x1B8E;
	s24 =	sld [smem:$0x3FFE];
	[sflag:s23] =	ssyncadd.s32 $0xFFFFFFFF  }
0xa5: {  	s26 =	simm.s32 $execute0_lowered;
	[smem:$0x3FD2] =	sst s25  }
0xa6: {  	s4 =	sshll.u32 s26, $0x1;
	_ =	strace $0x8000004C;
	[dreg:$0x1] =	wrdreg $0xFFFFFFFF  }
0xa7: {  	s28 =	simm.s32 $_size_execute0_lowered;
	s2 =	sadd.s32 s2, s4;
	[dreg:$0x0] =	wrdreg $0x0  }
0xa8: {  	s4 =	sshll.u32 s28, $0x1;
	[dreg:$0x2] =	wrdreg s2  }
0xa9: {  	[dreg:$0x3] =	wrdreg s4  }
0xaa: {  	[dreg:$0x4] =	wrdreg $0xC0  }
0xab: {  	_ =	task [dreg:s6], $0x5FFFF  }
0xac: {  	[dreg:$0x1] =	wrdreg $0xFFFFFFFF  }
0xad: {  	[dreg:$0x0] =	wrdreg $0x60  }
0xae: {  	[dreg:$0x2] =	wrdreg s24  }
0xaf: {  	[dreg:$0x3] =	wrdreg $0xC0000  }
0xb0: {  	[dreg:$0x4] =	wrdreg $0x9  }
0xb1: {  	_ =	task.clear_ibuf [dreg:s6], $0x5FFFF;
	_ =	strace $0x9000004C  }
0xb2: {  	s29 =	simm.s32 $0x9;
	_ =	strace $0x8000004E  }
0xb3: {  	_ =	swait.ge [sflag:s29], $0x1  }
0xb4: {  	[sflag:s29] =	ssyncadd.s32 $0xFFFFFFFF  }
0xb5: {  	_ =	strace $0x9000004E  }
0xb6: {  	_ =	sfence  }
0xb7: {  	s30 =	sld [smem:$0x0];
	_ =	sdelay $0x2  }
0xb8: {  	s31 =	sshll.u32 s1, $0xD;
	s1 =	sshrl.u32 s1, $0x2  }
0xb9: {  	s3 =	sand.u32 $0x4000, s31;
	s1 =	sadd.s32 s1, s30  }
0xba: {  	s0 =	sor.u32 s3, s0;
	s1 =	sshll.u32 s1, $0x11  }
0xbb: {  	s0 =	sor.u32 s1, s0  }
0xbc: {  	s0 =	sadd.s32 $0x8F2B, s0  }
0xbd: {  	[sflag:s0] =	ssyncadd.remote.s32 $0x1  }
0xbe: {  	_ =	sfence.sel $0xFFFF  }
0xbf: {  	[dreg:$0x0] =	wrdreg $0xFFFFFFFF;
	(pc) =	sbr.abs _section_cstart, $3  }
0xc0: {  	[dreg:$0x1] =	wrdreg $0xFFFFFFFF  }
0xc1: {  	_ =	task.clear_ibuf [dreg:s6], $0x2FFFF;
	_ =	strace $0x9FFFFFFF  }
0xc2: {  	(tm) =	ssettm $0x7FFFFFFF  }
0xc3: {  	_ =	shalt  }
tec
execute0_lowered:
.L_overlay_start_1:
0x0: {  	(tag) =	ssettag $0x1  }
0x1: {  	s0 =	srdreg.scid  }
0x2: {  	s8 =	stileid.u32;
	s5 =	rddreg [dreg:$0x0]  }
0x3: {  	s2 =	rddreg [dreg:$0x1];
	s3 =	simm.s32 $0x0;
	s14 =	simm.s32 $0xB  }
0x4: {  	s16 =	simm.s32 $0xA000;
	s17 =	simm.s32 $0x40;
	s18 =	simm.s32 $0x5000  }
0x5: {  	s19 =	simm.s32 $0x6000;
	s28 =	simm.s32 $0x6;
	s29 =	simm.s32 $0x4  }
0x6: {  	s30 =	simm.s32 $0x7;
	s31 =	simm.s32 $0x5;
	s15 =	simm.s32 $0x9  }
0x7: {  	s20 =	simm.s32 $0xA;
	s0 =	sand.u32 $0x1, s0;
	s1 =	sshll.u32 s8, $0x1  }
0x8: {  	s6 =	smul.u32 $0x9E00, s8;
	[smem:$0x7FF] =	sst s3;
	s4 =	sadd.s32 $0x6F000, s5  }
0x9: {  	s8 =	smul.u32 $0x27800, s8;
	s9 =	sadd.s32 $0xBE00, s5;
	s1 =	sor.u32 s0, s1  }
0xa: {  	s7 =	smul.u32 $0x9E000, s0;
	_ =	strace $0x8000004D;
	s0 =	ssub.s32 $0x2, s0  }
0xb: {  	[dreg:$0x3] =	wrdreg s9;
	s1 =	smul.u32 $0x500, s1;
	s21 =	sshrl.u32 s0, $0x1  }
0xc: {  	s23 =	sshrl.u32 s8, $0x2;
	s8 =	sadd.s32 s6, s2;
	s7 =	sadd.s32 s6, s7  }
0xd: {  	s0 =	ssub.s32 s0, s21;
	s24 =	sadd.s32 s23, s2;
	s21 =	simm.s32 $0x7000  }
0xe: {  	s23 =	simm.s32 $0x8000;
	s1 =	sadd.s32 s1, s5;
	s7 =	sshrl.u32 s7, $0x3  }
0xf: {  	s25 =	sadd.s32 $0x2000, s24;
	s26 =	sadd.s32 $0x4000, s24;
	s11 =	sadd.s32 $0x6000, s24  }
0x10: {  	s13 =	smax.u32 s0, $0x1;
	s24 =	simm.s32 $0x2;
	[dreg:$0x6] =	wrdreg s25  }
0x11: {  	s0 =	simm.s32 $0x0;
	s22 =	sadd.s32 $0x16000, s1;
	[dreg:$0x7] =	wrdreg s26  }
0x12: {  	s5 =	sadd.s32 s7, s5;
	s1 =	sadd.s32 $0x1E00, s1;
	[dreg:$0x4] =	wrdreg s22  }
0x13: {  	s25 =	simm.s32 $0x9000;
	s26 =	simm.s32 $0x3;
	[dreg:$0x5] =	wrdreg s1  }
0x14: {  	s12 =	sadd.s32 $0x82A00, s5;
	s22 =	simm.s32 $0x1;
	s1 =	simm.s32 $0x8  }
.LBB2_1:
0x15: {  	s5 =	rddreg [dreg:$0x4]  }
0x16: {  	[tilespmem:s3], [sflag:$0xB] =	stream.linear.gather [hbm4b:s5+s3], $0x2800, $0x38;
	[tilespmem:$0x15E00] =	vst v63  }
0x17: {  	_ =	swait.ge [sflag:s14], $0x2800  }
0x18: {  	[sflag:s14] =	ssyncset.done $0x0  }
0x19: {  	s6 =	simm.s32 $0x2800;
	s7 =	rddreg [dreg:$0x5];
	[sflag:s14] =	ssyncadd.s32 $0xFFFFD800  }
0x1a: {  	[tilespmem:s6], [sflag:$0xB] =	stream.linear.gather [hbm4b:s7+s3], $0x2800, $0x38;
	[tilespmem:$0x15E00] =	vst v63  }
0x1b: {  	_ =	swait.ge [sflag:s14], $0x2800  }
0x1c: {  	[sflag:s14] =	ssyncset.done $0x0  }
0x1d: {  	s9 =	rddreg [dreg:$0x3];
	[sflag:s14] =	ssyncadd.s32 $0xFFFFD800  }
0x1e: {  	[tilespmem:s16], [sflag:$0xB] =	stream.linear.gather [hbm4b:s9+s3], $0x2000, $0x38;
	[tilespmem:$0x15E00] =	vst v63  }
0x1f: {  	_ =	swait.ge [sflag:s14], $0x2000  }
0x20: {  	[sflag:s14] =	ssyncset.done $0x0  }
0x21: {  	[sflag:s14] =	ssyncadd.s32 $0xFFFFE000  }
0x22: {  	[spmem:s8] =	stream.linear.scatter [tilespmem:s16], [sflag:$0xB], $0x2000, $0x38;
	[tilespmem:$0x15E00] =	vst v63  }
0x23: {  	_ =	swait.ge [sflag:s14], $0x2000  }
0x24: {  	[sflag:s14] =	ssyncset.done $0x0  }
0x25: {  	s10 =	rddreg [dreg:$0x6];
	[sflag:s14] =	ssyncadd.s32 $0xFFFFE000  }
0x26: {  	[spmem:s10] =	stream.linear.scatter [tilespmem:s16], [sflag:$0xB], $0x2000, $0x38;
	[tilespmem:$0x15E00] =	vst v63  }
0x27: {  	_ =	swait.ge [sflag:s14], $0x2000  }
0x28: {  	[sflag:s14] =	ssyncset.done $0x0  }
0x29: {  	s6 =	rddreg [dreg:$0x7];
	[sflag:s14] =	ssyncadd.s32 $0xFFFFE000  }
0x2a: {  	[spmem:s6] =	stream.linear.scatter [tilespmem:s16], [sflag:$0xB], $0x2000, $0x38;
	[tilespmem:$0x15E00] =	vst v63  }
0x2b: {  	_ =	swait.ge [sflag:s14], $0x2000  }
0x2c: {  	[sflag:s14] =	ssyncset.done $0x0  }
0x2d: {  	[sflag:s14] =	ssyncadd.s32 $0xFFFFE000  }
0x2e: {  	[spmem:s11] =	stream.linear.scatter [tilespmem:s16], [sflag:$0xB], $0x2000, $0x38;
	[tilespmem:$0x15E00] =	vst v63  }
0x2f: {  	_ =	swait.ge [sflag:s14], $0x2000  }
0x30: {  	[sflag:s14] =	ssyncset.done $0x0  }
0x31: {  	[sflag:s14] =	ssyncadd.s32 $0xFFFFE000  }
0x32: {  	[bflag:$0x0] =	sbarrier.arrive $0xFFFF  }
0x33: {  	[tilespmem:s18], [sflag:$0x1] =	stream.indirect.gather [hbm4b:s4+s17], $0x40, s3, s17, $0xb8;
	[tilespmem:$0x15E00] =	vst v63  }
0x34: {  	_ = 	snop  }
0x35: {  	[tilespmem:s19], [sflag:$0x2] =	stream.indirect.gather [hbm4b:s4+s17], $0x40, s17, s17, $0xb8;
	[tilespmem:$0x15E00] =	vst v63  }
0x36: {  	s7 =	simm.s32 $0x80  }
0x37: {  	[tilespmem:s21], [sflag:$0x3] =	stream.indirect.gather [hbm4b:s4+s17], $0x40, s7, s17, $0xb8;
	[tilespmem:$0x15E00] =	vst v63  }
0x38: {  	_ =	swait.ge [sflag:s22], $0x1000  }
0x39: {  	p0 =	por $0x1, $0x1;
	[sflag:s22] =	ssyncset.done $0x0  }
0x3a: {  	s9 =	simm.s32 $0x2800;
	s6 =	simm.s32 @!p0 $0x9;
	[sflag:s22] =	ssyncadd.s32 $0xFFFFF000  }
0x3b: {  	[spmem:s2] =	stream.indirect.scatter.add.f32 [tilespmem:s18], [sflag:$0x6], $0x40, s9, s17, $0xb8;
	[tilespmem:$0x15E00] =	vst v63  }
0x3c: {  	_ =	swait.ge @!p0 [sflag:s6], $0x1000  }
0x3d: {  	[sflag:s6] =	ssyncset.done @!p0 $0x0  }
0x3e: {  	s10 =	simm.s32 $0xC0;
	[sflag:s6] =	ssyncadd.s32 @!p0 $0xFFFFF000  }
0x3f: {  	[tilespmem:s23], [sflag:$0x4] =	stream.indirect.gather [hbm4b:s4+s17], $0x40, s10, s17, $0xb8;
	[tilespmem:$0x15E00] =	vst v63  }
0x40: {  	_ =	swait.ge [sflag:s24], $0x1000  }
0x41: {  	p0 =	por $0x1, $0x1;
	[sflag:s24] =	ssyncset.done $0x0  }
0x42: {  	s7 =	simm.s32 $0x2840;
	s6 =	simm.s32 @!p0 $0xA;
	[sflag:s24] =	ssyncadd.s32 $0xFFFFF000  }
0x43: {  	[spmem:s2] =	stream.indirect.scatter.add.f32 [tilespmem:s19], [sflag:$0x7], $0x40, s7, s17, $0xb8;
	[tilespmem:$0x15E00] =	vst v63  }
0x44: {  	_ =	swait.ge @!p0 [sflag:s6], $0x1000  }
0x45: {  	[sflag:s6] =	ssyncset.done @!p0 $0x0  }
0x46: {  	s9 =	simm.s32 $0x100;
	[sflag:s6] =	ssyncadd.s32 @!p0 $0xFFFFF000  }
0x47: {  	[tilespmem:s25], [sflag:$0x5] =	stream.indirect.gather [hbm4b:s4+s17], $0x40, s9, s17, $0xb8;
	[tilespmem:$0x15E00] =	vst v63  }
0x48: {  	_ =	swait.ge [sflag:s26], $0x1000  }
0x49: {  	[sflag:s26] =	ssyncset.done $0x0  }
0x4a: {  	s10 =	simm.s32 $0x2880;
	[sflag:s26] =	ssyncadd.s32 $0xFFFFF000  }
0x4b: {  	[spmem:s2] =	stream.indirect.scatter.add.f32 [tilespmem:s21], [sflag:$0x8], $0x40, s10, s17, $0xb8;
	[tilespmem:$0x15E00] =	vst v63  }
0x4c: {  	_ =	swait.ge [sflag:s28], $0x1000  }
0x4d: {  	[sflag:s28] =	ssyncset.done $0x0  }
0x4e: {  	s6 =	simm.s32 $0x140;
	[sflag:s28] =	ssyncadd.s32 $0xFFFFF000  }
0x4f: {  	[tilespmem:s18], [sflag:$0x1] =	stream.indirect.gather [hbm4b:s4+s17], $0x40, s6, s17, $0xb8;
	[tilespmem:$0x15E00] =	vst v63  }
0x50: {  	_ =	swait.ge [sflag:s29], $0x1000  }
0x51: {  	[sflag:s29] =	ssyncset.done $0x0  }
0x52: {  	s7 =	simm.s32 $0x28C0;
	[sflag:s29] =	ssyncadd.s32 $0xFFFFF000  }
0x53: {  	[spmem:s2] =	stream.indirect.scatter.add.f32 [tilespmem:s23], [sflag:$0x9], $0x40, s7, s17, $0xb8;
	[tilespmem:$0x15E00] =	vst v63  }
0x54: {  	_ =	swait.ge [sflag:s30], $0x1000  }
0x55: {  	[sflag:s30] =	ssyncset.done $0x0  }
0x56: {  	s9 =	simm.s32 $0x180;
	[sflag:s30] =	ssyncadd.s32 $0xFFFFF000  }
0x57: {  	[tilespmem:s19], [sflag:$0x2] =	stream.indirect.gather [hbm4b:s4+s17], $0x40, s9, s17, $0xb8;
	[tilespmem:$0x15E00] =	vst v63  }
0x58: {  	_ =	swait.ge [sflag:s31], $0x1000  }
0x59: {  	[sflag:s31] =	ssyncset.done $0x0  }
0x5a: {  	s10 =	simm.s32 $0x2900;
	[sflag:s31] =	ssyncadd.s32 $0xFFFFF000  }
0x5b: {  	[spmem:s2] =	stream.indirect.scatter.add.f32 [tilespmem:s25], [sflag:$0xA], $0x40, s10, s17, $0xb8;
	[tilespmem:$0x15E00] =	vst v63  }
0x5c: {  	s5 =	simm.s32 $0xFFFFFFFE;
	_ =	swait.ge [sflag:s1], $0x1000  }
0x5d: {  	s6 =	simm.s32 $0x500;
	s7 =	simm.s32 $0x1C0;
	[sflag:s1] =	ssyncset.done $0x0  }
.LBB2_2:
0x5e: {  	[sflag:s1] =	ssyncadd.s32 $0xFFFFF000  }
0x5f: {  	s5 =	sadd.s32 $0x5, s5;
	s9 =	smov.u32 s6;
	s6 =	sadd.s32 $0x500, s6  }
0x60: {  	[tilespmem:s21], [sflag:$0x3] =	stream.indirect.gather [hbm4b:s4+s17], $0x40, s7, s17, $0xb8;
	[tilespmem:$0x15E00] =	vst v63  }
0x61: {  	s7 =	sshra.s32 s9, $0x2;
	p0 =	sne.s32 s6, $0x9B00;
	_ =	swait.ge [sflag:s22], $0x1000  }
0x62: {  	p1 =	sgt.u32 s5, $0x9A;
	s9 =	sadd.s32 $0x2800, s7;
	[sflag:s22] =	ssyncset.done $0x0  }
0x63: {  	s10 =	simm.s32 @!p1 $0x9;
	[sflag:s22] =	ssyncadd.s32 $0xFFFFF000  }
0x64: {  	[spmem:s2] =	stream.indirect.scatter.add.f32 [tilespmem:s18], [sflag:$0x6], $0x40, s9, s17, $0xb8;
	[tilespmem:$0x15E00] =	vst v63  }
0x65: {  	_ =	swait.ge @!p1 [sflag:s10], $0x1000  }
0x66: {  	s9 =	sadd.s32 $0xC0, s7;
	[sflag:s10] =	ssyncset.done @!p1 $0x0  }
0x67: {  	[sflag:s10] =	ssyncadd.s32 @!p1 $0xFFFFF000  }
0x68: {  	[tilespmem:s23], [sflag:$0x4] =	stream.indirect.gather [hbm4b:s4+s17], $0x40, s9, s17, $0xb8;
	[tilespmem:$0x15E00] =	vst v63  }
0x69: {  	s9 =	sadd.s32 $0x1, s5;
	_ =	swait.ge [sflag:s24], $0x1000  }
0x6a: {  	s10 =	sadd.s32 $0x2840, s7;
	p1 =	sgt.u32 s9, $0x9A;
	[sflag:s24] =	ssyncset.done $0x0  }
0x6b: {  	s9 =	simm.s32 @!p1 $0xA;
	[sflag:s24] =	ssyncadd.s32 $0xFFFFF000  }
0x6c: {  	[spmem:s2] =	stream.indirect.scatter.add.f32 [tilespmem:s19], [sflag:$0x7], $0x40, s10, s17, $0xb8;
	[tilespmem:$0x15E00] =	vst v63  }
0x6d: {  	_ =	swait.ge @!p1 [sflag:s9], $0x1000  }
0x6e: {  	s10 =	sadd.s32 $0x100, s7;
	[sflag:s9] =	ssyncset.done @!p1 $0x0  }
0x6f: {  	[sflag:s9] =	ssyncadd.s32 @!p1 $0xFFFFF000  }
0x70: {  	[tilespmem:s25], [sflag:$0x5] =	stream.indirect.gather [hbm4b:s4+s17], $0x40, s10, s17, $0xb8;
	[tilespmem:$0x15E00] =	vst v63  }
0x71: {  	_ =	swait.ge [sflag:s26], $0x1000  }
0x72: {  	s9 =	sadd.s32 $0x2880, s7;
	[sflag:s26] =	ssyncset.done $0x0  }
0x73: {  	[sflag:s26] =	ssyncadd.s32 $0xFFFFF000  }
0x74: {  	[spmem:s2] =	stream.indirect.scatter.add.f32 [tilespmem:s21], [sflag:$0x8], $0x40, s9, s17, $0xb8;
	[tilespmem:$0x15E00] =	vst v63  }
0x75: {  	_ =	swait.ge [sflag:s28], $0x1000  }
0x76: {  	s9 =	sadd.s32 $0x140, s7;
	[sflag:s28] =	ssyncset.done $0x0  }
0x77: {  	[sflag:s28] =	ssyncadd.s32 $0xFFFFF000  }
0x78: {  	[tilespmem:s18], [sflag:$0x1] =	stream.indirect.gather [hbm4b:s4+s17], $0x40, s9, s17, $0xb8;
	[tilespmem:$0x15E00] =	vst v63  }
0x79: {  	_ =	swait.ge [sflag:s29], $0x1000  }
0x7a: {  	s9 =	sadd.s32 $0x28C0, s7;
	[sflag:s29] =	ssyncset.done $0x0  }
0x7b: {  	[sflag:s29] =	ssyncadd.s32 $0xFFFFF000  }
0x7c: {  	[spmem:s2] =	stream.indirect.scatter.add.f32 [tilespmem:s23], [sflag:$0x9], $0x40, s9, s17, $0xb8;
	[tilespmem:$0x15E00] =	vst v63  }
0x7d: {  	_ =	swait.ge [sflag:s30], $0x1000  }
0x7e: {  	s9 =	sadd.s32 $0x180, s7;
	[sflag:s30] =	ssyncset.done $0x0  }
0x7f: {  	[sflag:s30] =	ssyncadd.s32 $0xFFFFF000  }
0x80: {  	[tilespmem:s19], [sflag:$0x2] =	stream.indirect.gather [hbm4b:s4+s17], $0x40, s9, s17, $0xb8;
	[tilespmem:$0x15E00] =	vst v63  }
0x81: {  	_ =	swait.ge [sflag:s31], $0x1000  }
.Ltmp0:
0x82: {  	s9 =	sadd.s32 $0x2900, s7;
	[sflag:s31] =	ssyncset.done $0x0;
	(pc) =	sbr.rel @p0 .LBB2_2-.Ltmp0, $4  }
0x83: {  	[sflag:s31] =	ssyncadd.s32 $0xFFFFF000  }
0x84: {  	[spmem:s2] =	stream.indirect.scatter.add.f32 [tilespmem:s25], [sflag:$0xA], $0x40, s9, s17, $0xb8;
	[tilespmem:$0x15E00] =	vst v63  }
0x85: {  	_ =	swait.ge [sflag:s1], $0x1000  }
0x86: {  	s7 =	sadd.s32 $0x1C0, s7;
	[sflag:s1] =	ssyncset.done $0x0  }
0x87: {  	[sflag:s1] =	ssyncadd.s32 $0xFFFFF000  }
0x88: {  	[tilespmem:s21], [sflag:$0x3] =	stream.indirect.gather [hbm4b:s4+s17], $0x40, s7, s17, $0xb8;
	[tilespmem:$0x15E00] =	vst v63  }
0x89: {  	_ =	swait.ge [sflag:s22], $0x1000  }
0x8a: {  	[sflag:s22] =	ssyncset.done $0x0  }
0x8b: {  	s5 =	simm.s32 $0x4EC0;
	[sflag:s22] =	ssyncadd.s32 $0xFFFFF000  }
0x8c: {  	[spmem:s2] =	stream.indirect.scatter.add.f32 [tilespmem:s18], [sflag:$0x6], $0x40, s5, s17, $0xb8;
	[tilespmem:$0x15E00] =	vst v63  }
0x8d: {  	_ =	swait.ge [sflag:s15], $0x1000  }
0x8e: {  	[sflag:s15] =	ssyncset.done $0x0  }
0x8f: {  	s7 =	simm.s32 $0x2780;
	[sflag:s15] =	ssyncadd.s32 $0xFFFFF000  }
0x90: {  	[tilespmem:s23], [sflag:$0x4] =	stream.indirect.gather [hbm4b:s4+s17], $0x40, s7, s17, $0xb8;
	[tilespmem:$0x15E00] =	vst v63  }
0x91: {  	_ =	swait.ge [sflag:s24], $0x1000  }
0x92: {  	[sflag:s24] =	ssyncset.done $0x0  }
0x93: {  	s9 =	simm.s32 $0x4F00;
	[sflag:s24] =	ssyncadd.s32 $0xFFFFF000  }
0x94: {  	[spmem:s2] =	stream.indirect.scatter.add.f32 [tilespmem:s19], [sflag:$0x7], $0x40, s9, s17, $0xb8;
	[tilespmem:$0x15E00] =	vst v63  }
0x95: {  	_ =	swait.ge [sflag:s20], $0x1000  }
0x96: {  	[sflag:s20] =	ssyncset.done $0x0  }
0x97: {  	s10 =	simm.s32 $0x27C0;
	[sflag:s20] =	ssyncadd.s32 $0xFFFFF000  }
0x98: {  	[tilespmem:s25], [sflag:$0x5] =	stream.indirect.gather [hbm4b:s4+s17], $0x40, s10, s17, $0xb8;
	[tilespmem:$0x15E00] =	vst v63  }
0x99: {  	_ =	swait.ge [sflag:s26], $0x1000  }
0x9a: {  	[sflag:s26] =	ssyncset.done $0x0  }
0x9b: {  	s6 =	simm.s32 $0x4F40;
	[sflag:s26] =	ssyncadd.s32 $0xFFFFF000  }
0x9c: {  	[spmem:s2] =	stream.indirect.scatter.add.f32 [tilespmem:s21], [sflag:$0x8], $0x40, s6, s17, $0xb8;
	[tilespmem:$0x15E00] =	vst v63  }
0x9d: {  	_ =	swait.ge [sflag:s29], $0x1000  }
0x9e: {  	[sflag:s29] =	ssyncset.done $0x0  }
0x9f: {  	s7 =	simm.s32 $0x4F80;
	[sflag:s29] =	ssyncadd.s32 $0xFFFFF000  }
0xa0: {  	[spmem:s2] =	stream.indirect.scatter.add.f32 [tilespmem:s23], [sflag:$0x9], $0x40, s7, s17, $0xb8;
	[tilespmem:$0x15E00] =	vst v63  }
0xa1: {  	_ =	swait.ge [sflag:s31], $0x1000  }
0xa2: {  	[sflag:s31] =	ssyncset.done $0x0  }
0xa3: {  	s9 =	simm.s32 $0x4FC0;
	[sflag:s31] =	ssyncadd.s32 $0xFFFFF000  }
0xa4: {  	[spmem:s2] =	stream.indirect.scatter.add.f32 [tilespmem:s25], [sflag:$0xA], $0x40, s9, s17, $0xb8;
	[tilespmem:$0x15E00] =	vst v63  }
0xa5: {  	_ =	swait.ge [sflag:s28], $0x1000  }
0xa6: {  	[sflag:s28] =	ssyncset.done $0x0  }
0xa7: {  	[sflag:s28] =	ssyncadd.s32 $0xFFFFF000  }
0xa8: {  	_ =	swait.ge [sflag:s30], $0x1000  }
0xa9: {  	[sflag:s30] =	ssyncset.done $0x0  }
0xaa: {  	[sflag:s30] =	ssyncadd.s32 $0xFFFFF000  }
0xab: {  	_ =	swait.ge [sflag:s1], $0x1000  }
0xac: {  	[sflag:s1] =	ssyncset.done $0x0  }
0xad: {  	[sflag:s1] =	ssyncadd.s32 $0xFFFFF000  }
0xae: {  	_ =	swait.ge [sflag:s15], $0x1000  }
0xaf: {  	[sflag:s15] =	ssyncset.done $0x0  }
0xb0: {  	[sflag:s15] =	ssyncadd.s32 $0xFFFFF000  }
0xb1: {  	s10 =	stileid.u32;
	_ =	swait.ge [sflag:s20], $0x1000  }
0xb2: {  	s0 =	sadd.s32 $0x1, s0;
	s5 =	sshll.u32 s10, $0x6;
	[sflag:s20] =	ssyncset.done $0x0  }
0xb3: {  	p0 =	sne.s32 s0, s13;
	s5 =	sor.u32 $0x1C0B, s5;
	[sflag:s20] =	ssyncadd.s32 $0xFFFFF000  }
.Ltmp1:
0xb4: {  	s6 =	sshrl.u32 s8, $0x3;
	[bflag:$0x0] =	sbarrier.arrive $0xFFFF;
	(pc) =	sbr.rel @p0 .LBB2_1-.Ltmp1, $4  }
0xb5: {  	[hbm:s12], [sflag:s5] =	dma.local [spmem:s6], $0x13C0  }
0xb6: {  	_ =	swait.ge [sflag:s14], $0x13C0  }
0xb7: {  	[sflag:s14] =	ssyncset.done $0x0  }
0xb8: {  	[sflag:s14] =	ssyncadd.s32 $0xFFFFEC40  }
0xb9: {  	_ =	sfence.sel $0x180000  }
0xba: {  	[bflag:$0x0] =	sbarrier.arrive $0xFFFF  }
0xbb: {  	_ =	strace $0x9000004D  }
0xbc: {  	s0 =	stileid.u32;
	[bflag:$0x2] =	sbarrier.arrive $0xFFFF  }
0xbd: {  	p0 =	sne.s32 s0, $0x0;
	s0 =	rddreg [dreg:$0x2]  }
0xbe: {  	s0 =	sadd.s32 @!p0 $0x100000, s0  }
0xbf: {  	[sflag:s0] =	ssyncadd.tile.s32 @!p0 $0x1;
	_ =	shalt  }
.Lfunc_end2:
_tile_overlayer_lowered:
.L_overlay_start_2:
0xc0: {  	(tag) =	ssettag $0x2  }
0xc1: {  	s0 =	rddreg [dreg:$0x0];
	s2 =	stileid.u32  }
0xc2: {  	s1 =	rddreg [dreg:$0x1];
	p0 =	sne.s32 s2, $0x0  }
0xc3: {  	s3 =	rddreg [dreg:$0x2];
	[bflag:$0x3] =	sbarrier.arrive $0xFFFF;
	s2 =	simm.s32 @!p0 $0x1C0B  }
0xc4: {  	[timem:s3], [sflag:s2] =	dma.local @!p0 [hbm:s0], s1  }
0xc5: {  	s0 =	simm.s32 @!p0 $0xB  }
0xc6: {  	_ =	swait.ge @!p0 [sflag:s0], s1  }
0xc7: {  	s1 =	ssub.s32 @!p0 $0x0, s1;
	[sflag:s0] =	ssyncset.done @!p0 $0x0  }
0xc8: {  	[sflag:s0] =	ssyncadd.s32 @!p0 s1  }
0xc9: {  	[bflag:$0x3] =	sbarrier.arrive $0xFFFF  }
0xca: {  	_ =	shalt  }

// kernel: kernel.8.cloned.1.call-start
scs
__scs_entry_jumppad:
0x0: {  	(pc) =	sbr.rel $0x88, $3  }
0x1: {  	(tag) =	ssettag $0x0;
	lr =	simm.s32 $0x1  }
0x2: {  	[smem:$0x3F98] =	sst lr;
	_ =	strace $0xD0000000  }
0x3: {  	_ = 	snop  }
0x4: {  	_ = 	snop  }
0x5: {  	_ = 	snop  }
0x6: {  	_ = 	snop  }
0x7: {  	_ = 	snop  }
__scs_overlays_trampoline_lowered:
0x8: {  	[smem:$0x3FA7] =	sst s0  }
0x9: {  	[smem:$0x3FA8] =	sst s1  }
0xa: {  	[smem:$0x3FA9] =	sst s2  }
0xb: {  	[smem:$0x3FAA] =	sst s3  }
0xc: {  	[smem:$0x3FAB] =	sst s4  }
0xd: {  	[smem:$0x3FAC] =	sst s5  }
0xe: {  	[smem:$0x3FAD] =	sst s6  }
0xf: {  	[smem:$0x3FAE] =	sst s7  }
0x10: {  	[smem:$0x3FAF] =	sst s8  }
0x11: {  	[smem:$0x3FB0] =	sst s9;
	s0 =	simm.s32 @!p0 $0x0  }
0x12: {  	s1 =	sld [smem:$0x3F96];
	s0 =	simm.s32 @p0 $0x1  }
0x13: {  	[smem:$0x3FB1] =	sst s0;
	s0 =	simm.s32 @!p1 $0x0  }
0x14: {  	s2 =	sld [smem:$0x3F95];
	s0 =	simm.s32 @p1 $0x1  }
0x15: {  	[smem:$0x3FB2] =	sst s0;
	s0 =	simm.s32 @!p2 $0x0  }
0x16: {  	s3 =	sld [smem:$0x3FDB];
	s0 =	simm.s32 @p2 $0x1  }
0x17: {  	s4 =	simm.s32 $0x1BF5;
	[smem:$0x3FB4] =	sst s0  }
0x18: {  	s0 =	sld [smem:$0x3F97];
	_ =	swait.ge [sflag:s4], $0x0  }
0x19: {  	s7 =	sld [smem:$0x3F98]  }
0x1a: {  	s8 =	sadd.s32 $0xFFFFE003, lr  }
0x1b: {  	s9 =	sadd.s32 $0xFFFFFEF7, lr;
	s5 =	simm.s32 $0xFFFFFFFF;
	p2 =	slt.u32 s8, $0xFFFFF086  }
0x1c: {  	p1 =	slt.u32 s9, $0xF7A;
	s5 =	simm.s32 @!p2 $0x0  }
0x1d: {  	s5 =	simm.s32 @p1 $0x1;
	p0 =	seq.s32 s7, s2  }
0x1e: {  	s7 =	smul.u32 @!p0 $0xF7A, s2;
	p2 =	seq.s32 @!p0 s5, $0x0  }
0x1f: {  	s9 =	smul.u32 $0xF7A, s1;
	s8 =	simm.s32 @!p0 $0x1BF5;
	p2 =	por !p2, p0  }
0x20: {  	[sflag:s8] =	ssyncset.s32 @!p0 $0xFFFFF086;
	s6 =	sadd.s32 @!p0 s3, s7;
	s7 =	simm.s32 @!p0 $0x108  }
0x21: {  	s3 =	sadd.s32 s3, s9;
	s6 =	sadd.s32 @!p0 $0x88, s6;
	s7 =	simm.s32 @p2 $0x1082  }
0x22: {  	[simem:s7], [sflag:s8] =	dma.local @!p0 [hbm:s6], $0xF7A  }
0x23: {  	s9 =	sor.u32 $0xD0000000, s2;
	s6 =	simm.s32 $0x108;
	_ =	swait.ge @!p0 [sflag:s8], $0x0  }
0x24: {  	s3 =	sadd.s32 $0x88, s3;
	s6 =	simm.s32 @!p1 $0x1082;
	[sflag:s4] =	ssyncset.s32 $0xFFFFF086  }
0x25: {  	[simem:s6], [sflag:s4] =	dma.local [hbm:s3], $0xF7A  }
0x26: {  	[smem:$0x3F98] =	sst s1;
	(tag) =	ssettag s2;
	_ =	strace s9  }
0x27: {  	s1 =	sld [smem:$0x3FA8]  }
0x28: {  	s2 =	sld [smem:$0x3FA9]  }
0x29: {  	s4 =	sld [smem:$0x3FAB]  }
0x2a: {  	p0 =	seq.s32 s5, $0x0;
	s5 =	sld [smem:$0x3FAC]  }
0x2b: {  	s6 =	sld [smem:$0x3FAD]  }
0x2c: {  	s7 =	sld [smem:$0x3FAE]  }
0x2d: {  	s3 =	simm.s32 $0x108;
	s8 =	sld [smem:$0x3FAF]  }
0x2e: {  	s3 =	simm.s32 @!p0 $0x1082;
	s9 =	sld [smem:$0x3FB0]  }
0x2f: {  	lr =	sadd.s32 s0, s3;
	s0 =	sld [smem:$0x3FA7]  }
0x30: {  	s3 =	sld [smem:$0x3FAA]  }
0x31: {  	[smem:$0x3FB3] =	sst s10  }
0x32: {  	s10 =	sld [smem:$0x3FB1];
	_ =	sdelay $0x3  }
0x33: {  	p0 =	seq.s32 s10, $0x1;
	s10 =	sld [smem:$0x3FB3];
	_ =	sdelay $0x3  }
0x34: {  	[smem:$0x3FB3] =	sst s10  }
0x35: {  	s10 =	sld [smem:$0x3FB2];
	_ =	sdelay $0x3  }
0x36: {  	p1 =	seq.s32 s10, $0x1;
	s10 =	sld [smem:$0x3FB3];
	_ =	sdelay $0x3  }
0x37: {  	[smem:$0x3FB3] =	sst s10  }
0x38: {  	s10 =	sld [smem:$0x3FB4]  }
0x39: {  	_ = 	snop;
	(pc) =	sbr.ind lr, $3  }
0x3a: {  	_ = 	snop  }
0x3b: {  	_ = 	snop  }
0x3c: {  	p2 =	seq.s32 s10, $0x1;
	s10 =	sld [smem:$0x3FB3]  }
0x3d: {  	_ =	shalt  }
0x3e: {  	_ =	shalt  }
0x3f: {  	_ =	shalt  }
0x40: {  	_ =	shalt  }
0x41: {  	_ =	shalt  }
0x42: {  	_ =	shalt  }
0x43: {  	_ =	shalt  }
0x44: {  	_ =	shalt  }
0x45: {  	_ =	shalt  }
0x46: {  	_ =	shalt  }
0x47: {  	_ =	shalt  }
0x48: {  	_ =	shalt  }
0x49: {  	_ =	shalt  }
0x4a: {  	_ =	shalt  }
0x4b: {  	_ =	shalt  }
0x4c: {  	_ =	shalt  }
0x4d: {  	_ =	shalt  }
0x4e: {  	_ =	shalt  }
0x4f: {  	_ =	shalt  }
0x50: {  	_ =	shalt  }
0x51: {  	_ =	shalt  }
0x52: {  	_ =	shalt  }
0x53: {  	_ =	shalt  }
0x54: {  	_ =	shalt  }
0x55: {  	_ =	shalt  }
0x56: {  	_ =	shalt  }
0x57: {  	_ =	shalt  }
0x58: {  	_ =	shalt  }
0x59: {  	_ =	shalt  }
0x5a: {  	_ =	shalt  }
0x5b: {  	_ =	shalt  }
0x5c: {  	_ =	shalt  }
0x5d: {  	_ =	shalt  }
0x5e: {  	_ =	shalt  }
0x5f: {  	_ =	shalt  }
0x60: {  	_ =	shalt  }
0x61: {  	_ =	shalt  }
0x62: {  	_ =	shalt  }
0x63: {  	_ =	shalt  }
0x64: {  	_ =	shalt  }
0x65: {  	_ =	shalt  }
0x66: {  	_ =	shalt  }
0x67: {  	_ =	shalt  }
0x68: {  	_ =	shalt  }
0x69: {  	_ =	shalt  }
0x6a: {  	_ =	shalt  }
0x6b: {  	_ =	shalt  }
0x6c: {  	_ =	shalt  }
0x6d: {  	_ =	shalt  }
0x6e: {  	_ =	shalt  }
0x6f: {  	_ =	shalt  }
0x70: {  	_ =	shalt  }
0x71: {  	_ =	shalt  }
0x72: {  	_ =	shalt  }
0x73: {  	_ =	shalt  }
0x74: {  	_ =	shalt  }
0x75: {  	_ =	shalt  }
0x76: {  	_ =	shalt  }
0x77: {  	_ =	shalt  }
0x78: {  	_ =	shalt  }
0x79: {  	_ =	shalt  }
0x7a: {  	_ =	shalt  }
0x7b: {  	_ =	shalt  }
0x7c: {  	_ =	shalt  }
0x7d: {  	_ =	shalt  }
0x7e: {  	_ =	shalt  }
0x7f: {  	_ =	shalt  }
0x80: {  	_ =	shalt  }
0x81: {  	_ =	shalt  }
0x82: {  	_ =	shalt  }
0x83: {  	_ =	shalt  }
0x84: {  	_ =	shalt  }
0x85: {  	_ =	shalt  }
0x86: {  	_ =	shalt  }
0x87: {  	_ =	shalt  }
.Lfunc_end0:
.L_simem_size_0:
called_computation_lowered:
.L_overlay_start_0:
0x88: {  	s2 =	sld [smem:$0x3FD9]  }
0x89: {  	s3 =	sld [smem:$0x3FFE];
	_ =	sdelay $0x1  }
0x8a: {  	s1 =	srdreg.scid  }
0x8b: {  	s0 =	sand.u32 $0x1, s1  }
0x8c: {  	s16 =	sshll.u32 s0, $0xA;
	s2 =	sadd.s32 s3, s2  }
0x8d: {  	s2 =	sadd.s32 s2, s16  }
0x8e: {  	[smem:$0x3FBF] =	sst s2  }
0x8f: {  	_ = 	snop  }
0x90: {  	(tm) =	ssettm $0x1  }
0x91: {  	s17 =	sld [smem:$0x3FFB];
	_ =	sdelay $0x3  }
0x92: {  	_ =	strace s17  }
0x93: {  	s2 =	sld [smem:$0x3FFC];
	_ =	sdelay $0x3  }
0x94: {  	_ =	strace s2  }
0x95: {  	s2 =	sld [smem:$0x3FFD];
	_ =	sdelay $0x3  }
0x96: {  	_ =	strace s2  }
0x97: {  	_ =	strace $0x8FFFFFFF  }
0x98: {  	s18 =	sld [smem:$0x3FDB];
	_ =	sdelay $0x1  }
0x99: {  	s19 =	simm.s32 $_scs_section_size  }
0x9a: {  	s4 =	simm.s32 $_size__tile_overlayer_lowered;
	s5 =	simm.s32 $_tile_overlayer_lowered  }
0x9b: {  	s22 =	simm.s32 $0x1BFF;
	s21 =	sshll.u32 s5, $0x1;
	s2 =	sadd.s32 s19, s18  }
0x9c: {  	s6 =	simm.s32 $0x0;
	s20 =	sshll.u32 s4, $0x1;
	s4 =	sadd.s32 s21, s2  }
0x9d: {  	[timem:s6], [sflag:s22] =	dma.local [hbm:s4], s20  }
0x9e: {  	_ =	swait.ge [sflag:s22], s20  }
0x9f: {  	s3 =	ssub.s32 $0x0, s20;
	[sflag:s22] =	ssyncset.done $0x0  }
0xa0: {  	[sflag:s22] =	ssyncadd.s32 s3;
	_ =	sdelay $0x1  }
0xa1: {  	s23 =	simm.s32 $0x1B8B  }
0xa2: {  	_ =	swait.ge [sflag:s23], $0x1  }
0xa3: {  	[sflag:s23] =	ssyncset.done $0x0  }
0xa4: {  	s25 =	simm.s32 $0x1B8E;
	s24 =	sld [smem:$0x3FFE];
	[sflag:s23] =	ssyncadd.s32 $0xFFFFFFFF  }
0xa5: {  	s26 =	simm.s32 $execute0_lowered;
	[smem:$0x3FD2] =	sst s25  }
0xa6: {  	s4 =	sshll.u32 s26, $0x1;
	_ =	strace $0x80000046;
	[dreg:$0x1] =	wrdreg $0xFFFFFFFF  }
0xa7: {  	s28 =	simm.s32 $_size_execute0_lowered;
	s2 =	sadd.s32 s2, s4;
	[dreg:$0x0] =	wrdreg $0x0  }
0xa8: {  	s4 =	sshll.u32 s28, $0x1;
	[dreg:$0x2] =	wrdreg s2  }
0xa9: {  	[dreg:$0x3] =	wrdreg s4  }
0xaa: {  	[dreg:$0x4] =	wrdreg $0xC0  }
0xab: {  	_ =	task [dreg:s6], $0x5FFFF  }
0xac: {  	[dreg:$0x1] =	wrdreg $0xFFFFFFFF  }
0xad: {  	[dreg:$0x0] =	wrdreg $0x60  }
0xae: {  	[dreg:$0x2] =	wrdreg s24  }
0xaf: {  	[dreg:$0x3] =	wrdreg $0x34000  }
0xb0: {  	[dreg:$0x4] =	wrdreg $0x9  }
0xb1: {  	_ =	task.clear_ibuf [dreg:s6], $0x5FFFF;
	_ =	strace $0x90000046  }
0xb2: {  	s29 =	simm.s32 $0x9;
	_ =	strace $0x80000048  }
0xb3: {  	_ =	swait.ge [sflag:s29], $0x1  }
0xb4: {  	[sflag:s29] =	ssyncadd.s32 $0xFFFFFFFF  }
0xb5: {  	_ =	strace $0x90000048  }
0xb6: {  	_ =	sfence  }
0xb7: {  	s30 =	sld [smem:$0x0];
	_ =	sdelay $0x2  }
0xb8: {  	s31 =	sshll.u32 s1, $0xD;
	s1 =	sshrl.u32 s1, $0x2  }
0xb9: {  	s3 =	sand.u32 $0x4000, s31;
	s1 =	sadd.s32 s1, s30  }
0xba: {  	s0 =	sor.u32 s3, s0;
	s1 =	sshll.u32 s1, $0x11  }
0xbb: {  	s0 =	sor.u32 s1, s0  }
0xbc: {  	s0 =	sadd.s32 $0x8F2B, s0  }
0xbd: {  	[sflag:s0] =	ssyncadd.remote.s32 $0x1  }
0xbe: {  	_ =	sfence.sel $0xFFFF  }
0xbf: {  	[dreg:$0x0] =	wrdreg $0xFFFFFFFF;
	(pc) =	sbr.abs _section_cstart, $3  }
0xc0: {  	[dreg:$0x1] =	wrdreg $0xFFFFFFFF  }
0xc1: {  	_ =	task.clear_ibuf [dreg:s6], $0x2FFFF;
	_ =	strace $0x9FFFFFFF  }
0xc2: {  	(tm) =	ssettm $0x7FFFFFFF  }
0xc3: {  	_ =	shalt  }
tec
execute0_lowered:
.L_overlay_start_1:
0x0: {  	(tag) =	ssettag $0x1  }
0x1: {  	s1 =	srdreg.scid  }
0x2: {  	s0 =	stileid.u32;
	s7 =	rddreg [dreg:$0x0]  }
0x3: {  	s2 =	rddreg [dreg:$0x1];
	s3 =	simm.s32 $0x0;
	s14 =	simm.s32 $0x2800  }
0x4: {  	s15 =	simm.s32 $0x2C00;
	s16 =	simm.s32 $0x40;
	s17 =	simm.s32 $0x1  }
0x5: {  	s20 =	simm.s32 $0x0;
	s6 =	sand.u32 $0x1, s1;
	s8 =	smul.u32 $0x2780, s0  }
0x6: {  	s29 =	sshll.u32 s0, $0x1;
	[smem:$0x7FF] =	sst s3;
	s11 =	smul.u32 $0x9E00, s0  }
0x7: {  	s18 =	sshll.u32 s0, $0x6;
	s1 =	sor.u32 s6, s29;
	s5 =	smul.u32 $0x27800, s6  }
0x8: {  	s6 =	ssub.s32 $0x2, s6;
	s18 =	sor.u32 $0x1C02, s18;
	s4 =	smul.u32 $0x500, s1  }
0x9: {  	s1 =	rddreg [dreg:$0x2];
	_ =	strace $0x80000047;
	s30 =	sshrl.u32 s6, $0x1  }
0xa: {  	s31 =	sshrl.u32 s11, $0x2;
	s10 =	sadd.s32 s8, s5;
	s5 =	sadd.s32 $0xBE00, s7  }
0xb: {  	s13 =	ssub.s32 s6, s30;
	s9 =	sadd.s32 s4, s7;
	s10 =	sshrl.u32 s10, $0x3  }
0xc: {  	s4 =	sadd.s32 $0xC000, s7;
	s12 =	sadd.s32 s10, s7;
	s10 =	sadd.s32 s31, s2  }
0xd: {  	s6 =	sadd.s32 $0x1E00, s9;
	s7 =	sadd.s32 s8, s2;
	s8 =	sadd.s32 $0x800, s10  }
0xe: {  	s9 =	sadd.s32 $0x1000, s10;
	s10 =	sadd.s32 $0x1800, s10;
	s11 =	sadd.s32 $0xC200, s12  }
0xf: {  	s12 =	smax.u32 s13, $0x1;
	s13 =	simm.s32 $0x2;
	s19 =	sshrl.u32 s7, $0x3  }
.LBB2_1:
0x10: {  	[tilespmem:s3], [sflag:$0x2] =	stream.linear.gather [hbm4b:s6+s3], $0x2800, $0x38;
	[tilespmem:$0x5B80] =	vst v63  }
0x11: {  	_ =	swait.ge [sflag:s13], $0x2800  }
0x12: {  	[sflag:s13] =	ssyncset.done $0x0  }
0x13: {  	[sflag:s13] =	ssyncadd.s32 $0xFFFFD800  }
0x14: {  	[tilespmem:s14], [sflag:$0x2] =	stream.linear.gather [hbm4b:s4+s3], $0x400, $0x38;
	[tilespmem:$0x5B80] =	vst v63  }
0x15: {  	_ =	swait.ge [sflag:s13], $0x400  }
0x16: {  	[sflag:s13] =	ssyncset.done $0x0  }
0x17: {  	[sflag:s13] =	ssyncadd.s32 $0xFFFFFC00  }
0x18: {  	[tilespmem:s15], [sflag:$0x2] =	stream.linear.gather [hbm4b:s5+s3], $0x800, $0x38;
	[tilespmem:$0x5B80] =	vst v63  }
0x19: {  	_ =	swait.ge [sflag:s13], $0x800  }
0x1a: {  	[sflag:s13] =	ssyncset.done $0x0  }
0x1b: {  	[sflag:s13] =	ssyncadd.s32 $0xFFFFF800  }
0x1c: {  	[spmem:s7] =	stream.linear.scatter [tilespmem:s15], [sflag:$0x2], $0x800, $0x38;
	[tilespmem:$0x5B80] =	vst v63  }
0x1d: {  	_ =	swait.ge [sflag:s13], $0x800  }
0x1e: {  	[sflag:s13] =	ssyncset.done $0x0  }
0x1f: {  	[sflag:s13] =	ssyncadd.s32 $0xFFFFF800  }
0x20: {  	[spmem:s8] =	stream.linear.scatter [tilespmem:s15], [sflag:$0x2], $0x800, $0x38;
	[tilespmem:$0x5B80] =	vst v63  }
0x21: {  	_ =	swait.ge [sflag:s13], $0x800  }
0x22: {  	[sflag:s13] =	ssyncset.done $0x0  }
0x23: {  	[sflag:s13] =	ssyncadd.s32 $0xFFFFF800  }
0x24: {  	[spmem:s9] =	stream.linear.scatter [tilespmem:s15], [sflag:$0x2], $0x800, $0x38;
	[tilespmem:$0x5B80] =	vst v63  }
0x25: {  	_ =	swait.ge [sflag:s13], $0x800  }
0x26: {  	[sflag:s13] =	ssyncset.done $0x0  }
0x27: {  	[sflag:s13] =	ssyncadd.s32 $0xFFFFF800  }
0x28: {  	[spmem:s10] =	stream.linear.scatter [tilespmem:s15], [sflag:$0x2], $0x800, $0x38;
	[tilespmem:$0x5B80] =	vst v63  }
0x29: {  	_ =	swait.ge [sflag:s13], $0x800  }
0x2a: {  	[sflag:s13] =	ssyncset.done $0x0  }
0x2b: {  	[sflag:s13] =	ssyncadd.s32 $0xFFFFF800  }
0x2c: {  	s21 =	simm.s32 $0x0;
	[bflag:$0x0] =	sbarrier.arrive $0xFFFF  }
.LBB2_2:
0x2d: {  	p0 =	sne.s32 s21, $0x9F00  }
.Ltmp0:
0x2e: {  	_ = 	snop;
	(pc) =	sbr.rel @p0 .LBB2_2-.Ltmp0, $3  }
0x2f: {  	_ =	sdelay $0x1  }
0x30: {  	s22 =	sshra.s32 s21, $0x2;
	s21 =	sadd.s32 $0x100, s21  }
0x31: {  	[spmem:s2] =	stream.indirect.scatter.add.f32 [tilespmem:s14], [sflag:$0x1], $0x10, s22, s16, $0xb8;
	[tilespmem:$0x5B80] =	vst v63  }
0x32: {  	_ =	swait.ge [sflag:s17], $0x400  }
0x33: {  	s21 =	simm.s32 $0x9F;
	[sflag:s17] =	ssyncset.done $0x0  }
.LBB2_4:
0x34: {  	p0 =	sne.s32 s21, $0x1;
	s21 =	sadd.s32 $0xFFFFFFFF, s21;
	[sflag:s17] =	ssyncadd.s32 $0xFFFFFC00  }
.Ltmp1:
0x35: {  	(pc) =	sbr.rel @p0 .LBB2_4-.Ltmp1, $3  }
0x36: {  	_ =	sdelay $0x1  }
0x37: {  	_ =	swait.ge [sflag:s17], $0x400  }
0x38: {  	[sflag:s17] =	ssyncset.done $0x0  }
0x39: {  	s20 =	sadd.s32 $0x1, s20  }
0x3a: {  	[sflag:s17] =	ssyncadd.s32 $0xFFFFFC00;
	p0 =	sne.s32 s20, s12  }
.Ltmp2:
0x3b: {  	[bflag:$0x0] =	sbarrier.arrive $0xFFFF;
	(pc) =	sbr.rel @p0 .LBB2_1-.Ltmp2, $4  }
0x3c: {  	[hbm:s11], [sflag:s18] =	dma.local [spmem:s19], $0x4F0  }
0x3d: {  	_ =	swait.ge [sflag:s13], $0x4F0  }
0x3e: {  	[sflag:s13] =	ssyncset.done $0x0  }
0x3f: {  	[sflag:s13] =	ssyncadd.s32 $0xFFFFFB10  }
0x40: {  	_ =	sfence.sel $0x180000  }
0x41: {  	[bflag:$0x0] =	sbarrier.arrive $0xFFFF  }
0x42: {  	p0 =	sne.s32 s0, $0x0;
	_ =	strace $0x90000047  }
0x43: {  	s0 =	sadd.s32 @!p0 $0x100000, s1;
	[bflag:$0x2] =	sbarrier.arrive $0xFFFF  }
0x44: {  	[sflag:s0] =	ssyncadd.tile.s32 @!p0 $0x1;
	_ =	shalt  }
.Lfunc_end2:
_tile_overlayer_lowered:
.L_overlay_start_2:
0x45: {  	(tag) =	ssettag $0x2  }
0x46: {  	s0 =	rddreg [dreg:$0x0];
	s2 =	stileid.u32  }
0x47: {  	s1 =	rddreg [dreg:$0x1];
	p0 =	sne.s32 s2, $0x0  }
0x48: {  	s3 =	rddreg [dreg:$0x2];
	[bflag:$0x3] =	sbarrier.arrive $0xFFFF;
	s2 =	simm.s32 @!p0 $0x1C02  }
0x49: {  	[timem:s3], [sflag:s2] =	dma.local @!p0 [hbm:s0], s1  }
0x4a: {  	s0 =	simm.s32 @!p0 $0x2  }
0x4b: {  	_ =	swait.ge @!p0 [sflag:s0], s1  }
0x4c: {  	s1 =	ssub.s32 @!p0 $0x0, s1;
	[sflag:s0] =	ssyncset.done @!p0 $0x0  }
0x4d: {  	[sflag:s0] =	ssyncadd.s32 @!p0 s1  }
0x4e: {  	[bflag:$0x3] =	sbarrier.arrive $0xFFFF  }
0x4f: {  	_ =	shalt  }

</sc_bundles>
